<compile_context>
chip_gen: v7x
topology: tpu7x:2x2x1
jax: 0.10.2.dev20260603
libtpu: 0.0.44.dev20260713+nightly
codegen_flags: <defaults>
</compile_context>

<pallas_src>
import functools

import jax
import jax.numpy as jnp
from jax import lax
from jax.experimental import pallas as pl
from jax.experimental.pallas import tpu as pltpu
from jax.experimental.pallas import tpu_sc as plsc

N = 10000
NPAD = 10240
F = 128
EMB = 64
E = 320000
NC = 2
NS = 16
NW = NC * NS
EW = 80
EPAD = 327680
ER = EPAD // EW
RPT = ER // NW
TRASH = N + 16
ICR0 = 80
NCH0 = 3
ICR1 = 16
NCH1 = 1
EMBP = 128
NROW_PT = NPAD // NS
NPAD_PT = NPAD // NS

_mesh = plsc.VectorSubcoreMesh(core_axis_name="c", subcore_axis_name="s")


def _wid(cid, sid):
    return cid * NS + sid


@functools.partial(
    pl.kernel,
    out_type=jax.ShapeDtypeStruct((NC * NPAD,), jnp.float32),
    mesh=_mesh,
    scratch_types=[
        pltpu.VMEM_SHARED((NPAD,), jnp.float32),
        pltpu.VMEM((RPT, EW), jnp.int32),
        pltpu.VMEM((NPAD_PT,), jnp.float32),
        pltpu.VMEM((EW,), jnp.float32),
        pltpu.SemaphoreType.DMA,
    ],
)
def _deg_kernel(dst_hbm, out_hbm, acc, dst_v, zbuf, ones_v, ssem):
    cid = lax.axis_index("c")
    sid = lax.axis_index("s")
    wid = _wid(cid, sid)

    def _z(i, _):
        zbuf[pl.ds(i * 16, 16)] = jnp.zeros((16,), jnp.float32)
        return 0
    lax.fori_loop(0, NPAD_PT // 16, _z, 0)
    for k in range(EW // 16):
        ones_v[pl.ds(k * 16, 16)] = jnp.ones((16,), jnp.float32)

    pltpu.sync_copy(zbuf, acc.at[pl.ds(sid * NPAD_PT, NPAD_PT)])
    pltpu.sync_copy(dst_hbm.at[pl.ds(wid * RPT, RPT)], dst_v)
    plsc.subcore_barrier()

    def _body(j, _):
        pltpu.async_copy(ones_v, acc.at[dst_v.at[j]], ssem, add=True)

        @pl.when(j >= 16)
        def _():
            pltpu.make_async_copy(ones_v, acc.at[dst_v.at[j - 16]], ssem).wait()
        return 0
    lax.fori_loop(0, RPT, _body, 0)

    def _drain(j, _):
        pltpu.make_async_copy(ones_v, acc.at[dst_v.at[j]], ssem).wait()
        return 0
    lax.fori_loop(RPT - 16, RPT, _drain, 0)

    plsc.subcore_barrier()
    pltpu.sync_copy(acc.at[pl.ds(sid * NPAD_PT, NPAD_PT)],
                    out_hbm.at[pl.ds(cid * NPAD + sid * NPAD_PT, NPAD_PT)])


@functools.partial(
    pl.kernel,
    out_type=jax.ShapeDtypeStruct((NC, NPAD, EMB), jnp.float32),
    mesh=_mesh,
    scratch_types=[
        pltpu.VMEM_SHARED((NPAD, EMB), jnp.float32),
        pltpu.VMEM((ICR0, EW), jnp.int32),
        pltpu.VMEM((ICR0, EW), jnp.int32),
        [pltpu.VMEM((EW, EMB), jnp.float32) for _ in range(8)],
        [pltpu.SemaphoreType.DMA for _ in range(8)],
        [pltpu.SemaphoreType.DMA for _ in range(8)],
    ],
    compiler_params=pltpu.CompilerParams(use_tc_tiling_on_sc=False),
)
def _gather_add_rows_kernel(src_hbm, dst_hbm, hp_hbm, out_hbm,
                            acc, src_v, dst_v, bufs, gsems, ssems):
    cid = lax.axis_index("c")
    sid = lax.axis_index("s")

    def _z(i, _):
        for k in range(EMB // 16):
            bufs[0][i, pl.ds(k * 16, 16)] = jnp.zeros((16,), jnp.float32)
        return 0
    lax.fori_loop(0, EW, _z, 0)
    for q in range(NROW_PT // EW):
        pltpu.sync_copy(
            bufs[0], acc.at[pl.ds(sid * NROW_PT + q * EW, EW)])

    plsc.subcore_barrier()

    def _run(icr, nch, base):
        def _chunk(c, _):
            pltpu.sync_copy(src_hbm.at[pl.ds(base + c * icr, icr)],
                            src_v.at[pl.ds(0, icr)])
            pltpu.sync_copy(dst_hbm.at[pl.ds(base + c * icr, icr)],
                            dst_v.at[pl.ds(0, icr)])
            for b in range(4):
                pltpu.async_copy(hp_hbm.at[src_v.at[b]], bufs[b], gsems[b])

            def _body(g, _):
                for b in range(8):
                    j = g * 8 + b
                    pltpu.make_async_copy(hp_hbm.at[src_v.at[j]],
                                          bufs[b], gsems[b]).wait()
                    pltpu.async_copy(bufs[b], acc.at[dst_v.at[j]],
                                     ssems[b], add=True)
                    bn = (b + 4) % 8

                    @pl.when(j + 4 < icr)
                    def _():
                        @pl.when(j >= 4)
                        def _():
                            pltpu.make_async_copy(
                                bufs[bn], acc.at[dst_v.at[j - 4]],
                                ssems[bn]).wait()
                        pltpu.async_copy(hp_hbm.at[src_v.at[j + 4]],
                                         bufs[bn], gsems[bn])
                return 0
            lax.fori_loop(0, icr // 8, _body, 0)

            for b in range(8):
                pltpu.make_async_copy(bufs[b], acc.at[dst_v.at[icr - 8 + b]],
                                      ssems[b]).wait()
            return 0
        lax.fori_loop(0, nch, _chunk, 0)

    @pl.when(cid == 0)
    def _():
        _run(ICR0, NCH0, sid * (NCH0 * ICR0))

    @pl.when(cid == 1)
    def _():
        _run(ICR1, NCH1, NS * NCH0 * ICR0 + sid * (NCH1 * ICR1))

    plsc.subcore_barrier()
    pltpu.sync_copy(acc.at[pl.ds(sid * NROW_PT, NROW_PT)],
                    out_hbm.at[cid, pl.ds(sid * NROW_PT, NROW_PT)])


@functools.partial(
    pl.kernel,
    out_type=jax.ShapeDtypeStruct((NC * NPAD,), jnp.float32),
    mesh=_mesh,
    scratch_types=[
        pltpu.VMEM_SHARED((NPAD,), jnp.float32),
        pltpu.VMEM((RPT, EW), jnp.int32),
        pltpu.VMEM((RPT, EW), jnp.int32),
        pltpu.VMEM((N,), jnp.float32),
        pltpu.VMEM((RPT, EW), jnp.float32),
        pltpu.VMEM((NPAD_PT,), jnp.float32),
        pltpu.SemaphoreType.DMA,
    ],
    compiler_params=pltpu.CompilerParams(needs_layout_passes=False),
)
def _gather_add_scalar_kernel(src_hbm, dst_hbm, v_hbm, out_hbm,
                              acc, src_v, dst_v, vfull, data_v, zbuf, ssem):
    cid = lax.axis_index("c")
    sid = lax.axis_index("s")
    wid = _wid(cid, sid)

    def _z(i, _):
        zbuf[pl.ds(i * 16, 16)] = jnp.zeros((16,), jnp.float32)
        return 0
    lax.fori_loop(0, NPAD_PT // 16, _z, 0)
    pltpu.sync_copy(zbuf, acc.at[pl.ds(sid * NPAD_PT, NPAD_PT)])

    pltpu.sync_copy(src_hbm.at[pl.ds(wid * RPT, RPT)], src_v)
    pltpu.sync_copy(dst_hbm.at[pl.ds(wid * RPT, RPT)], dst_v)
    pltpu.sync_copy(v_hbm, vfull)
    plsc.subcore_barrier()

    def _body(j, _):
        for k in range(EW // 16):
            idx = src_v[j, pl.ds(k * 16, 16)]
            data_v[j, pl.ds(k * 16, 16)] = plsc.load_gather(vfull, [idx])
        pltpu.async_copy(data_v.at[j], acc.at[dst_v.at[j]], ssem, add=True)

        @pl.when(j >= 16)
        def _():
            pltpu.make_async_copy(data_v.at[j - 16],
                                  acc.at[dst_v.at[j - 16]], ssem).wait()
        return 0
    lax.fori_loop(0, RPT, _body, 0)

    def _drain(j, _):
        pltpu.make_async_copy(data_v.at[j], acc.at[dst_v.at[j]], ssem).wait()
        return 0
    lax.fori_loop(RPT - 16, RPT, _drain, 0)

    plsc.subcore_barrier()
    pltpu.sync_copy(acc.at[pl.ds(sid * NPAD_PT, NPAD_PT)],
                    out_hbm.at[pl.ds(cid * NPAD + sid * NPAD_PT, NPAD_PT)])


def _b_body(x_ref, w1_ref, degp_ref, hp_ref, dinv_ref):
    degp = degp_ref[...]
    degt = jnp.transpose(degp)[:N, :]
    deg = jnp.sum(degt, axis=1, keepdims=True) + 1.0
    dinv = lax.rsqrt(deg)
    h0 = jnp.dot(x_ref[...], w1_ref[...],
                 preferred_element_type=jnp.float32)
    hp_ref[...] = dinv * h0
    dinv_ref[...] = dinv


def _d_body(p1p_ref, hp_ref, dinv_ref, b1_ref, w2_ref, wm_ref, vp_ref):
    dinv = dinv_ref[...]
    p1 = (p1p_ref[0, :N, :] + p1p_ref[1, :N, :]
          + hp_ref[...])
    h1 = jnp.maximum(dinv * p1 + b1_ref[...][None, :], 0.0)
    w2m = jnp.dot(w2_ref[...], wm_ref[...],
                  preferred_element_type=jnp.float32)
    v = jnp.dot(h1, w2m, preferred_element_type=jnp.float32)
    vp_ref[...] = dinv * v


def _f_body(op_ref, vp_ref, dinv_ref, b2_ref, wm_ref, bm_ref, out_ref):
    op = op_ref[...]
    opt = jnp.transpose(op)[:N, :]
    osum = jnp.sum(opt, axis=1, keepdims=True)
    c = jnp.sum(b2_ref[...][:, None] * wm_ref[...]) + jnp.sum(bm_ref[...])
    out_ref[...] = dinv_ref[...] * (osum + vp_ref[...]) + c


def kernel(x, edge_index, W1, b1, W2, b2, Wm, bm):
    npad_e = EPAD - E
    src = jnp.concatenate(
        [edge_index[0].astype(jnp.int32),
         jnp.zeros((npad_e,), jnp.int32)]).reshape(ER, EW)
    dst = jnp.concatenate(
        [edge_index[1].astype(jnp.int32),
         jnp.full((npad_e,), TRASH, jnp.int32)]).reshape(ER, EW)

    degp = _deg_kernel(dst).reshape(NC, NPAD)

    hp, dinv = pl.pallas_call(
        _b_body,
        out_shape=[jax.ShapeDtypeStruct((N, EMB), jnp.float32),
                   jax.ShapeDtypeStruct((N, 1), jnp.float32)],
    )(x, W1, degp)

    p1p = _gather_add_rows_kernel(src, dst, hp)

    vp = pl.pallas_call(
        _d_body,
        out_shape=jax.ShapeDtypeStruct((N, 1), jnp.float32),
    )(p1p, hp, dinv, b1, W2, Wm)

    op = _gather_add_scalar_kernel(src, dst, vp.reshape(N)).reshape(NC, NPAD)

    logits = pl.pallas_call(
        _f_body,
        out_shape=jax.ShapeDtypeStruct((N, 1), jnp.float32),
    )(op, vp, dinv, b2, Wm, bm)

    return logits.reshape(1, N)

# --- scband reference (transcript-rebuilt; emitter-appended) ---
"""Pipeline reference for scband-actor-6562710028750 (READ-ONLY COPY).

The authoritative reference and input builder live on the scoring server;
editing this copy changes nothing except your own understanding.
"""

import jax, jax.numpy as jnp
import numpy as np

N_NODES = 10000
FEAT_DIM = 128
EMB_DIM = 64
N_EDGES = 320000
NUM_GRAPHS = 1


def setup_inputs(seed: int = 0) -> dict:
    key = jax.random.key(seed)
    k_x, k_e, k_w1, k_w2, k_wm = jax.random.split(key, 5)
    x = jax.random.normal(k_x, (N_NODES, FEAT_DIM), dtype=jnp.float32)
    edge_index = jax.random.randint(k_e, (2, N_EDGES), 0, N_NODES, dtype=jnp.int64)
    # GCNConvNet params: two GCNConv layers (feature_dim->emb, emb->emb)
    W1 = jax.random.normal(k_w1, (FEAT_DIM, EMB_DIM), dtype=jnp.float32) * (1.0 / np.sqrt(FEAT_DIM))
    b1 = jnp.zeros((EMB_DIM,), dtype=jnp.float32)
    W2 = jax.random.normal(k_w2, (EMB_DIM, EMB_DIM), dtype=jnp.float32) * (1.0 / np.sqrt(EMB_DIM))
    b2 = jnp.zeros((EMB_DIM,), dtype=jnp.float32)
    # final MLP: Linear(emb, 1) then Flatten
    Wm = jax.random.normal(k_wm, (EMB_DIM, 1), dtype=jnp.float32) * (1.0 / np.sqrt(EMB_DIM))
    bm = jnp.zeros((1,), dtype=jnp.float32)
    return {"x": x, "edge_index": edge_index, "W1": W1, "b1": b1, "W2": W2, "b2": b2, "Wm": Wm, "bm": bm}


def _gcn_conv(x, src, dst, norm, W, b):
    h = x @ W
    msg = h[src] * norm[:, None]
    out = jnp.zeros((x.shape[0], W.shape[1]), dtype=x.dtype).at[dst].add(msg)
    return out + b


def reference(x, edge_index, W1, b1, W2, b2, Wm, bm):
    N = x.shape[0]
    self_loops = jnp.arange(N, dtype=edge_index.dtype)
    src = jnp.concatenate([edge_index[0], self_loops])
    dst = jnp.concatenate([edge_index[1], self_loops])
    # symmetric GCN normalization 1/sqrt(deg_i * deg_j)
    deg = jnp.zeros((N,), dtype=x.dtype).at[dst].add(1.0)
    dinv = jnp.where(deg > 0, 1.0 / jnp.sqrt(deg), 0.0)
    norm = dinv[src] * dinv[dst]
    h = _gcn_conv(x, src, dst, norm, W1, b1)
    h = jax.nn.relu(h)
    h = _gcn_conv(h, src, dst, norm, W2, b2)
    # reshape to (num_graphs, nodes_per_graph, emb)
    h = h.reshape(NUM_GRAPHS, -1, h.shape[-1])
    # mlp: Linear(emb,1) + Flatten -> logits [num_graphs, nodes_per_graph]
    logits = (h @ Wm + bm)[..., 0]
    return logits

if __name__ == "__main__":
    import jax
    _d = setup_inputs()
    print(jax.jit(kernel)(*tuple(_d.values())))

</pallas_src>

<mosaic_0001>
#map = affine_map<(d0, d1) -> (0, 0)>
#map1 = affine_map<(d0, d1) -> (0)>
module attributes {stable_mosaic.version = 14 : i64} {
  func.func @_deg_kernel(%arg0: i32, %arg1: i32, %arg2: memref<4096x80xi32, #tpu.memory_space<hbm>>, %arg3: memref<20480xf32, #tpu.memory_space<hbm>>, %arg4: memref<10240xf32, #tpu.memory_space<vmem_shared>>, %arg5: memref<128x80xi32, #tpu.memory_space<vmem>>, %arg6: memref<640xf32, #tpu.memory_space<vmem>>, %arg7: memref<80xf32, #tpu.memory_space<vmem>>, %arg8: memref<!tpu.dma_semaphore, #tpu.memory_space<semaphore_mem>>) attributes {dimension_semantics = [#tpu.dimension_semantics<core_parallel>, #tpu.dimension_semantics<subcore_parallel>], iteration_bounds = array<i64: 2, 16>, scalar_prefetch = 0 : i64, scratch_operands = 5 : i64, tpu.core_type = #tpu.core_type<sc_vector_subcore>, window_params = [{transform_indices = #map}, {transform_indices = #map1}]} {
    %mul3A = arith.constant 16 : i32
    %mul3A_0 = arith.muli %arg0, %mul3A : i32
    %add3A = arith.addi %mul3A_0, %arg1 : i32
    %scan3A = arith.constant 0 : i32
    %scan3A_1 = arith.constant 0 : i32
    %scan3A_2 = arith.constant 40 : i32
    %scan3A_3 = arith.addi %scan3A_1, %scan3A_2 : i32
    %scan3A_4 = arith.constant 1 : i32
    %scan3A_5 = scf.for %scan3A_61 = %scan3A_1 to %scan3A_3 step %scan3A_4 iter_args(%scan3A_62 = %scan3A) -> (i32)  : i32 {
      %broadcast_in_dim3A_63 = arith.constant 0.000000e+00 : f32
      %broadcast_in_dim3A_64 = vector.broadcast %broadcast_in_dim3A_63 : f32 to vector<16xf32>
      %mul3A_65 = arith.constant 16 : i32
      %mul3A_66 = arith.muli %scan3A_61, %mul3A_65 : i32
      %swap3A_67 = arith.index_cast %mul3A_66 : i32 to index
      %swap3A_68 = tpu.vector_load %arg6[%swap3A_67] {strides = array<i32>} : memref<640xf32, #tpu.memory_space<vmem>>, vector<16xf32>,
      %swap3A_69 = vector.shape_cast %swap3A_68 : vector<16xf32> to vector<16xf32>
      %swap3A_70 = vector.shape_cast %broadcast_in_dim3A_64 : vector<16xf32> to vector<16xf32>
      tpu.vector_store %arg6[%swap3A_67], %swap3A_70 {strides = array<i32>} : memref<640xf32, #tpu.memory_space<vmem>>, vector<16xf32>,
      %scan3A_71 = arith.constant 0 : i32
      scf.yield %scan3A_71 : i32
    }
    %scan3A_6 = arith.constant 40 : i32
    %broadcast_in_dim3A = arith.constant 1.000000e+00 : f32
    %broadcast_in_dim3A_7 = vector.broadcast %broadcast_in_dim3A : f32 to vector<16xf32>
    %swap3A = arith.constant 0 : index
    %swap3A_8 = tpu.vector_load %arg7[%swap3A] {strides = array<i32>} : memref<80xf32, #tpu.memory_space<vmem>>, vector<16xf32>,
    %swap3A_9 = vector.shape_cast %swap3A_8 : vector<16xf32> to vector<16xf32>
    %swap3A_10 = vector.shape_cast %broadcast_in_dim3A_7 : vector<16xf32> to vector<16xf32>
    tpu.vector_store %arg7[%swap3A], %swap3A_10 {strides = array<i32>} : memref<80xf32, #tpu.memory_space<vmem>>, vector<16xf32>,
    %broadcast_in_dim3A_11 = arith.constant 1.000000e+00 : f32
    %broadcast_in_dim3A_12 = vector.broadcast %broadcast_in_dim3A_11 : f32 to vector<16xf32>
    %swap3A_13 = arith.constant 16 : index
    %swap3A_14 = tpu.vector_load %arg7[%swap3A_13] {strides = array<i32>} : memref<80xf32, #tpu.memory_space<vmem>>, vector<16xf32>,
    %swap3A_15 = vector.shape_cast %swap3A_14 : vector<16xf32> to vector<16xf32>
    %swap3A_16 = vector.shape_cast %broadcast_in_dim3A_12 : vector<16xf32> to vector<16xf32>
    tpu.vector_store %arg7[%swap3A_13], %swap3A_16 {strides = array<i32>} : memref<80xf32, #tpu.memory_space<vmem>>, vector<16xf32>,
    %broadcast_in_dim3A_17 = arith.constant 1.000000e+00 : f32
    %broadcast_in_dim3A_18 = vector.broadcast %broadcast_in_dim3A_17 : f32 to vector<16xf32>
    %swap3A_19 = arith.constant 32 : index
    %swap3A_20 = tpu.vector_load %arg7[%swap3A_19] {strides = array<i32>} : memref<80xf32, #tpu.memory_space<vmem>>, vector<16xf32>,
    %swap3A_21 = vector.shape_cast %swap3A_20 : vector<16xf32> to vector<16xf32>
    %swap3A_22 = vector.shape_cast %broadcast_in_dim3A_18 : vector<16xf32> to vector<16xf32>
    tpu.vector_store %arg7[%swap3A_19], %swap3A_22 {strides = array<i32>} : memref<80xf32, #tpu.memory_space<vmem>>, vector<16xf32>,
    %broadcast_in_dim3A_23 = arith.constant 1.000000e+00 : f32
    %broadcast_in_dim3A_24 = vector.broadcast %broadcast_in_dim3A_23 : f32 to vector<16xf32>
    %swap3A_25 = arith.constant 48 : index
    %swap3A_26 = tpu.vector_load %arg7[%swap3A_25] {strides = array<i32>} : memref<80xf32, #tpu.memory_space<vmem>>, vector<16xf32>,
    %swap3A_27 = vector.shape_cast %swap3A_26 : vector<16xf32> to vector<16xf32>
    %swap3A_28 = vector.shape_cast %broadcast_in_dim3A_24 : vector<16xf32> to vector<16xf32>
    tpu.vector_store %arg7[%swap3A_25], %swap3A_28 {strides = array<i32>} : memref<80xf32, #tpu.memory_space<vmem>>, vector<16xf32>,
    %broadcast_in_dim3A_29 = arith.constant 1.000000e+00 : f32
    %broadcast_in_dim3A_30 = vector.broadcast %broadcast_in_dim3A_29 : f32 to vector<16xf32>
    %swap3A_31 = arith.constant 64 : index
    %swap3A_32 = tpu.vector_load %arg7[%swap3A_31] {strides = array<i32>} : memref<80xf32, #tpu.memory_space<vmem>>, vector<16xf32>,
    %swap3A_33 = vector.shape_cast %swap3A_32 : vector<16xf32> to vector<16xf32>
    %swap3A_34 = vector.shape_cast %broadcast_in_dim3A_30 : vector<16xf32> to vector<16xf32>
    tpu.vector_store %arg7[%swap3A_31], %swap3A_34 {strides = array<i32>} : memref<80xf32, #tpu.memory_space<vmem>>, vector<16xf32>,
    %mul3A_35 = arith.constant 640 : i32
    %mul3A_36 = arith.muli %arg1, %mul3A_35 : i32
    "tpu.region"() ({
      %run_scoped3A = tpu.sem_alloc : memref<!tpu.dma_semaphore, #tpu.memory_space<semaphore_mem>>
      %dma_start3A = tpu.memref_slice %arg4[%mul3A_36] : memref<10240xf32, #tpu.memory_space<vmem_shared>> -> memref<640xf32, #tpu.memory_space<vmem_shared>>
      %dma_start3A_61 = tpu.memref_slice %arg4[%mul3A_36] : memref<10240xf32, #tpu.memory_space<vmem_shared>> -> memref<640xf32, #tpu.memory_space<vmem_shared>>
      tpu.enqueue_dma source(%arg6 : memref<640xf32, #tpu.memory_space<vmem>>) target(%dma_start3A_61 : memref<640xf32, #tpu.memory_space<vmem_shared>>) target_semaphore(%run_scoped3A : memref<!tpu.dma_semaphore, #tpu.memory_space<semaphore_mem>>)
      %dma_wait3A = tpu.memref_slice %arg4[%mul3A_36] : memref<10240xf32, #tpu.memory_space<vmem_shared>> -> memref<640xf32, #tpu.memory_space<vmem_shared>>
      %dma_wait3A_62 = tpu.memref_slice %arg4[%mul3A_36] : memref<10240xf32, #tpu.memory_space<vmem_shared>> -> memref<640xf32, #tpu.memory_space<vmem_shared>>
      tpu.wait_dma2 semaphore(%run_scoped3A : memref<!tpu.dma_semaphore, #tpu.memory_space<semaphore_mem>>) src(%arg6 : memref<640xf32, #tpu.memory_space<vmem>>) dst(%dma_wait3A_62 : memref<640xf32, #tpu.memory_space<vmem_shared>>)
      tpu.yield
    }) : () -> ()
    %mul3A_37 = arith.constant 128 : i32
    %mul3A_38 = arith.muli %add3A, %mul3A_37 : i32
    "tpu.region"() ({
      %run_scoped3A = tpu.sem_alloc : memref<!tpu.dma_semaphore, #tpu.memory_space<semaphore_mem>>
      %dma_start3A = arith.constant 0 : i32
      %dma_start3A_61 = tpu.memref_slice %arg2[%mul3A_38, %dma_start3A] : memref<4096x80xi32, #tpu.memory_space<hbm>> -> memref<128x80xi32, #tpu.memory_space<hbm>>
      %dma_start3A_62 = arith.constant 0 : i32
      %dma_start3A_63 = tpu.memref_slice %arg2[%mul3A_38, %dma_start3A_62] : memref<4096x80xi32, #tpu.memory_space<hbm>> -> memref<128x80xi32, #tpu.memory_space<hbm>>
      tpu.enqueue_dma source(%dma_start3A_63 : memref<128x80xi32, #tpu.memory_space<hbm>>) target(%arg5 : memref<128x80xi32, #tpu.memory_space<vmem>>) target_semaphore(%run_scoped3A : memref<!tpu.dma_semaphore, #tpu.memory_space<semaphore_mem>>)
      %dma_wait3A = arith.constant 0 : i32
      %dma_wait3A_64 = tpu.memref_slice %arg2[%mul3A_38, %dma_wait3A] : memref<4096x80xi32, #tpu.memory_space<hbm>> -> memref<128x80xi32, #tpu.memory_space<hbm>>
      %dma_wait3A_65 = arith.constant 0 : i32
      %dma_wait3A_66 = tpu.memref_slice %arg2[%mul3A_38, %dma_wait3A_65] : memref<4096x80xi32, #tpu.memory_space<hbm>> -> memref<128x80xi32, #tpu.memory_space<hbm>>
      tpu.wait_dma2 semaphore(%run_scoped3A : memref<!tpu.dma_semaphore, #tpu.memory_space<semaphore_mem>>) src(%dma_wait3A_66 : memref<128x80xi32, #tpu.memory_space<hbm>>) dst(%arg5 : memref<128x80xi32, #tpu.memory_space<vmem>>)
      tpu.yield
    }) : () -> ()
    %barrier3A = arith.constant 0 : index
    tpu.barrier barrier_id(%barrier3A)
    %scan3A_39 = arith.constant 0 : i32
    %scan3A_40 = arith.constant 0 : i32
    %scan3A_41 = arith.constant 128 : i32
    %scan3A_42 = arith.addi %scan3A_40, %scan3A_41 : i32
    %scan3A_43 = arith.constant 1 : i32
    %scan3A_44 = scf.for %scan3A_61 = %scan3A_40 to %scan3A_42 step %scan3A_43 iter_args(%scan3A_62 = %scan3A_39) -> (i32)  : i32 {
      %dma_start3A = arith.constant 0 : i32
      %dma_start3A_63 = tpu.memref_slice %arg5[%scan3A_61, %dma_start3A] : memref<128x80xi32, #tpu.memory_space<vmem>> -> memref<1x80xi32, #tpu.memory_space<vmem>>
      %dma_start3A_64 = tpu.memref_squeeze %dma_start3A_63 : memref<1x80xi32, #tpu.memory_space<vmem>> -> memref<80xi32, #tpu.memory_space<vmem>>
      %dma_start3A_65 = arith.constant 0 : i32
      %dma_start3A_66 = tpu.memref_slice %arg4[%dma_start3A_65] : memref<10240xf32, #tpu.memory_space<vmem_shared>> -> memref<10240xf32, #tpu.memory_space<vmem_shared>>
      tpu.enqueue_indirect_dma source(%arg7 : memref<80xf32, #tpu.memory_space<vmem>>) target(%dma_start3A_66 : memref<10240xf32, #tpu.memory_space<vmem_shared>>) offsets(%dma_start3A_64 : memref<80xi32, #tpu.memory_space<vmem>>) semaphore(%arg8 : memref<!tpu.dma_semaphore, #tpu.memory_space<semaphore_mem>>) {add = true}
      %ge3A = arith.constant 16 : i32
      %ge3A_67 = arith.cmpi sge, %scan3A_61, %ge3A : i32
      %convert_element_type3A = arith.extui %ge3A_67 : i1 to i32
      %cond3A = arith.constant 0 : i32
      %cond3A_68 = arith.cmpi ne, %convert_element_type3A, %cond3A : i32
      scf.if %cond3A_68 {
        %sub3A = arith.constant 16 : i32
        %sub3A_70 = arith.subi %scan3A_61, %sub3A : i32
        %dma_wait3A = arith.constant 0 : i32
        %dma_wait3A_71 = tpu.memref_slice %arg5[%sub3A_70, %dma_wait3A] : memref<128x80xi32, #tpu.memory_space<vmem>> -> memref<1x80xi32, #tpu.memory_space<vmem>>
        %dma_wait3A_72 = tpu.memref_squeeze %dma_wait3A_71 : memref<1x80xi32, #tpu.memory_space<vmem>> -> memref<80xi32, #tpu.memory_space<vmem>>
        %dma_wait3A_73 = arith.constant 0 : i32
        %dma_wait3A_74 = tpu.memref_slice %arg4[%dma_wait3A_73] : memref<10240xf32, #tpu.memory_space<vmem_shared>> -> memref<10240xf32, #tpu.memory_space<vmem_shared>>
        tpu.wait_indirect_dma semaphore(%arg8 : memref<!tpu.dma_semaphore, #tpu.memory_space<semaphore_mem>>) src(%arg7 : memref<80xf32, #tpu.memory_space<vmem>>) dst(%dma_wait3A_74 : memref<10240xf32, #tpu.memory_space<vmem_shared>>)
      } else {
      }
      %scan3A_69 = arith.constant 0 : i32
      scf.yield %scan3A_69 : i32
    }
    %scan3A_45 = arith.constant 128 : i32
    %scan3A_46 = arith.constant 0 : i32
    %scan3A_47 = arith.constant 112 : i32
    %scan3A_48 = arith.constant 16 : i32
    %scan3A_49 = arith.addi %scan3A_47, %scan3A_48 : i32
    %scan3A_50 = arith.constant 1 : i32
    %scan3A_51 = scf.for %scan3A_61 = %scan3A_47 to %scan3A_49 step %scan3A_50 iter_args(%scan3A_62 = %scan3A_46) -> (i32)  : i32 {
      %dma_wait3A = arith.constant 0 : i32
      %dma_wait3A_63 = tpu.memref_slice %arg5[%scan3A_61, %dma_wait3A] : memref<128x80xi32, #tpu.memory_space<vmem>> -> memref<1x80xi32, #tpu.memory_space<vmem>>
      %dma_wait3A_64 = tpu.memref_squeeze %dma_wait3A_63 : memref<1x80xi32, #tpu.memory_space<vmem>> -> memref<80xi32, #tpu.memory_space<vmem>>
      %dma_wait3A_65 = arith.constant 0 : i32
      %dma_wait3A_66 = tpu.memref_slice %arg4[%dma_wait3A_65] : memref<10240xf32, #tpu.memory_space<vmem_shared>> -> memref<10240xf32, #tpu.memory_space<vmem_shared>>
      tpu.wait_indirect_dma semaphore(%arg8 : memref<!tpu.dma_semaphore, #tpu.memory_space<semaphore_mem>>) src(%arg7 : memref<80xf32, #tpu.memory_space<vmem>>) dst(%dma_wait3A_66 : memref<10240xf32, #tpu.memory_space<vmem_shared>>)
      %scan3A_67 = arith.constant 0 : i32
      scf.yield %scan3A_67 : i32
    }
    %scan3A_52 = arith.constant 16 : i32
    %barrier3A_53 = arith.constant 0 : index
    tpu.barrier barrier_id(%barrier3A_53)
    %mul3A_54 = arith.constant 640 : i32
    %mul3A_55 = arith.muli %arg1, %mul3A_54 : i32
    %mul3A_56 = arith.constant 10240 : i32
    %mul3A_57 = arith.muli %arg0, %mul3A_56 : i32
    %mul3A_58 = arith.constant 640 : i32
    %mul3A_59 = arith.muli %arg1, %mul3A_58 : i32
    %add3A_60 = arith.addi %mul3A_57, %mul3A_59 : i32
    "tpu.region"() ({
      %run_scoped3A = tpu.sem_alloc : memref<!tpu.dma_semaphore, #tpu.memory_space<semaphore_mem>>
      %dma_start3A = tpu.memref_slice %arg3[%add3A_60] : memref<20480xf32, #tpu.memory_space<hbm>> -> memref<640xf32, #tpu.memory_space<hbm>>
      %dma_start3A_61 = tpu.memref_slice %arg4[%mul3A_55] : memref<10240xf32, #tpu.memory_space<vmem_shared>> -> memref<640xf32, #tpu.memory_space<vmem_shared>>
      tpu.enqueue_dma source(%dma_start3A_61 : memref<640xf32, #tpu.memory_space<vmem_shared>>) target(%dma_start3A : memref<640xf32, #tpu.memory_space<hbm>>) target_semaphore(%run_scoped3A : memref<!tpu.dma_semaphore, #tpu.memory_space<semaphore_mem>>)
      %dma_wait3A = tpu.memref_slice %arg3[%add3A_60] : memref<20480xf32, #tpu.memory_space<hbm>> -> memref<640xf32, #tpu.memory_space<hbm>>
      %dma_wait3A_62 = tpu.memref_slice %arg4[%mul3A_55] : memref<10240xf32, #tpu.memory_space<vmem_shared>> -> memref<640xf32, #tpu.memory_space<vmem_shared>>
      tpu.wait_dma2 semaphore(%run_scoped3A : memref<!tpu.dma_semaphore, #tpu.memory_space<semaphore_mem>>) src(%dma_wait3A_62 : memref<640xf32, #tpu.memory_space<vmem_shared>>) dst(%dma_wait3A : memref<640xf32, #tpu.memory_space<hbm>>)
      tpu.yield
    }) : () -> ()
    return
  }
}

#map = affine_map<(d0, d1) -> (0, 0)>
#map1 = affine_map<(d0, d1) -> (0)>
module attributes {stable_mosaic.version = 14 : i64} {
  func.func @_gather_add_scalar_kernel(%arg0: i32, %arg1: i32, %arg2: memref<4096x80xi32, #tpu.memory_space<hbm>>, %arg3: memref<4096x80xi32, #tpu.memory_space<hbm>>, %arg4: memref<10000xf32, #tpu.memory_space<hbm>>, %arg5: memref<20480xf32, #tpu.memory_space<hbm>>, %arg6: memref<10240xf32, #tpu.memory_space<vmem_shared>>, %arg7: memref<128x80xi32, #tpu.memory_space<vmem>>, %arg8: memref<128x80xi32, #tpu.memory_space<vmem>>, %arg9: memref<10000xf32, #tpu.memory_space<vmem>>, %arg10: memref<128x80xf32, #tpu.memory_space<vmem>>, %arg11: memref<640xf32, #tpu.memory_space<vmem>>, %arg12: memref<!tpu.dma_semaphore, #tpu.memory_space<semaphore_mem>>) attributes {dimension_semantics = [#tpu.dimension_semantics<core_parallel>, #tpu.dimension_semantics<subcore_parallel>], iteration_bounds = array<i64: 2, 16>, scalar_prefetch = 0 : i64, scratch_operands = 7 : i64, tpu.core_type = #tpu.core_type<sc_vector_subcore>, window_params = [{transform_indices = #map}, {transform_indices = #map}, {transform_indices = #map1}, {transform_indices = #map1}]} {
    %mul3A = arith.constant 16 : i32
    %mul3A_0 = arith.muli %arg0, %mul3A : i32
    %add3A = arith.addi %mul3A_0, %arg1 : i32
    %scan3A = arith.constant 0 : i32
    %scan3A_1 = arith.constant 0 : i32
    %scan3A_2 = arith.constant 40 : i32
    %scan3A_3 = arith.addi %scan3A_1, %scan3A_2 : i32
    %scan3A_4 = arith.constant 1 : i32
    %scan3A_5 = scf.for %scan3A_35 = %scan3A_1 to %scan3A_3 step %scan3A_4 iter_args(%scan3A_36 = %scan3A) -> (i32)  : i32 {
      %broadcast_in_dim3A = arith.constant 0.000000e+00 : f32
      %broadcast_in_dim3A_37 = vector.broadcast %broadcast_in_dim3A : f32 to vector<16xf32>
      %mul3A_38 = arith.constant 16 : i32
      %mul3A_39 = arith.muli %scan3A_35, %mul3A_38 : i32
      %swap3A = arith.index_cast %mul3A_39 : i32 to index
      %swap3A_40 = tpu.vector_load %arg11[%swap3A] {strides = array<i32>} : memref<640xf32, #tpu.memory_space<vmem>>, vector<16xf32>,
      %swap3A_41 = vector.shape_cast %swap3A_40 : vector<16xf32> to vector<16xf32>
      %swap3A_42 = vector.shape_cast %broadcast_in_dim3A_37 : vector<16xf32> to vector<16xf32>
      tpu.vector_store %arg11[%swap3A], %swap3A_42 {strides = array<i32>} : memref<640xf32, #tpu.memory_space<vmem>>, vector<16xf32>,
      %scan3A_43 = arith.constant 0 : i32
      scf.yield %scan3A_43 : i32
    }
    %scan3A_6 = arith.constant 40 : i32
    %mul3A_7 = arith.constant 640 : i32
    %mul3A_8 = arith.muli %arg1, %mul3A_7 : i32
    "tpu.region"() ({
      %run_scoped3A = tpu.sem_alloc : memref<!tpu.dma_semaphore, #tpu.memory_space<semaphore_mem>>
      %dma_start3A = tpu.memref_slice %arg6[%mul3A_8] : memref<10240xf32, #tpu.memory_space<vmem_shared>> -> memref<640xf32, #tpu.memory_space<vmem_shared>>
      %dma_start3A_35 = tpu.memref_slice %arg6[%mul3A_8] : memref<10240xf32, #tpu.memory_space<vmem_shared>> -> memref<640xf32, #tpu.memory_space<vmem_shared>>
      tpu.enqueue_dma source(%arg11 : memref<640xf32, #tpu.memory_space<vmem>>) target(%dma_start3A_35 : memref<640xf32, #tpu.memory_space<vmem_shared>>) target_semaphore(%run_scoped3A : memref<!tpu.dma_semaphore, #tpu.memory_space<semaphore_mem>>)
      %dma_wait3A = tpu.memref_slice %arg6[%mul3A_8] : memref<10240xf32, #tpu.memory_space<vmem_shared>> -> memref<640xf32, #tpu.memory_space<vmem_shared>>
      %dma_wait3A_36 = tpu.memref_slice %arg6[%mul3A_8] : memref<10240xf32, #tpu.memory_space<vmem_shared>> -> memref<640xf32, #tpu.memory_space<vmem_shared>>
      tpu.wait_dma2 semaphore(%run_scoped3A : memref<!tpu.dma_semaphore, #tpu.memory_space<semaphore_mem>>) src(%arg11 : memref<640xf32, #tpu.memory_space<vmem>>) dst(%dma_wait3A_36 : memref<640xf32, #tpu.memory_space<vmem_shared>>)
      tpu.yield
    }) : () -> ()
    %mul3A_9 = arith.constant 128 : i32
    %mul3A_10 = arith.muli %add3A, %mul3A_9 : i32
    "tpu.region"() ({
      %run_scoped3A = tpu.sem_alloc : memref<!tpu.dma_semaphore, #tpu.memory_space<semaphore_mem>>
      %dma_start3A = arith.constant 0 : i32
      %dma_start3A_35 = tpu.memref_slice %arg2[%mul3A_10, %dma_start3A] : memref<4096x80xi32, #tpu.memory_space<hbm>> -> memref<128x80xi32, #tpu.memory_space<hbm>>
      %dma_start3A_36 = arith.constant 0 : i32
      %dma_start3A_37 = tpu.memref_slice %arg2[%mul3A_10, %dma_start3A_36] : memref<4096x80xi32, #tpu.memory_space<hbm>> -> memref<128x80xi32, #tpu.memory_space<hbm>>
      tpu.enqueue_dma source(%dma_start3A_37 : memref<128x80xi32, #tpu.memory_space<hbm>>) target(%arg7 : memref<128x80xi32, #tpu.memory_space<vmem>>) target_semaphore(%run_scoped3A : memref<!tpu.dma_semaphore, #tpu.memory_space<semaphore_mem>>)
      %dma_wait3A = arith.constant 0 : i32
      %dma_wait3A_38 = tpu.memref_slice %arg2[%mul3A_10, %dma_wait3A] : memref<4096x80xi32, #tpu.memory_space<hbm>> -> memref<128x80xi32, #tpu.memory_space<hbm>>
      %dma_wait3A_39 = arith.constant 0 : i32
      %dma_wait3A_40 = tpu.memref_slice %arg2[%mul3A_10, %dma_wait3A_39] : memref<4096x80xi32, #tpu.memory_space<hbm>> -> memref<128x80xi32, #tpu.memory_space<hbm>>
      tpu.wait_dma2 semaphore(%run_scoped3A : memref<!tpu.dma_semaphore, #tpu.memory_space<semaphore_mem>>) src(%dma_wait3A_40 : memref<128x80xi32, #tpu.memory_space<hbm>>) dst(%arg7 : memref<128x80xi32, #tpu.memory_space<vmem>>)
      tpu.yield
    }) : () -> ()
    %mul3A_11 = arith.constant 128 : i32
    %mul3A_12 = arith.muli %add3A, %mul3A_11 : i32
    "tpu.region"() ({
      %run_scoped3A = tpu.sem_alloc : memref<!tpu.dma_semaphore, #tpu.memory_space<semaphore_mem>>
      %dma_start3A = arith.constant 0 : i32
      %dma_start3A_35 = tpu.memref_slice %arg3[%mul3A_12, %dma_start3A] : memref<4096x80xi32, #tpu.memory_space<hbm>> -> memref<128x80xi32, #tpu.memory_space<hbm>>
      %dma_start3A_36 = arith.constant 0 : i32
      %dma_start3A_37 = tpu.memref_slice %arg3[%mul3A_12, %dma_start3A_36] : memref<4096x80xi32, #tpu.memory_space<hbm>> -> memref<128x80xi32, #tpu.memory_space<hbm>>
      tpu.enqueue_dma source(%dma_start3A_37 : memref<128x80xi32, #tpu.memory_space<hbm>>) target(%arg8 : memref<128x80xi32, #tpu.memory_space<vmem>>) target_semaphore(%run_scoped3A : memref<!tpu.dma_semaphore, #tpu.memory_space<semaphore_mem>>)
      %dma_wait3A = arith.constant 0 : i32
      %dma_wait3A_38 = tpu.memref_slice %arg3[%mul3A_12, %dma_wait3A] : memref<4096x80xi32, #tpu.memory_space<hbm>> -> memref<128x80xi32, #tpu.memory_space<hbm>>
      %dma_wait3A_39 = arith.constant 0 : i32
      %dma_wait3A_40 = tpu.memref_slice %arg3[%mul3A_12, %dma_wait3A_39] : memref<4096x80xi32, #tpu.memory_space<hbm>> -> memref<128x80xi32, #tpu.memory_space<hbm>>
      tpu.wait_dma2 semaphore(%run_scoped3A : memref<!tpu.dma_semaphore, #tpu.memory_space<semaphore_mem>>) src(%dma_wait3A_40 : memref<128x80xi32, #tpu.memory_space<hbm>>) dst(%arg8 : memref<128x80xi32, #tpu.memory_space<vmem>>)
      tpu.yield
    }) : () -> ()
    "tpu.region"() ({
      %run_scoped3A = tpu.sem_alloc : memref<!tpu.dma_semaphore, #tpu.memory_space<semaphore_mem>>
      tpu.enqueue_dma source(%arg4 : memref<10000xf32, #tpu.memory_space<hbm>>) target(%arg9 : memref<10000xf32, #tpu.memory_space<vmem>>) target_semaphore(%run_scoped3A : memref<!tpu.dma_semaphore, #tpu.memory_space<semaphore_mem>>)
      tpu.wait_dma2 semaphore(%run_scoped3A : memref<!tpu.dma_semaphore, #tpu.memory_space<semaphore_mem>>) src(%arg4 : memref<10000xf32, #tpu.memory_space<hbm>>) dst(%arg9 : memref<10000xf32, #tpu.memory_space<vmem>>)
      tpu.yield
    }) : () -> ()
    %barrier3A = arith.constant 0 : index
    tpu.barrier barrier_id(%barrier3A)
    %scan3A_13 = arith.constant 0 : i32
    %scan3A_14 = arith.constant 0 : i32
    %scan3A_15 = arith.constant 128 : i32
    %scan3A_16 = arith.addi %scan3A_14, %scan3A_15 : i32
    %scan3A_17 = arith.constant 1 : i32
    %scan3A_18 = scf.for %scan3A_35 = %scan3A_14 to %scan3A_16 step %scan3A_17 iter_args(%scan3A_36 = %scan3A_13) -> (i32)  : i32 {
      %get3A = arith.index_cast %scan3A_35 : i32 to index
      %get3A_37 = arith.constant 0 : index
      %get3A_38 = tpu.vector_load %arg7[%get3A, %get3A_37] {strides = array<i32>} : memref<128x80xi32, #tpu.memory_space<vmem>>, vector<16xi32>,
      %gather3A = tpu.vector_load_idx %arg9[%get3A_38] : memref<10000xf32, #tpu.memory_space<vmem>>[vector<16xi32>], vector<16xf32>,
      %swap3A = arith.index_cast %scan3A_35 : i32 to index
      %swap3A_39 = arith.constant 0 : index
      %swap3A_40 = tpu.vector_load %arg10[%swap3A, %swap3A_39] {strides = array<i32>} : memref<128x80xf32, #tpu.memory_space<vmem>>, vector<16xf32>,
      tpu.vector_store %arg10[%swap3A, %swap3A_39], %gather3A {strides = array<i32>} : memref<128x80xf32, #tpu.memory_space<vmem>>, vector<16xf32>,
      %get3A_41 = arith.index_cast %scan3A_35 : i32 to index
      %get3A_42 = arith.constant 16 : index
      %get3A_43 = tpu.vector_load %arg7[%get3A_41, %get3A_42] {strides = array<i32>} : memref<128x80xi32, #tpu.memory_space<vmem>>, vector<16xi32>,
      %gather3A_44 = tpu.vector_load_idx %arg9[%get3A_43] : memref<10000xf32, #tpu.memory_space<vmem>>[vector<16xi32>], vector<16xf32>,
      %swap3A_45 = arith.index_cast %scan3A_35 : i32 to index
      %swap3A_46 = arith.constant 16 : index
      %swap3A_47 = tpu.vector_load %arg10[%swap3A_45, %swap3A_46] {strides = array<i32>} : memref<128x80xf32, #tpu.memory_space<vmem>>, vector<16xf32>,
      tpu.vector_store %arg10[%swap3A_45, %swap3A_46], %gather3A_44 {strides = array<i32>} : memref<128x80xf32, #tpu.memory_space<vmem>>, vector<16xf32>,
      %get3A_48 = arith.index_cast %scan3A_35 : i32 to index
      %get3A_49 = arith.constant 32 : index
      %get3A_50 = tpu.vector_load %arg7[%get3A_48, %get3A_49] {strides = array<i32>} : memref<128x80xi32, #tpu.memory_space<vmem>>, vector<16xi32>,
      %gather3A_51 = tpu.vector_load_idx %arg9[%get3A_50] : memref<10000xf32, #tpu.memory_space<vmem>>[vector<16xi32>], vector<16xf32>,
      %swap3A_52 = arith.index_cast %scan3A_35 : i32 to index
      %swap3A_53 = arith.constant 32 : index
      %swap3A_54 = tpu.vector_load %arg10[%swap3A_52, %swap3A_53] {strides = array<i32>} : memref<128x80xf32, #tpu.memory_space<vmem>>, vector<16xf32>,
      tpu.vector_store %arg10[%swap3A_52, %swap3A_53], %gather3A_51 {strides = array<i32>} : memref<128x80xf32, #tpu.memory_space<vmem>>, vector<16xf32>,
      %get3A_55 = arith.index_cast %scan3A_35 : i32 to index
      %get3A_56 = arith.constant 48 : index
      %get3A_57 = tpu.vector_load %arg7[%get3A_55, %get3A_56] {strides = array<i32>} : memref<128x80xi32, #tpu.memory_space<vmem>>, vector<16xi32>,
      %gather3A_58 = tpu.vector_load_idx %arg9[%get3A_57] : memref<10000xf32, #tpu.memory_space<vmem>>[vector<16xi32>], vector<16xf32>,
      %swap3A_59 = arith.index_cast %scan3A_35 : i32 to index
      %swap3A_60 = arith.constant 48 : index
      %swap3A_61 = tpu.vector_load %arg10[%swap3A_59, %swap3A_60] {strides = array<i32>} : memref<128x80xf32, #tpu.memory_space<vmem>>, vector<16xf32>,
      tpu.vector_store %arg10[%swap3A_59, %swap3A_60], %gather3A_58 {strides = array<i32>} : memref<128x80xf32, #tpu.memory_space<vmem>>, vector<16xf32>,
      %get3A_62 = arith.index_cast %scan3A_35 : i32 to index
      %get3A_63 = arith.constant 64 : index
      %get3A_64 = tpu.vector_load %arg7[%get3A_62, %get3A_63] {strides = array<i32>} : memref<128x80xi32, #tpu.memory_space<vmem>>, vector<16xi32>,
      %gather3A_65 = tpu.vector_load_idx %arg9[%get3A_64] : memref<10000xf32, #tpu.memory_space<vmem>>[vector<16xi32>], vector<16xf32>,
      %swap3A_66 = arith.index_cast %scan3A_35 : i32 to index
      %swap3A_67 = arith.constant 64 : index
      %swap3A_68 = tpu.vector_load %arg10[%swap3A_66, %swap3A_67] {strides = array<i32>} : memref<128x80xf32, #tpu.memory_space<vmem>>, vector<16xf32>,
      tpu.vector_store %arg10[%swap3A_66, %swap3A_67], %gather3A_65 {strides = array<i32>} : memref<128x80xf32, #tpu.memory_space<vmem>>, vector<16xf32>,
      %dma_start3A = arith.constant 0 : i32
      %dma_start3A_69 = tpu.memref_slice %arg10[%scan3A_35, %dma_start3A] : memref<128x80xf32, #tpu.memory_space<vmem>> -> memref<1x80xf32, #tpu.memory_space<vmem>>
      %dma_start3A_70 = tpu.memref_squeeze %dma_start3A_69 : memref<1x80xf32, #tpu.memory_space<vmem>> -> memref<80xf32, #tpu.memory_space<vmem>>
      %dma_start3A_71 = arith.constant 0 : i32
      %dma_start3A_72 = tpu.memref_slice %arg8[%scan3A_35, %dma_start3A_71] : memref<128x80xi32, #tpu.memory_space<vmem>> -> memref<1x80xi32, #tpu.memory_space<vmem>>
      %dma_start3A_73 = tpu.memref_squeeze %dma_start3A_72 : memref<1x80xi32, #tpu.memory_space<vmem>> -> memref<80xi32, #tpu.memory_space<vmem>>
      %dma_start3A_74 = arith.constant 0 : i32
      %dma_start3A_75 = tpu.memref_slice %arg6[%dma_start3A_74] : memref<10240xf32, #tpu.memory_space<vmem_shared>> -> memref<10240xf32, #tpu.memory_space<vmem_shared>>
      tpu.enqueue_indirect_dma source(%dma_start3A_70 : memref<80xf32, #tpu.memory_space<vmem>>) target(%dma_start3A_75 : memref<10240xf32, #tpu.memory_space<vmem_shared>>) offsets(%dma_start3A_73 : memref<80xi32, #tpu.memory_space<vmem>>) semaphore(%arg12 : memref<!tpu.dma_semaphore, #tpu.memory_space<semaphore_mem>>) {add = true}
      %ge3A = arith.constant 16 : i32
      %ge3A_76 = arith.cmpi sge, %scan3A_35, %ge3A : i32
      %convert_element_type3A = arith.extui %ge3A_76 : i1 to i32
      %cond3A = arith.constant 0 : i32
      %cond3A_77 = arith.cmpi ne, %convert_element_type3A, %cond3A : i32
      scf.if %cond3A_77 {
        %sub3A = arith.constant 16 : i32
        %sub3A_79 = arith.subi %scan3A_35, %sub3A : i32
        %sub3A_80 = arith.constant 16 : i32
        %sub3A_81 = arith.subi %scan3A_35, %sub3A_80 : i32
        %dma_wait3A = arith.constant 0 : i32
        %dma_wait3A_82 = tpu.memref_slice %arg10[%sub3A_79, %dma_wait3A] : memref<128x80xf32, #tpu.memory_space<vmem>> -> memref<1x80xf32, #tpu.memory_space<vmem>>
        %dma_wait3A_83 = tpu.memref_squeeze %dma_wait3A_82 : memref<1x80xf32, #tpu.memory_space<vmem>> -> memref<80xf32, #tpu.memory_space<vmem>>
        %dma_wait3A_84 = arith.constant 0 : i32
        %dma_wait3A_85 = tpu.memref_slice %arg8[%sub3A_81, %dma_wait3A_84] : memref<128x80xi32, #tpu.memory_space<vmem>> -> memref<1x80xi32, #tpu.memory_space<vmem>>
        %dma_wait3A_86 = tpu.memref_squeeze %dma_wait3A_85 : memref<1x80xi32, #tpu.memory_space<vmem>> -> memref<80xi32, #tpu.memory_space<vmem>>
        %dma_wait3A_87 = arith.constant 0 : i32
        %dma_wait3A_88 = tpu.memref_slice %arg6[%dma_wait3A_87] : memref<10240xf32, #tpu.memory_space<vmem_shared>> -> memref<10240xf32, #tpu.memory_space<vmem_shared>>
        tpu.wait_indirect_dma semaphore(%arg12 : memref<!tpu.dma_semaphore, #tpu.memory_space<semaphore_mem>>) src(%dma_wait3A_83 : memref<80xf32, #tpu.memory_space<vmem>>) dst(%dma_wait3A_88 : memref<10240xf32, #tpu.memory_space<vmem_shared>>)
      } else {
      }
      %scan3A_78 = arith.constant 0 : i32
      scf.yield %scan3A_78 : i32
    }
    %scan3A_19 = arith.constant 128 : i32
    %scan3A_20 = arith.constant 0 : i32
    %scan3A_21 = arith.constant 112 : i32
    %scan3A_22 = arith.constant 16 : i32
    %scan3A_23 = arith.addi %scan3A_21, %scan3A_22 : i32
    %scan3A_24 = arith.constant 1 : i32
    %scan3A_25 = scf.for %scan3A_35 = %scan3A_21 to %scan3A_23 step %scan3A_24 iter_args(%scan3A_36 = %scan3A_20) -> (i32)  : i32 {
      %dma_wait3A = arith.constant 0 : i32
      %dma_wait3A_37 = tpu.memref_slice %arg10[%scan3A_35, %dma_wait3A] : memref<128x80xf32, #tpu.memory_space<vmem>> -> memref<1x80xf32, #tpu.memory_space<vmem>>
      %dma_wait3A_38 = tpu.memref_squeeze %dma_wait3A_37 : memref<1x80xf32, #tpu.memory_space<vmem>> -> memref<80xf32, #tpu.memory_space<vmem>>
      %dma_wait3A_39 = arith.constant 0 : i32
      %dma_wait3A_40 = tpu.memref_slice %arg8[%scan3A_35, %dma_wait3A_39] : memref<128x80xi32, #tpu.memory_space<vmem>> -> memref<1x80xi32, #tpu.memory_space<vmem>>
      %dma_wait3A_41 = tpu.memref_squeeze %dma_wait3A_40 : memref<1x80xi32, #tpu.memory_space<vmem>> -> memref<80xi32, #tpu.memory_space<vmem>>
      %dma_wait3A_42 = arith.constant 0 : i32
      %dma_wait3A_43 = tpu.memref_slice %arg6[%dma_wait3A_42] : memref<10240xf32, #tpu.memory_space<vmem_shared>> -> memref<10240xf32, #tpu.memory_space<vmem_shared>>
      tpu.wait_indirect_dma semaphore(%arg12 : memref<!tpu.dma_semaphore, #tpu.memory_space<semaphore_mem>>) src(%dma_wait3A_38 : memref<80xf32, #tpu.memory_space<vmem>>) dst(%dma_wait3A_43 : memref<10240xf32, #tpu.memory_space<vmem_shared>>)
      %scan3A_44 = arith.constant 0 : i32
      scf.yield %scan3A_44 : i32
    }
    %scan3A_26 = arith.constant 16 : i32
    %barrier3A_27 = arith.constant 0 : index
    tpu.barrier barrier_id(%barrier3A_27)
    %mul3A_28 = arith.constant 640 : i32
    %mul3A_29 = arith.muli %arg1, %mul3A_28 : i32
    %mul3A_30 = arith.constant 10240 : i32
    %mul3A_31 = arith.muli %arg0, %mul3A_30 : i32
    %mul3A_32 = arith.constant 640 : i32
    %mul3A_33 = arith.muli %arg1, %mul3A_32 : i32
    %add3A_34 = arith.addi %mul3A_31, %mul3A_33 : i32
    "tpu.region"() ({
      %run_scoped3A = tpu.sem_alloc : memref<!tpu.dma_semaphore, #tpu.memory_space<semaphore_mem>>
      %dma_start3A = tpu.memref_slice %arg5[%add3A_34] : memref<20480xf32, #tpu.memory_space<hbm>> -> memref<640xf32, #tpu.memory_space<hbm>>
      %dma_start3A_35 = tpu.memref_slice %arg6[%mul3A_29] : memref<10240xf32, #tpu.memory_space<vmem_shared>> -> memref<640xf32, #tpu.memory_space<vmem_shared>>
      tpu.enqueue_dma source(%dma_start3A_35 : memref<640xf32, #tpu.memory_space<vmem_shared>>) target(%dma_start3A : memref<640xf32, #tpu.memory_space<hbm>>) target_semaphore(%run_scoped3A : memref<!tpu.dma_semaphore, #tpu.memory_space<semaphore_mem>>)
      %dma_wait3A = tpu.memref_slice %arg5[%add3A_34] : memref<20480xf32, #tpu.memory_space<hbm>> -> memref<640xf32, #tpu.memory_space<hbm>>
      %dma_wait3A_36 = tpu.memref_slice %arg6[%mul3A_29] : memref<10240xf32, #tpu.memory_space<vmem_shared>> -> memref<640xf32, #tpu.memory_space<vmem_shared>>
      tpu.wait_dma2 semaphore(%run_scoped3A : memref<!tpu.dma_semaphore, #tpu.memory_space<semaphore_mem>>) src(%dma_wait3A_36 : memref<640xf32, #tpu.memory_space<vmem_shared>>) dst(%dma_wait3A : memref<640xf32, #tpu.memory_space<hbm>>)
      tpu.yield
    }) : () -> ()
    return
  }
}

#map = affine_map<(d0, d1) -> (0, 0)>
#map1 = affine_map<(d0, d1) -> (0, 0, 0)>
module attributes {stable_mosaic.version = 14 : i64} {
  func.func @_gather_add_rows_kernel(%arg0: i32, %arg1: i32, %arg2: memref<4096x80xi32, #tpu.memory_space<hbm>>, %arg3: memref<4096x80xi32, #tpu.memory_space<hbm>>, %arg4: memref<10000x64xf32, #tpu.memory_space<hbm>>, %arg5: memref<2x10240x64xf32, #tpu.memory_space<hbm>>, %arg6: memref<10240x64xf32, #tpu.memory_space<vmem_shared>>, %arg7: memref<80x80xi32, #tpu.memory_space<vmem>>, %arg8: memref<80x80xi32, #tpu.memory_space<vmem>>, %arg9: memref<80x64xf32, #tpu.memory_space<vmem>>, %arg10: memref<80x64xf32, #tpu.memory_space<vmem>>, %arg11: memref<80x64xf32, #tpu.memory_space<vmem>>, %arg12: memref<80x64xf32, #tpu.memory_space<vmem>>, %arg13: memref<80x64xf32, #tpu.memory_space<vmem>>, %arg14: memref<80x64xf32, #tpu.memory_space<vmem>>, %arg15: memref<80x64xf32, #tpu.memory_space<vmem>>, %arg16: memref<80x64xf32, #tpu.memory_space<vmem>>, %arg17: memref<!tpu.dma_semaphore, #tpu.memory_space<semaphore_mem>>, %arg18: memref<!tpu.dma_semaphore, #tpu.memory_space<semaphore_mem>>, %arg19: memref<!tpu.dma_semaphore, #tpu.memory_space<semaphore_mem>>, %arg20: memref<!tpu.dma_semaphore, #tpu.memory_space<semaphore_mem>>, %arg21: memref<!tpu.dma_semaphore, #tpu.memory_space<semaphore_mem>>, %arg22: memref<!tpu.dma_semaphore, #tpu.memory_space<semaphore_mem>>, %arg23: memref<!tpu.dma_semaphore, #tpu.memory_space<semaphore_mem>>, %arg24: memref<!tpu.dma_semaphore, #tpu.memory_space<semaphore_mem>>, %arg25: memref<!tpu.dma_semaphore, #tpu.memory_space<semaphore_mem>>, %arg26: memref<!tpu.dma_semaphore, #tpu.memory_space<semaphore_mem>>, %arg27: memref<!tpu.dma_semaphore, #tpu.memory_space<semaphore_mem>>, %arg28: memref<!tpu.dma_semaphore, #tpu.memory_space<semaphore_mem>>, %arg29: memref<!tpu.dma_semaphore, #tpu.memory_space<semaphore_mem>>, %arg30: memref<!tpu.dma_semaphore, #tpu.memory_space<semaphore_mem>>, %arg31: memref<!tpu.dma_semaphore, #tpu.memory_space<semaphore_mem>>, %arg32: memref<!tpu.dma_semaphore, #tpu.memory_space<semaphore_mem>>) attributes {dimension_semantics = [#tpu.dimension_semantics<core_parallel>, #tpu.dimension_semantics<subcore_parallel>], iteration_bounds = array<i64: 2, 16>, scalar_prefetch = 0 : i64, scratch_operands = 27 : i64, tpu.core_type = #tpu.core_type<sc_vector_subcore>, window_params = [{transform_indices = #map}, {transform_indices = #map}, {transform_indices = #map}, {transform_indices = #map1}]} {
    %scan3A = arith.constant 0 : i32
    %scan3A_0 = arith.constant 0 : i32
    %scan3A_1 = arith.constant 80 : i32
    %scan3A_2 = arith.addi %scan3A_0, %scan3A_1 : i32
    %scan3A_3 = arith.constant 1 : i32
    %scan3A_4 = scf.for %scan3A_48 = %scan3A_0 to %scan3A_2 step %scan3A_3 iter_args(%scan3A_49 = %scan3A) -> (i32)  : i32 {
      %broadcast_in_dim3A = arith.constant 0.000000e+00 : f32
      %broadcast_in_dim3A_50 = vector.broadcast %broadcast_in_dim3A : f32 to vector<16xf32>
      %swap3A = arith.index_cast %scan3A_48 : i32 to index
      %swap3A_51 = arith.constant 0 : index
      %swap3A_52 = tpu.vector_load %arg9[%swap3A, %swap3A_51] {strides = array<i32>} : memref<80x64xf32, #tpu.memory_space<vmem>>, vector<1x16xf32>,
      %swap3A_53 = vector.shape_cast %swap3A_52 : vector<1x16xf32> to vector<16xf32>
      %swap3A_54 = vector.shape_cast %broadcast_in_dim3A_50 : vector<16xf32> to vector<1x16xf32>
      tpu.vector_store %arg9[%swap3A, %swap3A_51], %swap3A_54 {strides = array<i32>} : memref<80x64xf32, #tpu.memory_space<vmem>>, vector<1x16xf32>,
      %broadcast_in_dim3A_55 = arith.constant 0.000000e+00 : f32
      %broadcast_in_dim3A_56 = vector.broadcast %broadcast_in_dim3A_55 : f32 to vector<16xf32>
      %swap3A_57 = arith.index_cast %scan3A_48 : i32 to index
      %swap3A_58 = arith.constant 16 : index
      %swap3A_59 = tpu.vector_load %arg9[%swap3A_57, %swap3A_58] {strides = array<i32>} : memref<80x64xf32, #tpu.memory_space<vmem>>, vector<1x16xf32>,
      %swap3A_60 = vector.shape_cast %swap3A_59 : vector<1x16xf32> to vector<16xf32>
      %swap3A_61 = vector.shape_cast %broadcast_in_dim3A_56 : vector<16xf32> to vector<1x16xf32>
      tpu.vector_store %arg9[%swap3A_57, %swap3A_58], %swap3A_61 {strides = array<i32>} : memref<80x64xf32, #tpu.memory_space<vmem>>, vector<1x16xf32>,
      %broadcast_in_dim3A_62 = arith.constant 0.000000e+00 : f32
      %broadcast_in_dim3A_63 = vector.broadcast %broadcast_in_dim3A_62 : f32 to vector<16xf32>
      %swap3A_64 = arith.index_cast %scan3A_48 : i32 to index
      %swap3A_65 = arith.constant 32 : index
      %swap3A_66 = tpu.vector_load %arg9[%swap3A_64, %swap3A_65] {strides = array<i32>} : memref<80x64xf32, #tpu.memory_space<vmem>>, vector<1x16xf32>,
      %swap3A_67 = vector.shape_cast %swap3A_66 : vector<1x16xf32> to vector<16xf32>
      %swap3A_68 = vector.shape_cast %broadcast_in_dim3A_63 : vector<16xf32> to vector<1x16xf32>
      tpu.vector_store %arg9[%swap3A_64, %swap3A_65], %swap3A_68 {strides = array<i32>} : memref<80x64xf32, #tpu.memory_space<vmem>>, vector<1x16xf32>,
      %broadcast_in_dim3A_69 = arith.constant 0.000000e+00 : f32
      %broadcast_in_dim3A_70 = vector.broadcast %broadcast_in_dim3A_69 : f32 to vector<16xf32>
      %swap3A_71 = arith.index_cast %scan3A_48 : i32 to index
      %swap3A_72 = arith.constant 48 : index
      %swap3A_73 = tpu.vector_load %arg9[%swap3A_71, %swap3A_72] {strides = array<i32>} : memref<80x64xf32, #tpu.memory_space<vmem>>, vector<1x16xf32>,
      %swap3A_74 = vector.shape_cast %swap3A_73 : vector<1x16xf32> to vector<16xf32>
      %swap3A_75 = vector.shape_cast %broadcast_in_dim3A_70 : vector<16xf32> to vector<1x16xf32>
      tpu.vector_store %arg9[%swap3A_71, %swap3A_72], %swap3A_75 {strides = array<i32>} : memref<80x64xf32, #tpu.memory_space<vmem>>, vector<1x16xf32>,
      %scan3A_76 = arith.constant 0 : i32
      scf.yield %scan3A_76 : i32
    }
    %scan3A_5 = arith.constant 80 : i32
    %mul3A = arith.constant 640 : i32
    %mul3A_6 = arith.muli %arg1, %mul3A : i32
    %add3A = arith.constant 0 : i32
    %add3A_7 = arith.addi %mul3A_6, %add3A : i32
    "tpu.region"() ({
      %run_scoped3A = tpu.sem_alloc : memref<!tpu.dma_semaphore, #tpu.memory_space<semaphore_mem>>
      %dma_start3A = arith.constant 0 : i32
      %dma_start3A_48 = tpu.memref_slice %arg6[%add3A_7, %dma_start3A] : memref<10240x64xf32, #tpu.memory_space<vmem_shared>> -> memref<80x64xf32, #tpu.memory_space<vmem_shared>>
      %dma_start3A_49 = arith.constant 0 : i32
      %dma_start3A_50 = tpu.memref_slice %arg6[%add3A_7, %dma_start3A_49] : memref<10240x64xf32, #tpu.memory_space<vmem_shared>> -> memref<80x64xf32, #tpu.memory_space<vmem_shared>>
      tpu.enqueue_dma source(%arg9 : memref<80x64xf32, #tpu.memory_space<vmem>>) target(%dma_start3A_50 : memref<80x64xf32, #tpu.memory_space<vmem_shared>>) target_semaphore(%run_scoped3A : memref<!tpu.dma_semaphore, #tpu.memory_space<semaphore_mem>>)
      %dma_wait3A = arith.constant 0 : i32
      %dma_wait3A_51 = tpu.memref_slice %arg6[%add3A_7, %dma_wait3A] : memref<10240x64xf32, #tpu.memory_space<vmem_shared>> -> memref<80x64xf32, #tpu.memory_space<vmem_shared>>
      %dma_wait3A_52 = arith.constant 0 : i32
      %dma_wait3A_53 = tpu.memref_slice %arg6[%add3A_7, %dma_wait3A_52] : memref<10240x64xf32, #tpu.memory_space<vmem_shared>> -> memref<80x64xf32, #tpu.memory_space<vmem_shared>>
      tpu.wait_dma2 semaphore(%run_scoped3A : memref<!tpu.dma_semaphore, #tpu.memory_space<semaphore_mem>>) src(%arg9 : memref<80x64xf32, #tpu.memory_space<vmem>>) dst(%dma_wait3A_53 : memref<80x64xf32, #tpu.memory_space<vmem_shared>>)
      tpu.yield
    }) : () -> ()
    %mul3A_8 = arith.constant 640 : i32
    %mul3A_9 = arith.muli %arg1, %mul3A_8 : i32
    %add3A_10 = arith.constant 80 : i32
    %add3A_11 = arith.addi %mul3A_9, %add3A_10 : i32
    "tpu.region"() ({
      %run_scoped3A = tpu.sem_alloc : memref<!tpu.dma_semaphore, #tpu.memory_space<semaphore_mem>>
      %dma_start3A = arith.constant 0 : i32
      %dma_start3A_48 = tpu.memref_slice %arg6[%add3A_11, %dma_start3A] : memref<10240x64xf32, #tpu.memory_space<vmem_shared>> -> memref<80x64xf32, #tpu.memory_space<vmem_shared>>
      %dma_start3A_49 = arith.constant 0 : i32
      %dma_start3A_50 = tpu.memref_slice %arg6[%add3A_11, %dma_start3A_49] : memref<10240x64xf32, #tpu.memory_space<vmem_shared>> -> memref<80x64xf32, #tpu.memory_space<vmem_shared>>
      tpu.enqueue_dma source(%arg9 : memref<80x64xf32, #tpu.memory_space<vmem>>) target(%dma_start3A_50 : memref<80x64xf32, #tpu.memory_space<vmem_shared>>) target_semaphore(%run_scoped3A : memref<!tpu.dma_semaphore, #tpu.memory_space<semaphore_mem>>)
      %dma_wait3A = arith.constant 0 : i32
      %dma_wait3A_51 = tpu.memref_slice %arg6[%add3A_11, %dma_wait3A] : memref<10240x64xf32, #tpu.memory_space<vmem_shared>> -> memref<80x64xf32, #tpu.memory_space<vmem_shared>>
      %dma_wait3A_52 = arith.constant 0 : i32
      %dma_wait3A_53 = tpu.memref_slice %arg6[%add3A_11, %dma_wait3A_52] : memref<10240x64xf32, #tpu.memory_space<vmem_shared>> -> memref<80x64xf32, #tpu.memory_space<vmem_shared>>
      tpu.wait_dma2 semaphore(%run_scoped3A : memref<!tpu.dma_semaphore, #tpu.memory_space<semaphore_mem>>) src(%arg9 : memref<80x64xf32, #tpu.memory_space<vmem>>) dst(%dma_wait3A_53 : memref<80x64xf32, #tpu.memory_space<vmem_shared>>)
      tpu.yield
    }) : () -> ()
    %mul3A_12 = arith.constant 640 : i32
    %mul3A_13 = arith.muli %arg1, %mul3A_12 : i32
    %add3A_14 = arith.constant 160 : i32
    %add3A_15 = arith.addi %mul3A_13, %add3A_14 : i32
    "tpu.region"() ({
      %run_scoped3A = tpu.sem_alloc : memref<!tpu.dma_semaphore, #tpu.memory_space<semaphore_mem>>
      %dma_start3A = arith.constant 0 : i32
      %dma_start3A_48 = tpu.memref_slice %arg6[%add3A_15, %dma_start3A] : memref<10240x64xf32, #tpu.memory_space<vmem_shared>> -> memref<80x64xf32, #tpu.memory_space<vmem_shared>>
      %dma_start3A_49 = arith.constant 0 : i32
      %dma_start3A_50 = tpu.memref_slice %arg6[%add3A_15, %dma_start3A_49] : memref<10240x64xf32, #tpu.memory_space<vmem_shared>> -> memref<80x64xf32, #tpu.memory_space<vmem_shared>>
      tpu.enqueue_dma source(%arg9 : memref<80x64xf32, #tpu.memory_space<vmem>>) target(%dma_start3A_50 : memref<80x64xf32, #tpu.memory_space<vmem_shared>>) target_semaphore(%run_scoped3A : memref<!tpu.dma_semaphore, #tpu.memory_space<semaphore_mem>>)
      %dma_wait3A = arith.constant 0 : i32
      %dma_wait3A_51 = tpu.memref_slice %arg6[%add3A_15, %dma_wait3A] : memref<10240x64xf32, #tpu.memory_space<vmem_shared>> -> memref<80x64xf32, #tpu.memory_space<vmem_shared>>
      %dma_wait3A_52 = arith.constant 0 : i32
      %dma_wait3A_53 = tpu.memref_slice %arg6[%add3A_15, %dma_wait3A_52] : memref<10240x64xf32, #tpu.memory_space<vmem_shared>> -> memref<80x64xf32, #tpu.memory_space<vmem_shared>>
      tpu.wait_dma2 semaphore(%run_scoped3A : memref<!tpu.dma_semaphore, #tpu.memory_space<semaphore_mem>>) src(%arg9 : memref<80x64xf32, #tpu.memory_space<vmem>>) dst(%dma_wait3A_53 : memref<80x64xf32, #tpu.memory_space<vmem_shared>>)
      tpu.yield
    }) : () -> ()
    %mul3A_16 = arith.constant 640 : i32
    %mul3A_17 = arith.muli %arg1, %mul3A_16 : i32
    %add3A_18 = arith.constant 240 : i32
    %add3A_19 = arith.addi %mul3A_17, %add3A_18 : i32
    "tpu.region"() ({
      %run_scoped3A = tpu.sem_alloc : memref<!tpu.dma_semaphore, #tpu.memory_space<semaphore_mem>>
      %dma_start3A = arith.constant 0 : i32
      %dma_start3A_48 = tpu.memref_slice %arg6[%add3A_19, %dma_start3A] : memref<10240x64xf32, #tpu.memory_space<vmem_shared>> -> memref<80x64xf32, #tpu.memory_space<vmem_shared>>
      %dma_start3A_49 = arith.constant 0 : i32
      %dma_start3A_50 = tpu.memref_slice %arg6[%add3A_19, %dma_start3A_49] : memref<10240x64xf32, #tpu.memory_space<vmem_shared>> -> memref<80x64xf32, #tpu.memory_space<vmem_shared>>
      tpu.enqueue_dma source(%arg9 : memref<80x64xf32, #tpu.memory_space<vmem>>) target(%dma_start3A_50 : memref<80x64xf32, #tpu.memory_space<vmem_shared>>) target_semaphore(%run_scoped3A : memref<!tpu.dma_semaphore, #tpu.memory_space<semaphore_mem>>)
      %dma_wait3A = arith.constant 0 : i32
      %dma_wait3A_51 = tpu.memref_slice %arg6[%add3A_19, %dma_wait3A] : memref<10240x64xf32, #tpu.memory_space<vmem_shared>> -> memref<80x64xf32, #tpu.memory_space<vmem_shared>>
      %dma_wait3A_52 = arith.constant 0 : i32
      %dma_wait3A_53 = tpu.memref_slice %arg6[%add3A_19, %dma_wait3A_52] : memref<10240x64xf32, #tpu.memory_space<vmem_shared>> -> memref<80x64xf32, #tpu.memory_space<vmem_shared>>
      tpu.wait_dma2 semaphore(%run_scoped3A : memref<!tpu.dma_semaphore, #tpu.memory_space<semaphore_mem>>) src(%arg9 : memref<80x64xf32, #tpu.memory_space<vmem>>) dst(%dma_wait3A_53 : memref<80x64xf32, #tpu.memory_space<vmem_shared>>)
      tpu.yield
    }) : () -> ()
    %mul3A_20 = arith.constant 640 : i32
    %mul3A_21 = arith.muli %arg1, %mul3A_20 : i32
    %add3A_22 = arith.constant 320 : i32
    %add3A_23 = arith.addi %mul3A_21, %add3A_22 : i32
    "tpu.region"() ({
      %run_scoped3A = tpu.sem_alloc : memref<!tpu.dma_semaphore, #tpu.memory_space<semaphore_mem>>
      %dma_start3A = arith.constant 0 : i32
      %dma_start3A_48 = tpu.memref_slice %arg6[%add3A_23, %dma_start3A] : memref<10240x64xf32, #tpu.memory_space<vmem_shared>> -> memref<80x64xf32, #tpu.memory_space<vmem_shared>>
      %dma_start3A_49 = arith.constant 0 : i32
      %dma_start3A_50 = tpu.memref_slice %arg6[%add3A_23, %dma_start3A_49] : memref<10240x64xf32, #tpu.memory_space<vmem_shared>> -> memref<80x64xf32, #tpu.memory_space<vmem_shared>>
      tpu.enqueue_dma source(%arg9 : memref<80x64xf32, #tpu.memory_space<vmem>>) target(%dma_start3A_50 : memref<80x64xf32, #tpu.memory_space<vmem_shared>>) target_semaphore(%run_scoped3A : memref<!tpu.dma_semaphore, #tpu.memory_space<semaphore_mem>>)
      %dma_wait3A = arith.constant 0 : i32
      %dma_wait3A_51 = tpu.memref_slice %arg6[%add3A_23, %dma_wait3A] : memref<10240x64xf32, #tpu.memory_space<vmem_shared>> -> memref<80x64xf32, #tpu.memory_space<vmem_shared>>
      %dma_wait3A_52 = arith.constant 0 : i32
      %dma_wait3A_53 = tpu.memref_slice %arg6[%add3A_23, %dma_wait3A_52] : memref<10240x64xf32, #tpu.memory_space<vmem_shared>> -> memref<80x64xf32, #tpu.memory_space<vmem_shared>>
      tpu.wait_dma2 semaphore(%run_scoped3A : memref<!tpu.dma_semaphore, #tpu.memory_space<semaphore_mem>>) src(%arg9 : memref<80x64xf32, #tpu.memory_space<vmem>>) dst(%dma_wait3A_53 : memref<80x64xf32, #tpu.memory_space<vmem_shared>>)
      tpu.yield
    }) : () -> ()
    %mul3A_24 = arith.constant 640 : i32
    %mul3A_25 = arith.muli %arg1, %mul3A_24 : i32
    %add3A_26 = arith.constant 400 : i32
    %add3A_27 = arith.addi %mul3A_25, %add3A_26 : i32
    "tpu.region"() ({
      %run_scoped3A = tpu.sem_alloc : memref<!tpu.dma_semaphore, #tpu.memory_space<semaphore_mem>>
      %dma_start3A = arith.constant 0 : i32
      %dma_start3A_48 = tpu.memref_slice %arg6[%add3A_27, %dma_start3A] : memref<10240x64xf32, #tpu.memory_space<vmem_shared>> -> memref<80x64xf32, #tpu.memory_space<vmem_shared>>
      %dma_start3A_49 = arith.constant 0 : i32
      %dma_start3A_50 = tpu.memref_slice %arg6[%add3A_27, %dma_start3A_49] : memref<10240x64xf32, #tpu.memory_space<vmem_shared>> -> memref<80x64xf32, #tpu.memory_space<vmem_shared>>
      tpu.enqueue_dma source(%arg9 : memref<80x64xf32, #tpu.memory_space<vmem>>) target(%dma_start3A_50 : memref<80x64xf32, #tpu.memory_space<vmem_shared>>) target_semaphore(%run_scoped3A : memref<!tpu.dma_semaphore, #tpu.memory_space<semaphore_mem>>)
      %dma_wait3A = arith.constant 0 : i32
      %dma_wait3A_51 = tpu.memref_slice %arg6[%add3A_27, %dma_wait3A] : memref<10240x64xf32, #tpu.memory_space<vmem_shared>> -> memref<80x64xf32, #tpu.memory_space<vmem_shared>>
      %dma_wait3A_52 = arith.constant 0 : i32
      %dma_wait3A_53 = tpu.memref_slice %arg6[%add3A_27, %dma_wait3A_52] : memref<10240x64xf32, #tpu.memory_space<vmem_shared>> -> memref<80x64xf32, #tpu.memory_space<vmem_shared>>
      tpu.wait_dma2 semaphore(%run_scoped3A : memref<!tpu.dma_semaphore, #tpu.memory_space<semaphore_mem>>) src(%arg9 : memref<80x64xf32, #tpu.memory_space<vmem>>) dst(%dma_wait3A_53 : memref<80x64xf32, #tpu.memory_space<vmem_shared>>)
      tpu.yield
    }) : () -> ()
    %mul3A_28 = arith.constant 640 : i32
    %mul3A_29 = arith.muli %arg1, %mul3A_28 : i32
    %add3A_30 = arith.constant 480 : i32
    %add3A_31 = arith.addi %mul3A_29, %add3A_30 : i32
    "tpu.region"() ({
      %run_scoped3A = tpu.sem_alloc : memref<!tpu.dma_semaphore, #tpu.memory_space<semaphore_mem>>
      %dma_start3A = arith.constant 0 : i32
      %dma_start3A_48 = tpu.memref_slice %arg6[%add3A_31, %dma_start3A] : memref<10240x64xf32, #tpu.memory_space<vmem_shared>> -> memref<80x64xf32, #tpu.memory_space<vmem_shared>>
      %dma_start3A_49 = arith.constant 0 : i32
      %dma_start3A_50 = tpu.memref_slice %arg6[%add3A_31, %dma_start3A_49] : memref<10240x64xf32, #tpu.memory_space<vmem_shared>> -> memref<80x64xf32, #tpu.memory_space<vmem_shared>>
      tpu.enqueue_dma source(%arg9 : memref<80x64xf32, #tpu.memory_space<vmem>>) target(%dma_start3A_50 : memref<80x64xf32, #tpu.memory_space<vmem_shared>>) target_semaphore(%run_scoped3A : memref<!tpu.dma_semaphore, #tpu.memory_space<semaphore_mem>>)
      %dma_wait3A = arith.constant 0 : i32
      %dma_wait3A_51 = tpu.memref_slice %arg6[%add3A_31, %dma_wait3A] : memref<10240x64xf32, #tpu.memory_space<vmem_shared>> -> memref<80x64xf32, #tpu.memory_space<vmem_shared>>
      %dma_wait3A_52 = arith.constant 0 : i32
      %dma_wait3A_53 = tpu.memref_slice %arg6[%add3A_31, %dma_wait3A_52] : memref<10240x64xf32, #tpu.memory_space<vmem_shared>> -> memref<80x64xf32, #tpu.memory_space<vmem_shared>>
      tpu.wait_dma2 semaphore(%run_scoped3A : memref<!tpu.dma_semaphore, #tpu.memory_space<semaphore_mem>>) src(%arg9 : memref<80x64xf32, #tpu.memory_space<vmem>>) dst(%dma_wait3A_53 : memref<80x64xf32, #tpu.memory_space<vmem_shared>>)
      tpu.yield
    }) : () -> ()
    %mul3A_32 = arith.constant 640 : i32
    %mul3A_33 = arith.muli %arg1, %mul3A_32 : i32
    %add3A_34 = arith.constant 560 : i32
    %add3A_35 = arith.addi %mul3A_33, %add3A_34 : i32
    "tpu.region"() ({
      %run_scoped3A = tpu.sem_alloc : memref<!tpu.dma_semaphore, #tpu.memory_space<semaphore_mem>>
      %dma_start3A = arith.constant 0 : i32
      %dma_start3A_48 = tpu.memref_slice %arg6[%add3A_35, %dma_start3A] : memref<10240x64xf32, #tpu.memory_space<vmem_shared>> -> memref<80x64xf32, #tpu.memory_space<vmem_shared>>
      %dma_start3A_49 = arith.constant 0 : i32
      %dma_start3A_50 = tpu.memref_slice %arg6[%add3A_35, %dma_start3A_49] : memref<10240x64xf32, #tpu.memory_space<vmem_shared>> -> memref<80x64xf32, #tpu.memory_space<vmem_shared>>
      tpu.enqueue_dma source(%arg9 : memref<80x64xf32, #tpu.memory_space<vmem>>) target(%dma_start3A_50 : memref<80x64xf32, #tpu.memory_space<vmem_shared>>) target_semaphore(%run_scoped3A : memref<!tpu.dma_semaphore, #tpu.memory_space<semaphore_mem>>)
      %dma_wait3A = arith.constant 0 : i32
      %dma_wait3A_51 = tpu.memref_slice %arg6[%add3A_35, %dma_wait3A] : memref<10240x64xf32, #tpu.memory_space<vmem_shared>> -> memref<80x64xf32, #tpu.memory_space<vmem_shared>>
      %dma_wait3A_52 = arith.constant 0 : i32
      %dma_wait3A_53 = tpu.memref_slice %arg6[%add3A_35, %dma_wait3A_52] : memref<10240x64xf32, #tpu.memory_space<vmem_shared>> -> memref<80x64xf32, #tpu.memory_space<vmem_shared>>
      tpu.wait_dma2 semaphore(%run_scoped3A : memref<!tpu.dma_semaphore, #tpu.memory_space<semaphore_mem>>) src(%arg9 : memref<80x64xf32, #tpu.memory_space<vmem>>) dst(%dma_wait3A_53 : memref<80x64xf32, #tpu.memory_space<vmem_shared>>)
      tpu.yield
    }) : () -> ()
    %barrier3A = arith.constant 0 : index
    tpu.barrier barrier_id(%barrier3A)
    %eq3A = arith.constant 0 : i32
    %eq3A_36 = arith.cmpi eq, %arg0, %eq3A : i32
    %convert_element_type3A = arith.extui %eq3A_36 : i1 to i32
    %cond3A = arith.constant 0 : i32
    %cond3A_37 = arith.cmpi ne, %convert_element_type3A, %cond3A : i32
    scf.if %cond3A_37 {
      %mul3A_48 = arith.constant 240 : i32
      %mul3A_49 = arith.muli %arg1, %mul3A_48 : i32
      %scan3A_50 = arith.constant 0 : i32
      %scan3A_51 = arith.constant 0 : i32
      %scan3A_52 = arith.constant 3 : i32
      %scan3A_53 = arith.addi %scan3A_51, %scan3A_52 : i32
      %scan3A_54 = arith.constant 1 : i32
      %scan3A_55 = scf.for %scan3A_57 = %scan3A_51 to %scan3A_53 step %scan3A_54 iter_args(%scan3A_58 = %scan3A_50) -> (i32)  : i32 {
        %mul3A_59 = arith.constant 80 : i32
        %mul3A_60 = arith.muli %scan3A_57, %mul3A_59 : i32
        %add3A_61 = arith.addi %mul3A_49, %mul3A_60 : i32
        "tpu.region"() ({
          %run_scoped3A = tpu.sem_alloc : memref<!tpu.dma_semaphore, #tpu.memory_space<semaphore_mem>>
          %dma_start3A_155 = arith.constant 0 : i32
          %dma_start3A_156 = arith.constant 0 : i32
          %dma_start3A_157 = tpu.memref_slice %arg7[%dma_start3A_155, %dma_start3A_156] : memref<80x80xi32, #tpu.memory_space<vmem>> -> memref<80x80xi32, #tpu.memory_space<vmem>>
          %dma_start3A_158 = arith.constant 0 : i32
          %dma_start3A_159 = tpu.memref_slice %arg2[%add3A_61, %dma_start3A_158] : memref<4096x80xi32, #tpu.memory_space<hbm>> -> memref<80x80xi32, #tpu.memory_space<hbm>>
          %dma_start3A_160 = arith.constant 0 : i32
          %dma_start3A_161 = arith.constant 0 : i32
          %dma_start3A_162 = tpu.memref_slice %arg7[%dma_start3A_160, %dma_start3A_161] : memref<80x80xi32, #tpu.memory_space<vmem>> -> memref<80x80xi32, #tpu.memory_space<vmem>>
          %dma_start3A_163 = arith.constant 0 : i32
          %dma_start3A_164 = tpu.memref_slice %arg2[%add3A_61, %dma_start3A_163] : memref<4096x80xi32, #tpu.memory_space<hbm>> -> memref<80x80xi32, #tpu.memory_space<hbm>>
          tpu.enqueue_dma source(%dma_start3A_164 : memref<80x80xi32, #tpu.memory_space<hbm>>) target(%dma_start3A_162 : memref<80x80xi32, #tpu.memory_space<vmem>>) target_semaphore(%run_scoped3A : memref<!tpu.dma_semaphore, #tpu.memory_space<semaphore_mem>>)
          %dma_wait3A_165 = arith.constant 0 : i32
          %dma_wait3A_166 = arith.constant 0 : i32
          %dma_wait3A_167 = tpu.memref_slice %arg7[%dma_wait3A_165, %dma_wait3A_166] : memref<80x80xi32, #tpu.memory_space<vmem>> -> memref<80x80xi32, #tpu.memory_space<vmem>>
          %dma_wait3A_168 = arith.constant 0 : i32
          %dma_wait3A_169 = tpu.memref_slice %arg2[%add3A_61, %dma_wait3A_168] : memref<4096x80xi32, #tpu.memory_space<hbm>> -> memref<80x80xi32, #tpu.memory_space<hbm>>
          %dma_wait3A_170 = arith.constant 0 : i32
          %dma_wait3A_171 = arith.constant 0 : i32
          %dma_wait3A_172 = tpu.memref_slice %arg7[%dma_wait3A_170, %dma_wait3A_171] : memref<80x80xi32, #tpu.memory_space<vmem>> -> memref<80x80xi32, #tpu.memory_space<vmem>>
          %dma_wait3A_173 = arith.constant 0 : i32
          %dma_wait3A_174 = tpu.memref_slice %arg2[%add3A_61, %dma_wait3A_173] : memref<4096x80xi32, #tpu.memory_space<hbm>> -> memref<80x80xi32, #tpu.memory_space<hbm>>
          tpu.wait_dma2 semaphore(%run_scoped3A : memref<!tpu.dma_semaphore, #tpu.memory_space<semaphore_mem>>) src(%dma_wait3A_174 : memref<80x80xi32, #tpu.memory_space<hbm>>) dst(%dma_wait3A_172 : memref<80x80xi32, #tpu.memory_space<vmem>>)
          tpu.yield
        }) : () -> ()
        %mul3A_62 = arith.constant 80 : i32
        %mul3A_63 = arith.muli %scan3A_57, %mul3A_62 : i32
        %add3A_64 = arith.addi %mul3A_49, %mul3A_63 : i32
        "tpu.region"() ({
          %run_scoped3A = tpu.sem_alloc : memref<!tpu.dma_semaphore, #tpu.memory_space<semaphore_mem>>
          %dma_start3A_155 = arith.constant 0 : i32
          %dma_start3A_156 = arith.constant 0 : i32
          %dma_start3A_157 = tpu.memref_slice %arg8[%dma_start3A_155, %dma_start3A_156] : memref<80x80xi32, #tpu.memory_space<vmem>> -> memref<80x80xi32, #tpu.memory_space<vmem>>
          %dma_start3A_158 = arith.constant 0 : i32
          %dma_start3A_159 = tpu.memref_slice %arg3[%add3A_64, %dma_start3A_158] : memref<4096x80xi32, #tpu.memory_space<hbm>> -> memref<80x80xi32, #tpu.memory_space<hbm>>
          %dma_start3A_160 = arith.constant 0 : i32
          %dma_start3A_161 = arith.constant 0 : i32
          %dma_start3A_162 = tpu.memref_slice %arg8[%dma_start3A_160, %dma_start3A_161] : memref<80x80xi32, #tpu.memory_space<vmem>> -> memref<80x80xi32, #tpu.memory_space<vmem>>
          %dma_start3A_163 = arith.constant 0 : i32
          %dma_start3A_164 = tpu.memref_slice %arg3[%add3A_64, %dma_start3A_163] : memref<4096x80xi32, #tpu.memory_space<hbm>> -> memref<80x80xi32, #tpu.memory_space<hbm>>
          tpu.enqueue_dma source(%dma_start3A_164 : memref<80x80xi32, #tpu.memory_space<hbm>>) target(%dma_start3A_162 : memref<80x80xi32, #tpu.memory_space<vmem>>) target_semaphore(%run_scoped3A : memref<!tpu.dma_semaphore, #tpu.memory_space<semaphore_mem>>)
          %dma_wait3A_165 = arith.constant 0 : i32
          %dma_wait3A_166 = arith.constant 0 : i32
          %dma_wait3A_167 = tpu.memref_slice %arg8[%dma_wait3A_165, %dma_wait3A_166] : memref<80x80xi32, #tpu.memory_space<vmem>> -> memref<80x80xi32, #tpu.memory_space<vmem>>
          %dma_wait3A_168 = arith.constant 0 : i32
          %dma_wait3A_169 = tpu.memref_slice %arg3[%add3A_64, %dma_wait3A_168] : memref<4096x80xi32, #tpu.memory_space<hbm>> -> memref<80x80xi32, #tpu.memory_space<hbm>>
          %dma_wait3A_170 = arith.constant 0 : i32
          %dma_wait3A_171 = arith.constant 0 : i32
          %dma_wait3A_172 = tpu.memref_slice %arg8[%dma_wait3A_170, %dma_wait3A_171] : memref<80x80xi32, #tpu.memory_space<vmem>> -> memref<80x80xi32, #tpu.memory_space<vmem>>
          %dma_wait3A_173 = arith.constant 0 : i32
          %dma_wait3A_174 = tpu.memref_slice %arg3[%add3A_64, %dma_wait3A_173] : memref<4096x80xi32, #tpu.memory_space<hbm>> -> memref<80x80xi32, #tpu.memory_space<hbm>>
          tpu.wait_dma2 semaphore(%run_scoped3A : memref<!tpu.dma_semaphore, #tpu.memory_space<semaphore_mem>>) src(%dma_wait3A_174 : memref<80x80xi32, #tpu.memory_space<hbm>>) dst(%dma_wait3A_172 : memref<80x80xi32, #tpu.memory_space<vmem>>)
          tpu.yield
        }) : () -> ()
        %dma_start3A = arith.constant 0 : i32
        %dma_start3A_65 = arith.constant 0 : i32
        %dma_start3A_66 = tpu.memref_slice %arg7[%dma_start3A, %dma_start3A_65] : memref<80x80xi32, #tpu.memory_space<vmem>> -> memref<1x80xi32, #tpu.memory_space<vmem>>
        %dma_start3A_67 = tpu.memref_squeeze %dma_start3A_66 : memref<1x80xi32, #tpu.memory_space<vmem>> -> memref<80xi32, #tpu.memory_space<vmem>>
        %dma_start3A_68 = arith.constant 0 : i32
        %dma_start3A_69 = arith.constant 0 : i32
        %dma_start3A_70 = tpu.memref_slice %arg4[%dma_start3A_68, %dma_start3A_69] : memref<10000x64xf32, #tpu.memory_space<hbm>> -> memref<10000x64xf32, #tpu.memory_space<hbm>>
        tpu.enqueue_indirect_dma source(%dma_start3A_70 : memref<10000x64xf32, #tpu.memory_space<hbm>>) target(%arg9 : memref<80x64xf32, #tpu.memory_space<vmem>>) offsets(%dma_start3A_67 : memref<80xi32, #tpu.memory_space<vmem>>) semaphore(%arg17 : memref<!tpu.dma_semaphore, #tpu.memory_space<semaphore_mem>>)
        %dma_start3A_71 = arith.constant 1 : i32
        %dma_start3A_72 = arith.constant 0 : i32
        %dma_start3A_73 = tpu.memref_slice %arg7[%dma_start3A_71, %dma_start3A_72] : memref<80x80xi32, #tpu.memory_space<vmem>> -> memref<1x80xi32, #tpu.memory_space<vmem>>
        %dma_start3A_74 = tpu.memref_squeeze %dma_start3A_73 : memref<1x80xi32, #tpu.memory_space<vmem>> -> memref<80xi32, #tpu.memory_space<vmem>>
        %dma_start3A_75 = arith.constant 0 : i32
        %dma_start3A_76 = arith.constant 0 : i32
        %dma_start3A_77 = tpu.memref_slice %arg4[%dma_start3A_75, %dma_start3A_76] : memref<10000x64xf32, #tpu.memory_space<hbm>> -> memref<10000x64xf32, #tpu.memory_space<hbm>>
        tpu.enqueue_indirect_dma source(%dma_start3A_77 : memref<10000x64xf32, #tpu.memory_space<hbm>>) target(%arg10 : memref<80x64xf32, #tpu.memory_space<vmem>>) offsets(%dma_start3A_74 : memref<80xi32, #tpu.memory_space<vmem>>) semaphore(%arg18 : memref<!tpu.dma_semaphore, #tpu.memory_space<semaphore_mem>>)
        %dma_start3A_78 = arith.constant 2 : i32
        %dma_start3A_79 = arith.constant 0 : i32
        %dma_start3A_80 = tpu.memref_slice %arg7[%dma_start3A_78, %dma_start3A_79] : memref<80x80xi32, #tpu.memory_space<vmem>> -> memref<1x80xi32, #tpu.memory_space<vmem>>
        %dma_start3A_81 = tpu.memref_squeeze %dma_start3A_80 : memref<1x80xi32, #tpu.memory_space<vmem>> -> memref<80xi32, #tpu.memory_space<vmem>>
        %dma_start3A_82 = arith.constant 0 : i32
        %dma_start3A_83 = arith.constant 0 : i32
        %dma_start3A_84 = tpu.memref_slice %arg4[%dma_start3A_82, %dma_start3A_83] : memref<10000x64xf32, #tpu.memory_space<hbm>> -> memref<10000x64xf32, #tpu.memory_space<hbm>>
        tpu.enqueue_indirect_dma source(%dma_start3A_84 : memref<10000x64xf32, #tpu.memory_space<hbm>>) target(%arg11 : memref<80x64xf32, #tpu.memory_space<vmem>>) offsets(%dma_start3A_81 : memref<80xi32, #tpu.memory_space<vmem>>) semaphore(%arg19 : memref<!tpu.dma_semaphore, #tpu.memory_space<semaphore_mem>>)
        %dma_start3A_85 = arith.constant 3 : i32
        %dma_start3A_86 = arith.constant 0 : i32
        %dma_start3A_87 = tpu.memref_slice %arg7[%dma_start3A_85, %dma_start3A_86] : memref<80x80xi32, #tpu.memory_space<vmem>> -> memref<1x80xi32, #tpu.memory_space<vmem>>
        %dma_start3A_88 = tpu.memref_squeeze %dma_start3A_87 : memref<1x80xi32, #tpu.memory_space<vmem>> -> memref<80xi32, #tpu.memory_space<vmem>>
        %dma_start3A_89 = arith.constant 0 : i32
        %dma_start3A_90 = arith.constant 0 : i32
        %dma_start3A_91 = tpu.memref_slice %arg4[%dma_start3A_89, %dma_start3A_90] : memref<10000x64xf32, #tpu.memory_space<hbm>> -> memref<10000x64xf32, #tpu.memory_space<hbm>>
        tpu.enqueue_indirect_dma source(%dma_start3A_91 : memref<10000x64xf32, #tpu.memory_space<hbm>>) target(%arg12 : memref<80x64xf32, #tpu.memory_space<vmem>>) offsets(%dma_start3A_88 : memref<80xi32, #tpu.memory_space<vmem>>) semaphore(%arg20 : memref<!tpu.dma_semaphore, #tpu.memory_space<semaphore_mem>>)
        %scan3A_92 = arith.constant 0 : i32
        %scan3A_93 = arith.constant 0 : i32
        %scan3A_94 = arith.constant 10 : i32
        %scan3A_95 = arith.addi %scan3A_93, %scan3A_94 : i32
        %scan3A_96 = arith.constant 1 : i32
        %scan3A_97 = scf.for %scan3A_155 = %scan3A_93 to %scan3A_95 step %scan3A_96 iter_args(%scan3A_156 = %scan3A_92) -> (i32)  : i32 {
          %mul3A_157 = arith.constant 8 : i32
          %mul3A_158 = arith.muli %scan3A_155, %mul3A_157 : i32
          %add3A_159 = arith.constant 0 : i32
          %add3A_160 = arith.addi %mul3A_158, %add3A_159 : i32
          %dma_wait3A_161 = arith.constant 0 : i32
          %dma_wait3A_162 = tpu.memref_slice %arg7[%add3A_160, %dma_wait3A_161] : memref<80x80xi32, #tpu.memory_space<vmem>> -> memref<1x80xi32, #tpu.memory_space<vmem>>
          %dma_wait3A_163 = tpu.memref_squeeze %dma_wait3A_162 : memref<1x80xi32, #tpu.memory_space<vmem>> -> memref<80xi32, #tpu.memory_space<vmem>>
          %dma_wait3A_164 = arith.constant 0 : i32
          %dma_wait3A_165 = arith.constant 0 : i32
          %dma_wait3A_166 = tpu.memref_slice %arg4[%dma_wait3A_164, %dma_wait3A_165] : memref<10000x64xf32, #tpu.memory_space<hbm>> -> memref<10000x64xf32, #tpu.memory_space<hbm>>
          tpu.wait_indirect_dma semaphore(%arg17 : memref<!tpu.dma_semaphore, #tpu.memory_space<semaphore_mem>>) src(%dma_wait3A_166 : memref<10000x64xf32, #tpu.memory_space<hbm>>) dst(%arg9 : memref<80x64xf32, #tpu.memory_space<vmem>>)
          %dma_start3A_167 = arith.constant 0 : i32
          %dma_start3A_168 = tpu.memref_slice %arg8[%add3A_160, %dma_start3A_167] : memref<80x80xi32, #tpu.memory_space<vmem>> -> memref<1x80xi32, #tpu.memory_space<vmem>>
          %dma_start3A_169 = tpu.memref_squeeze %dma_start3A_168 : memref<1x80xi32, #tpu.memory_space<vmem>> -> memref<80xi32, #tpu.memory_space<vmem>>
          %dma_start3A_170 = arith.constant 0 : i32
          %dma_start3A_171 = arith.constant 0 : i32
          %dma_start3A_172 = tpu.memref_slice %arg6[%dma_start3A_170, %dma_start3A_171] : memref<10240x64xf32, #tpu.memory_space<vmem_shared>> -> memref<10240x64xf32, #tpu.memory_space<vmem_shared>>
          tpu.enqueue_indirect_dma source(%arg9 : memref<80x64xf32, #tpu.memory_space<vmem>>) target(%dma_start3A_172 : memref<10240x64xf32, #tpu.memory_space<vmem_shared>>) offsets(%dma_start3A_169 : memref<80xi32, #tpu.memory_space<vmem>>) semaphore(%arg25 : memref<!tpu.dma_semaphore, #tpu.memory_space<semaphore_mem>>) {add = true}
          %add3A_173 = arith.constant 4 : i32
          %add3A_174 = arith.addi %add3A_160, %add3A_173 : i32
          %lt3A = arith.constant 80 : i32
          %lt3A_175 = arith.cmpi slt, %add3A_174, %lt3A : i32
          %convert_element_type3A_176 = arith.extui %lt3A_175 : i1 to i32
          %cond3A_177 = arith.constant 0 : i32
          %cond3A_178 = arith.cmpi ne, %convert_element_type3A_176, %cond3A_177 : i32
          scf.if %cond3A_178 {
            %ge3A = arith.constant 4 : i32
            %ge3A_341 = arith.cmpi sge, %add3A_160, %ge3A : i32
            %convert_element_type3A_342 = arith.extui %ge3A_341 : i1 to i32
            %cond3A_343 = arith.constant 0 : i32
            %cond3A_344 = arith.cmpi ne, %convert_element_type3A_342, %cond3A_343 : i32
            scf.if %cond3A_344 {
              %sub3A = arith.constant 4 : i32
              %sub3A_353 = arith.subi %add3A_160, %sub3A : i32
              %dma_wait3A_354 = arith.constant 0 : i32
              %dma_wait3A_355 = tpu.memref_slice %arg8[%sub3A_353, %dma_wait3A_354] : memref<80x80xi32, #tpu.memory_space<vmem>> -> memref<1x80xi32, #tpu.memory_space<vmem>>
              %dma_wait3A_356 = tpu.memref_squeeze %dma_wait3A_355 : memref<1x80xi32, #tpu.memory_space<vmem>> -> memref<80xi32, #tpu.memory_space<vmem>>
              %dma_wait3A_357 = arith.constant 0 : i32
              %dma_wait3A_358 = arith.constant 0 : i32
              %dma_wait3A_359 = tpu.memref_slice %arg6[%dma_wait3A_357, %dma_wait3A_358] : memref<10240x64xf32, #tpu.memory_space<vmem_shared>> -> memref<10240x64xf32, #tpu.memory_space<vmem_shared>>
              tpu.wait_indirect_dma semaphore(%arg29 : memref<!tpu.dma_semaphore, #tpu.memory_space<semaphore_mem>>) src(%arg13 : memref<80x64xf32, #tpu.memory_space<vmem>>) dst(%dma_wait3A_359 : memref<10240x64xf32, #tpu.memory_space<vmem_shared>>)
            } else {
            }
            %add3A_345 = arith.constant 4 : i32
            %add3A_346 = arith.addi %add3A_160, %add3A_345 : i32
            %dma_start3A_347 = arith.constant 0 : i32
            %dma_start3A_348 = tpu.memref_slice %arg7[%add3A_346, %dma_start3A_347] : memref<80x80xi32, #tpu.memory_space<vmem>> -> memref<1x80xi32, #tpu.memory_space<vmem>>
            %dma_start3A_349 = tpu.memref_squeeze %dma_start3A_348 : memref<1x80xi32, #tpu.memory_space<vmem>> -> memref<80xi32, #tpu.memory_space<vmem>>
            %dma_start3A_350 = arith.constant 0 : i32
            %dma_start3A_351 = arith.constant 0 : i32
            %dma_start3A_352 = tpu.memref_slice %arg4[%dma_start3A_350, %dma_start3A_351] : memref<10000x64xf32, #tpu.memory_space<hbm>> -> memref<10000x64xf32, #tpu.memory_space<hbm>>
            tpu.enqueue_indirect_dma source(%dma_start3A_352 : memref<10000x64xf32, #tpu.memory_space<hbm>>) target(%arg13 : memref<80x64xf32, #tpu.memory_space<vmem>>) offsets(%dma_start3A_349 : memref<80xi32, #tpu.memory_space<vmem>>) semaphore(%arg21 : memref<!tpu.dma_semaphore, #tpu.memory_space<semaphore_mem>>)
          } else {
          }
          %mul3A_179 = arith.constant 8 : i32
          %mul3A_180 = arith.muli %scan3A_155, %mul3A_179 : i32
          %add3A_181 = arith.constant 1 : i32
          %add3A_182 = arith.addi %mul3A_180, %add3A_181 : i32
          %dma_wait3A_183 = arith.constant 0 : i32
          %dma_wait3A_184 = tpu.memref_slice %arg7[%add3A_182, %dma_wait3A_183] : memref<80x80xi32, #tpu.memory_space<vmem>> -> memref<1x80xi32, #tpu.memory_space<vmem>>
          %dma_wait3A_185 = tpu.memref_squeeze %dma_wait3A_184 : memref<1x80xi32, #tpu.memory_space<vmem>> -> memref<80xi32, #tpu.memory_space<vmem>>
          %dma_wait3A_186 = arith.constant 0 : i32
          %dma_wait3A_187 = arith.constant 0 : i32
          %dma_wait3A_188 = tpu.memref_slice %arg4[%dma_wait3A_186, %dma_wait3A_187] : memref<10000x64xf32, #tpu.memory_space<hbm>> -> memref<10000x64xf32, #tpu.memory_space<hbm>>
          tpu.wait_indirect_dma semaphore(%arg18 : memref<!tpu.dma_semaphore, #tpu.memory_space<semaphore_mem>>) src(%dma_wait3A_188 : memref<10000x64xf32, #tpu.memory_space<hbm>>) dst(%arg10 : memref<80x64xf32, #tpu.memory_space<vmem>>)
          %dma_start3A_189 = arith.constant 0 : i32
          %dma_start3A_190 = tpu.memref_slice %arg8[%add3A_182, %dma_start3A_189] : memref<80x80xi32, #tpu.memory_space<vmem>> -> memref<1x80xi32, #tpu.memory_space<vmem>>
          %dma_start3A_191 = tpu.memref_squeeze %dma_start3A_190 : memref<1x80xi32, #tpu.memory_space<vmem>> -> memref<80xi32, #tpu.memory_space<vmem>>
          %dma_start3A_192 = arith.constant 0 : i32
          %dma_start3A_193 = arith.constant 0 : i32
          %dma_start3A_194 = tpu.memref_slice %arg6[%dma_start3A_192, %dma_start3A_193] : memref<10240x64xf32, #tpu.memory_space<vmem_shared>> -> memref<10240x64xf32, #tpu.memory_space<vmem_shared>>
          tpu.enqueue_indirect_dma source(%arg10 : memref<80x64xf32, #tpu.memory_space<vmem>>) target(%dma_start3A_194 : memref<10240x64xf32, #tpu.memory_space<vmem_shared>>) offsets(%dma_start3A_191 : memref<80xi32, #tpu.memory_space<vmem>>) semaphore(%arg26 : memref<!tpu.dma_semaphore, #tpu.memory_space<semaphore_mem>>) {add = true}
          %add3A_195 = arith.constant 4 : i32
          %add3A_196 = arith.addi %add3A_182, %add3A_195 : i32
          %lt3A_197 = arith.constant 80 : i32
          %lt3A_198 = arith.cmpi slt, %add3A_196, %lt3A_197 : i32
          %convert_element_type3A_199 = arith.extui %lt3A_198 : i1 to i32
          %cond3A_200 = arith.constant 0 : i32
          %cond3A_201 = arith.cmpi ne, %convert_element_type3A_199, %cond3A_200 : i32
          scf.if %cond3A_201 {
            %ge3A = arith.constant 4 : i32
            %ge3A_341 = arith.cmpi sge, %add3A_182, %ge3A : i32
            %convert_element_type3A_342 = arith.extui %ge3A_341 : i1 to i32
            %cond3A_343 = arith.constant 0 : i32
            %cond3A_344 = arith.cmpi ne, %convert_element_type3A_342, %cond3A_343 : i32
            scf.if %cond3A_344 {
              %sub3A = arith.constant 4 : i32
              %sub3A_353 = arith.subi %add3A_182, %sub3A : i32
              %dma_wait3A_354 = arith.constant 0 : i32
              %dma_wait3A_355 = tpu.memref_slice %arg8[%sub3A_353, %dma_wait3A_354] : memref<80x80xi32, #tpu.memory_space<vmem>> -> memref<1x80xi32, #tpu.memory_space<vmem>>
              %dma_wait3A_356 = tpu.memref_squeeze %dma_wait3A_355 : memref<1x80xi32, #tpu.memory_space<vmem>> -> memref<80xi32, #tpu.memory_space<vmem>>
              %dma_wait3A_357 = arith.constant 0 : i32
              %dma_wait3A_358 = arith.constant 0 : i32
              %dma_wait3A_359 = tpu.memref_slice %arg6[%dma_wait3A_357, %dma_wait3A_358] : memref<10240x64xf32, #tpu.memory_space<vmem_shared>> -> memref<10240x64xf32, #tpu.memory_space<vmem_shared>>
              tpu.wait_indirect_dma semaphore(%arg30 : memref<!tpu.dma_semaphore, #tpu.memory_space<semaphore_mem>>) src(%arg14 : memref<80x64xf32, #tpu.memory_space<vmem>>) dst(%dma_wait3A_359 : memref<10240x64xf32, #tpu.memory_space<vmem_shared>>)
            } else {
            }
            %add3A_345 = arith.constant 4 : i32
            %add3A_346 = arith.addi %add3A_182, %add3A_345 : i32
            %dma_start3A_347 = arith.constant 0 : i32
            %dma_start3A_348 = tpu.memref_slice %arg7[%add3A_346, %dma_start3A_347] : memref<80x80xi32, #tpu.memory_space<vmem>> -> memref<1x80xi32, #tpu.memory_space<vmem>>
            %dma_start3A_349 = tpu.memref_squeeze %dma_start3A_348 : memref<1x80xi32, #tpu.memory_space<vmem>> -> memref<80xi32, #tpu.memory_space<vmem>>
            %dma_start3A_350 = arith.constant 0 : i32
            %dma_start3A_351 = arith.constant 0 : i32
            %dma_start3A_352 = tpu.memref_slice %arg4[%dma_start3A_350, %dma_start3A_351] : memref<10000x64xf32, #tpu.memory_space<hbm>> -> memref<10000x64xf32, #tpu.memory_space<hbm>>
            tpu.enqueue_indirect_dma source(%dma_start3A_352 : memref<10000x64xf32, #tpu.memory_space<hbm>>) target(%arg14 : memref<80x64xf32, #tpu.memory_space<vmem>>) offsets(%dma_start3A_349 : memref<80xi32, #tpu.memory_space<vmem>>) semaphore(%arg22 : memref<!tpu.dma_semaphore, #tpu.memory_space<semaphore_mem>>)
          } else {
          }
          %mul3A_202 = arith.constant 8 : i32
          %mul3A_203 = arith.muli %scan3A_155, %mul3A_202 : i32
          %add3A_204 = arith.constant 2 : i32
          %add3A_205 = arith.addi %mul3A_203, %add3A_204 : i32
          %dma_wait3A_206 = arith.constant 0 : i32
          %dma_wait3A_207 = tpu.memref_slice %arg7[%add3A_205, %dma_wait3A_206] : memref<80x80xi32, #tpu.memory_space<vmem>> -> memref<1x80xi32, #tpu.memory_space<vmem>>
          %dma_wait3A_208 = tpu.memref_squeeze %dma_wait3A_207 : memref<1x80xi32, #tpu.memory_space<vmem>> -> memref<80xi32, #tpu.memory_space<vmem>>
          %dma_wait3A_209 = arith.constant 0 : i32
          %dma_wait3A_210 = arith.constant 0 : i32
          %dma_wait3A_211 = tpu.memref_slice %arg4[%dma_wait3A_209, %dma_wait3A_210] : memref<10000x64xf32, #tpu.memory_space<hbm>> -> memref<10000x64xf32, #tpu.memory_space<hbm>>
          tpu.wait_indirect_dma semaphore(%arg19 : memref<!tpu.dma_semaphore, #tpu.memory_space<semaphore_mem>>) src(%dma_wait3A_211 : memref<10000x64xf32, #tpu.memory_space<hbm>>) dst(%arg11 : memref<80x64xf32, #tpu.memory_space<vmem>>)
          %dma_start3A_212 = arith.constant 0 : i32
          %dma_start3A_213 = tpu.memref_slice %arg8[%add3A_205, %dma_start3A_212] : memref<80x80xi32, #tpu.memory_space<vmem>> -> memref<1x80xi32, #tpu.memory_space<vmem>>
          %dma_start3A_214 = tpu.memref_squeeze %dma_start3A_213 : memref<1x80xi32, #tpu.memory_space<vmem>> -> memref<80xi32, #tpu.memory_space<vmem>>
          %dma_start3A_215 = arith.constant 0 : i32
          %dma_start3A_216 = arith.constant 0 : i32
          %dma_start3A_217 = tpu.memref_slice %arg6[%dma_start3A_215, %dma_start3A_216] : memref<10240x64xf32, #tpu.memory_space<vmem_shared>> -> memref<10240x64xf32, #tpu.memory_space<vmem_shared>>
          tpu.enqueue_indirect_dma source(%arg11 : memref<80x64xf32, #tpu.memory_space<vmem>>) target(%dma_start3A_217 : memref<10240x64xf32, #tpu.memory_space<vmem_shared>>) offsets(%dma_start3A_214 : memref<80xi32, #tpu.memory_space<vmem>>) semaphore(%arg27 : memref<!tpu.dma_semaphore, #tpu.memory_space<semaphore_mem>>) {add = true}
          %add3A_218 = arith.constant 4 : i32
          %add3A_219 = arith.addi %add3A_205, %add3A_218 : i32
          %lt3A_220 = arith.constant 80 : i32
          %lt3A_221 = arith.cmpi slt, %add3A_219, %lt3A_220 : i32
          %convert_element_type3A_222 = arith.extui %lt3A_221 : i1 to i32
          %cond3A_223 = arith.constant 0 : i32
          %cond3A_224 = arith.cmpi ne, %convert_element_type3A_222, %cond3A_223 : i32
          scf.if %cond3A_224 {
            %ge3A = arith.constant 4 : i32
            %ge3A_341 = arith.cmpi sge, %add3A_205, %ge3A : i32
            %convert_element_type3A_342 = arith.extui %ge3A_341 : i1 to i32
            %cond3A_343 = arith.constant 0 : i32
            %cond3A_344 = arith.cmpi ne, %convert_element_type3A_342, %cond3A_343 : i32
            scf.if %cond3A_344 {
              %sub3A = arith.constant 4 : i32
              %sub3A_353 = arith.subi %add3A_205, %sub3A : i32
              %dma_wait3A_354 = arith.constant 0 : i32
              %dma_wait3A_355 = tpu.memref_slice %arg8[%sub3A_353, %dma_wait3A_354] : memref<80x80xi32, #tpu.memory_space<vmem>> -> memref<1x80xi32, #tpu.memory_space<vmem>>
              %dma_wait3A_356 = tpu.memref_squeeze %dma_wait3A_355 : memref<1x80xi32, #tpu.memory_space<vmem>> -> memref<80xi32, #tpu.memory_space<vmem>>
              %dma_wait3A_357 = arith.constant 0 : i32
              %dma_wait3A_358 = arith.constant 0 : i32
              %dma_wait3A_359 = tpu.memref_slice %arg6[%dma_wait3A_357, %dma_wait3A_358] : memref<10240x64xf32, #tpu.memory_space<vmem_shared>> -> memref<10240x64xf32, #tpu.memory_space<vmem_shared>>
              tpu.wait_indirect_dma semaphore(%arg31 : memref<!tpu.dma_semaphore, #tpu.memory_space<semaphore_mem>>) src(%arg15 : memref<80x64xf32, #tpu.memory_space<vmem>>) dst(%dma_wait3A_359 : memref<10240x64xf32, #tpu.memory_space<vmem_shared>>)
            } else {
            }
            %add3A_345 = arith.constant 4 : i32
            %add3A_346 = arith.addi %add3A_205, %add3A_345 : i32
            %dma_start3A_347 = arith.constant 0 : i32
            %dma_start3A_348 = tpu.memref_slice %arg7[%add3A_346, %dma_start3A_347] : memref<80x80xi32, #tpu.memory_space<vmem>> -> memref<1x80xi32, #tpu.memory_space<vmem>>
            %dma_start3A_349 = tpu.memref_squeeze %dma_start3A_348 : memref<1x80xi32, #tpu.memory_space<vmem>> -> memref<80xi32, #tpu.memory_space<vmem>>
            %dma_start3A_350 = arith.constant 0 : i32
            %dma_start3A_351 = arith.constant 0 : i32
            %dma_start3A_352 = tpu.memref_slice %arg4[%dma_start3A_350, %dma_start3A_351] : memref<10000x64xf32, #tpu.memory_space<hbm>> -> memref<10000x64xf32, #tpu.memory_space<hbm>>
            tpu.enqueue_indirect_dma source(%dma_start3A_352 : memref<10000x64xf32, #tpu.memory_space<hbm>>) target(%arg15 : memref<80x64xf32, #tpu.memory_space<vmem>>) offsets(%dma_start3A_349 : memref<80xi32, #tpu.memory_space<vmem>>) semaphore(%arg23 : memref<!tpu.dma_semaphore, #tpu.memory_space<semaphore_mem>>)
          } else {
          }
          %mul3A_225 = arith.constant 8 : i32
          %mul3A_226 = arith.muli %scan3A_155, %mul3A_225 : i32
          %add3A_227 = arith.constant 3 : i32
          %add3A_228 = arith.addi %mul3A_226, %add3A_227 : i32
          %dma_wait3A_229 = arith.constant 0 : i32
          %dma_wait3A_230 = tpu.memref_slice %arg7[%add3A_228, %dma_wait3A_229] : memref<80x80xi32, #tpu.memory_space<vmem>> -> memref<1x80xi32, #tpu.memory_space<vmem>>
          %dma_wait3A_231 = tpu.memref_squeeze %dma_wait3A_230 : memref<1x80xi32, #tpu.memory_space<vmem>> -> memref<80xi32, #tpu.memory_space<vmem>>
          %dma_wait3A_232 = arith.constant 0 : i32
          %dma_wait3A_233 = arith.constant 0 : i32
          %dma_wait3A_234 = tpu.memref_slice %arg4[%dma_wait3A_232, %dma_wait3A_233] : memref<10000x64xf32, #tpu.memory_space<hbm>> -> memref<10000x64xf32, #tpu.memory_space<hbm>>
          tpu.wait_indirect_dma semaphore(%arg20 : memref<!tpu.dma_semaphore, #tpu.memory_space<semaphore_mem>>) src(%dma_wait3A_234 : memref<10000x64xf32, #tpu.memory_space<hbm>>) dst(%arg12 : memref<80x64xf32, #tpu.memory_space<vmem>>)
          %dma_start3A_235 = arith.constant 0 : i32
          %dma_start3A_236 = tpu.memref_slice %arg8[%add3A_228, %dma_start3A_235] : memref<80x80xi32, #tpu.memory_space<vmem>> -> memref<1x80xi32, #tpu.memory_space<vmem>>
          %dma_start3A_237 = tpu.memref_squeeze %dma_start3A_236 : memref<1x80xi32, #tpu.memory_space<vmem>> -> memref<80xi32, #tpu.memory_space<vmem>>
          %dma_start3A_238 = arith.constant 0 : i32
          %dma_start3A_239 = arith.constant 0 : i32
          %dma_start3A_240 = tpu.memref_slice %arg6[%dma_start3A_238, %dma_start3A_239] : memref<10240x64xf32, #tpu.memory_space<vmem_shared>> -> memref<10240x64xf32, #tpu.memory_space<vmem_shared>>
          tpu.enqueue_indirect_dma source(%arg12 : memref<80x64xf32, #tpu.memory_space<vmem>>) target(%dma_start3A_240 : memref<10240x64xf32, #tpu.memory_space<vmem_shared>>) offsets(%dma_start3A_237 : memref<80xi32, #tpu.memory_space<vmem>>) semaphore(%arg28 : memref<!tpu.dma_semaphore, #tpu.memory_space<semaphore_mem>>) {add = true}
          %add3A_241 = arith.constant 4 : i32
          %add3A_242 = arith.addi %add3A_228, %add3A_241 : i32
          %lt3A_243 = arith.constant 80 : i32
          %lt3A_244 = arith.cmpi slt, %add3A_242, %lt3A_243 : i32
          %convert_element_type3A_245 = arith.extui %lt3A_244 : i1 to i32
          %cond3A_246 = arith.constant 0 : i32
          %cond3A_247 = arith.cmpi ne, %convert_element_type3A_245, %cond3A_246 : i32
          scf.if %cond3A_247 {
            %ge3A = arith.constant 4 : i32
            %ge3A_341 = arith.cmpi sge, %add3A_228, %ge3A : i32
            %convert_element_type3A_342 = arith.extui %ge3A_341 : i1 to i32
            %cond3A_343 = arith.constant 0 : i32
            %cond3A_344 = arith.cmpi ne, %convert_element_type3A_342, %cond3A_343 : i32
            scf.if %cond3A_344 {
              %sub3A = arith.constant 4 : i32
              %sub3A_353 = arith.subi %add3A_228, %sub3A : i32
              %dma_wait3A_354 = arith.constant 0 : i32
              %dma_wait3A_355 = tpu.memref_slice %arg8[%sub3A_353, %dma_wait3A_354] : memref<80x80xi32, #tpu.memory_space<vmem>> -> memref<1x80xi32, #tpu.memory_space<vmem>>
              %dma_wait3A_356 = tpu.memref_squeeze %dma_wait3A_355 : memref<1x80xi32, #tpu.memory_space<vmem>> -> memref<80xi32, #tpu.memory_space<vmem>>
              %dma_wait3A_357 = arith.constant 0 : i32
              %dma_wait3A_358 = arith.constant 0 : i32
              %dma_wait3A_359 = tpu.memref_slice %arg6[%dma_wait3A_357, %dma_wait3A_358] : memref<10240x64xf32, #tpu.memory_space<vmem_shared>> -> memref<10240x64xf32, #tpu.memory_space<vmem_shared>>
              tpu.wait_indirect_dma semaphore(%arg32 : memref<!tpu.dma_semaphore, #tpu.memory_space<semaphore_mem>>) src(%arg16 : memref<80x64xf32, #tpu.memory_space<vmem>>) dst(%dma_wait3A_359 : memref<10240x64xf32, #tpu.memory_space<vmem_shared>>)
            } else {
            }
            %add3A_345 = arith.constant 4 : i32
            %add3A_346 = arith.addi %add3A_228, %add3A_345 : i32
            %dma_start3A_347 = arith.constant 0 : i32
            %dma_start3A_348 = tpu.memref_slice %arg7[%add3A_346, %dma_start3A_347] : memref<80x80xi32, #tpu.memory_space<vmem>> -> memref<1x80xi32, #tpu.memory_space<vmem>>
            %dma_start3A_349 = tpu.memref_squeeze %dma_start3A_348 : memref<1x80xi32, #tpu.memory_space<vmem>> -> memref<80xi32, #tpu.memory_space<vmem>>
            %dma_start3A_350 = arith.constant 0 : i32
            %dma_start3A_351 = arith.constant 0 : i32
            %dma_start3A_352 = tpu.memref_slice %arg4[%dma_start3A_350, %dma_start3A_351] : memref<10000x64xf32, #tpu.memory_space<hbm>> -> memref<10000x64xf32, #tpu.memory_space<hbm>>
            tpu.enqueue_indirect_dma source(%dma_start3A_352 : memref<10000x64xf32, #tpu.memory_space<hbm>>) target(%arg16 : memref<80x64xf32, #tpu.memory_space<vmem>>) offsets(%dma_start3A_349 : memref<80xi32, #tpu.memory_space<vmem>>) semaphore(%arg24 : memref<!tpu.dma_semaphore, #tpu.memory_space<semaphore_mem>>)
          } else {
          }
          %mul3A_248 = arith.constant 8 : i32
          %mul3A_249 = arith.muli %scan3A_155, %mul3A_248 : i32
          %add3A_250 = arith.constant 4 : i32
          %add3A_251 = arith.addi %mul3A_249, %add3A_250 : i32
          %dma_wait3A_252 = arith.constant 0 : i32
          %dma_wait3A_253 = tpu.memref_slice %arg7[%add3A_251, %dma_wait3A_252] : memref<80x80xi32, #tpu.memory_space<vmem>> -> memref<1x80xi32, #tpu.memory_space<vmem>>
          %dma_wait3A_254 = tpu.memref_squeeze %dma_wait3A_253 : memref<1x80xi32, #tpu.memory_space<vmem>> -> memref<80xi32, #tpu.memory_space<vmem>>
          %dma_wait3A_255 = arith.constant 0 : i32
          %dma_wait3A_256 = arith.constant 0 : i32
          %dma_wait3A_257 = tpu.memref_slice %arg4[%dma_wait3A_255, %dma_wait3A_256] : memref<10000x64xf32, #tpu.memory_space<hbm>> -> memref<10000x64xf32, #tpu.memory_space<hbm>>
          tpu.wait_indirect_dma semaphore(%arg21 : memref<!tpu.dma_semaphore, #tpu.memory_space<semaphore_mem>>) src(%dma_wait3A_257 : memref<10000x64xf32, #tpu.memory_space<hbm>>) dst(%arg13 : memref<80x64xf32, #tpu.memory_space<vmem>>)
          %dma_start3A_258 = arith.constant 0 : i32
          %dma_start3A_259 = tpu.memref_slice %arg8[%add3A_251, %dma_start3A_258] : memref<80x80xi32, #tpu.memory_space<vmem>> -> memref<1x80xi32, #tpu.memory_space<vmem>>
          %dma_start3A_260 = tpu.memref_squeeze %dma_start3A_259 : memref<1x80xi32, #tpu.memory_space<vmem>> -> memref<80xi32, #tpu.memory_space<vmem>>
          %dma_start3A_261 = arith.constant 0 : i32
          %dma_start3A_262 = arith.constant 0 : i32
          %dma_start3A_263 = tpu.memref_slice %arg6[%dma_start3A_261, %dma_start3A_262] : memref<10240x64xf32, #tpu.memory_space<vmem_shared>> -> memref<10240x64xf32, #tpu.memory_space<vmem_shared>>
          tpu.enqueue_indirect_dma source(%arg13 : memref<80x64xf32, #tpu.memory_space<vmem>>) target(%dma_start3A_263 : memref<10240x64xf32, #tpu.memory_space<vmem_shared>>) offsets(%dma_start3A_260 : memref<80xi32, #tpu.memory_space<vmem>>) semaphore(%arg29 : memref<!tpu.dma_semaphore, #tpu.memory_space<semaphore_mem>>) {add = true}
          %add3A_264 = arith.constant 4 : i32
          %add3A_265 = arith.addi %add3A_251, %add3A_264 : i32
          %lt3A_266 = arith.constant 80 : i32
          %lt3A_267 = arith.cmpi slt, %add3A_265, %lt3A_266 : i32
          %convert_element_type3A_268 = arith.extui %lt3A_267 : i1 to i32
          %cond3A_269 = arith.constant 0 : i32
          %cond3A_270 = arith.cmpi ne, %convert_element_type3A_268, %cond3A_269 : i32
          scf.if %cond3A_270 {
            %ge3A = arith.constant 4 : i32
            %ge3A_341 = arith.cmpi sge, %add3A_251, %ge3A : i32
            %convert_element_type3A_342 = arith.extui %ge3A_341 : i1 to i32
            %cond3A_343 = arith.constant 0 : i32
            %cond3A_344 = arith.cmpi ne, %convert_element_type3A_342, %cond3A_343 : i32
            scf.if %cond3A_344 {
              %sub3A = arith.constant 4 : i32
              %sub3A_353 = arith.subi %add3A_251, %sub3A : i32
              %dma_wait3A_354 = arith.constant 0 : i32
              %dma_wait3A_355 = tpu.memref_slice %arg8[%sub3A_353, %dma_wait3A_354] : memref<80x80xi32, #tpu.memory_space<vmem>> -> memref<1x80xi32, #tpu.memory_space<vmem>>
              %dma_wait3A_356 = tpu.memref_squeeze %dma_wait3A_355 : memref<1x80xi32, #tpu.memory_space<vmem>> -> memref<80xi32, #tpu.memory_space<vmem>>
              %dma_wait3A_357 = arith.constant 0 : i32
              %dma_wait3A_358 = arith.constant 0 : i32
              %dma_wait3A_359 = tpu.memref_slice %arg6[%dma_wait3A_357, %dma_wait3A_358] : memref<10240x64xf32, #tpu.memory_space<vmem_shared>> -> memref<10240x64xf32, #tpu.memory_space<vmem_shared>>
              tpu.wait_indirect_dma semaphore(%arg25 : memref<!tpu.dma_semaphore, #tpu.memory_space<semaphore_mem>>) src(%arg9 : memref<80x64xf32, #tpu.memory_space<vmem>>) dst(%dma_wait3A_359 : memref<10240x64xf32, #tpu.memory_space<vmem_shared>>)
            } else {
            }
            %add3A_345 = arith.constant 4 : i32
            %add3A_346 = arith.addi %add3A_251, %add3A_345 : i32
            %dma_start3A_347 = arith.constant 0 : i32
            %dma_start3A_348 = tpu.memref_slice %arg7[%add3A_346, %dma_start3A_347] : memref<80x80xi32, #tpu.memory_space<vmem>> -> memref<1x80xi32, #tpu.memory_space<vmem>>
            %dma_start3A_349 = tpu.memref_squeeze %dma_start3A_348 : memref<1x80xi32, #tpu.memory_space<vmem>> -> memref<80xi32, #tpu.memory_space<vmem>>
            %dma_start3A_350 = arith.constant 0 : i32
            %dma_start3A_351 = arith.constant 0 : i32
            %dma_start3A_352 = tpu.memref_slice %arg4[%dma_start3A_350, %dma_start3A_351] : memref<10000x64xf32, #tpu.memory_space<hbm>> -> memref<10000x64xf32, #tpu.memory_space<hbm>>
            tpu.enqueue_indirect_dma source(%dma_start3A_352 : memref<10000x64xf32, #tpu.memory_space<hbm>>) target(%arg9 : memref<80x64xf32, #tpu.memory_space<vmem>>) offsets(%dma_start3A_349 : memref<80xi32, #tpu.memory_space<vmem>>) semaphore(%arg17 : memref<!tpu.dma_semaphore, #tpu.memory_space<semaphore_mem>>)
          } else {
          }
          %mul3A_271 = arith.constant 8 : i32
          %mul3A_272 = arith.muli %scan3A_155, %mul3A_271 : i32
          %add3A_273 = arith.constant 5 : i32
          %add3A_274 = arith.addi %mul3A_272, %add3A_273 : i32
          %dma_wait3A_275 = arith.constant 0 : i32
          %dma_wait3A_276 = tpu.memref_slice %arg7[%add3A_274, %dma_wait3A_275] : memref<80x80xi32, #tpu.memory_space<vmem>> -> memref<1x80xi32, #tpu.memory_space<vmem>>
          %dma_wait3A_277 = tpu.memref_squeeze %dma_wait3A_276 : memref<1x80xi32, #tpu.memory_space<vmem>> -> memref<80xi32, #tpu.memory_space<vmem>>
          %dma_wait3A_278 = arith.constant 0 : i32
          %dma_wait3A_279 = arith.constant 0 : i32
          %dma_wait3A_280 = tpu.memref_slice %arg4[%dma_wait3A_278, %dma_wait3A_279] : memref<10000x64xf32, #tpu.memory_space<hbm>> -> memref<10000x64xf32, #tpu.memory_space<hbm>>
          tpu.wait_indirect_dma semaphore(%arg22 : memref<!tpu.dma_semaphore, #tpu.memory_space<semaphore_mem>>) src(%dma_wait3A_280 : memref<10000x64xf32, #tpu.memory_space<hbm>>) dst(%arg14 : memref<80x64xf32, #tpu.memory_space<vmem>>)
          %dma_start3A_281 = arith.constant 0 : i32
          %dma_start3A_282 = tpu.memref_slice %arg8[%add3A_274, %dma_start3A_281] : memref<80x80xi32, #tpu.memory_space<vmem>> -> memref<1x80xi32, #tpu.memory_space<vmem>>
          %dma_start3A_283 = tpu.memref_squeeze %dma_start3A_282 : memref<1x80xi32, #tpu.memory_space<vmem>> -> memref<80xi32, #tpu.memory_space<vmem>>
          %dma_start3A_284 = arith.constant 0 : i32
          %dma_start3A_285 = arith.constant 0 : i32
          %dma_start3A_286 = tpu.memref_slice %arg6[%dma_start3A_284, %dma_start3A_285] : memref<10240x64xf32, #tpu.memory_space<vmem_shared>> -> memref<10240x64xf32, #tpu.memory_space<vmem_shared>>
          tpu.enqueue_indirect_dma source(%arg14 : memref<80x64xf32, #tpu.memory_space<vmem>>) target(%dma_start3A_286 : memref<10240x64xf32, #tpu.memory_space<vmem_shared>>) offsets(%dma_start3A_283 : memref<80xi32, #tpu.memory_space<vmem>>) semaphore(%arg30 : memref<!tpu.dma_semaphore, #tpu.memory_space<semaphore_mem>>) {add = true}
          %add3A_287 = arith.constant 4 : i32
          %add3A_288 = arith.addi %add3A_274, %add3A_287 : i32
          %lt3A_289 = arith.constant 80 : i32
          %lt3A_290 = arith.cmpi slt, %add3A_288, %lt3A_289 : i32
          %convert_element_type3A_291 = arith.extui %lt3A_290 : i1 to i32
          %cond3A_292 = arith.constant 0 : i32
          %cond3A_293 = arith.cmpi ne, %convert_element_type3A_291, %cond3A_292 : i32
          scf.if %cond3A_293 {
            %ge3A = arith.constant 4 : i32
            %ge3A_341 = arith.cmpi sge, %add3A_274, %ge3A : i32
            %convert_element_type3A_342 = arith.extui %ge3A_341 : i1 to i32
            %cond3A_343 = arith.constant 0 : i32
            %cond3A_344 = arith.cmpi ne, %convert_element_type3A_342, %cond3A_343 : i32
            scf.if %cond3A_344 {
              %sub3A = arith.constant 4 : i32
              %sub3A_353 = arith.subi %add3A_274, %sub3A : i32
              %dma_wait3A_354 = arith.constant 0 : i32
              %dma_wait3A_355 = tpu.memref_slice %arg8[%sub3A_353, %dma_wait3A_354] : memref<80x80xi32, #tpu.memory_space<vmem>> -> memref<1x80xi32, #tpu.memory_space<vmem>>
              %dma_wait3A_356 = tpu.memref_squeeze %dma_wait3A_355 : memref<1x80xi32, #tpu.memory_space<vmem>> -> memref<80xi32, #tpu.memory_space<vmem>>
              %dma_wait3A_357 = arith.constant 0 : i32
              %dma_wait3A_358 = arith.constant 0 : i32
              %dma_wait3A_359 = tpu.memref_slice %arg6[%dma_wait3A_357, %dma_wait3A_358] : memref<10240x64xf32, #tpu.memory_space<vmem_shared>> -> memref<10240x64xf32, #tpu.memory_space<vmem_shared>>
              tpu.wait_indirect_dma semaphore(%arg26 : memref<!tpu.dma_semaphore, #tpu.memory_space<semaphore_mem>>) src(%arg10 : memref<80x64xf32, #tpu.memory_space<vmem>>) dst(%dma_wait3A_359 : memref<10240x64xf32, #tpu.memory_space<vmem_shared>>)
            } else {
            }
            %add3A_345 = arith.constant 4 : i32
            %add3A_346 = arith.addi %add3A_274, %add3A_345 : i32
            %dma_start3A_347 = arith.constant 0 : i32
            %dma_start3A_348 = tpu.memref_slice %arg7[%add3A_346, %dma_start3A_347] : memref<80x80xi32, #tpu.memory_space<vmem>> -> memref<1x80xi32, #tpu.memory_space<vmem>>
            %dma_start3A_349 = tpu.memref_squeeze %dma_start3A_348 : memref<1x80xi32, #tpu.memory_space<vmem>> -> memref<80xi32, #tpu.memory_space<vmem>>
            %dma_start3A_350 = arith.constant 0 : i32
            %dma_start3A_351 = arith.constant 0 : i32
            %dma_start3A_352 = tpu.memref_slice %arg4[%dma_start3A_350, %dma_start3A_351] : memref<10000x64xf32, #tpu.memory_space<hbm>> -> memref<10000x64xf32, #tpu.memory_space<hbm>>
            tpu.enqueue_indirect_dma source(%dma_start3A_352 : memref<10000x64xf32, #tpu.memory_space<hbm>>) target(%arg10 : memref<80x64xf32, #tpu.memory_space<vmem>>) offsets(%dma_start3A_349 : memref<80xi32, #tpu.memory_space<vmem>>) semaphore(%arg18 : memref<!tpu.dma_semaphore, #tpu.memory_space<semaphore_mem>>)
          } else {
          }
          %mul3A_294 = arith.constant 8 : i32
          %mul3A_295 = arith.muli %scan3A_155, %mul3A_294 : i32
          %add3A_296 = arith.constant 6 : i32
          %add3A_297 = arith.addi %mul3A_295, %add3A_296 : i32
          %dma_wait3A_298 = arith.constant 0 : i32
          %dma_wait3A_299 = tpu.memref_slice %arg7[%add3A_297, %dma_wait3A_298] : memref<80x80xi32, #tpu.memory_space<vmem>> -> memref<1x80xi32, #tpu.memory_space<vmem>>
          %dma_wait3A_300 = tpu.memref_squeeze %dma_wait3A_299 : memref<1x80xi32, #tpu.memory_space<vmem>> -> memref<80xi32, #tpu.memory_space<vmem>>
          %dma_wait3A_301 = arith.constant 0 : i32
          %dma_wait3A_302 = arith.constant 0 : i32
          %dma_wait3A_303 = tpu.memref_slice %arg4[%dma_wait3A_301, %dma_wait3A_302] : memref<10000x64xf32, #tpu.memory_space<hbm>> -> memref<10000x64xf32, #tpu.memory_space<hbm>>
          tpu.wait_indirect_dma semaphore(%arg23 : memref<!tpu.dma_semaphore, #tpu.memory_space<semaphore_mem>>) src(%dma_wait3A_303 : memref<10000x64xf32, #tpu.memory_space<hbm>>) dst(%arg15 : memref<80x64xf32, #tpu.memory_space<vmem>>)
          %dma_start3A_304 = arith.constant 0 : i32
          %dma_start3A_305 = tpu.memref_slice %arg8[%add3A_297, %dma_start3A_304] : memref<80x80xi32, #tpu.memory_space<vmem>> -> memref<1x80xi32, #tpu.memory_space<vmem>>
          %dma_start3A_306 = tpu.memref_squeeze %dma_start3A_305 : memref<1x80xi32, #tpu.memory_space<vmem>> -> memref<80xi32, #tpu.memory_space<vmem>>
          %dma_start3A_307 = arith.constant 0 : i32
          %dma_start3A_308 = arith.constant 0 : i32
          %dma_start3A_309 = tpu.memref_slice %arg6[%dma_start3A_307, %dma_start3A_308] : memref<10240x64xf32, #tpu.memory_space<vmem_shared>> -> memref<10240x64xf32, #tpu.memory_space<vmem_shared>>
          tpu.enqueue_indirect_dma source(%arg15 : memref<80x64xf32, #tpu.memory_space<vmem>>) target(%dma_start3A_309 : memref<10240x64xf32, #tpu.memory_space<vmem_shared>>) offsets(%dma_start3A_306 : memref<80xi32, #tpu.memory_space<vmem>>) semaphore(%arg31 : memref<!tpu.dma_semaphore, #tpu.memory_space<semaphore_mem>>) {add = true}
          %add3A_310 = arith.constant 4 : i32
          %add3A_311 = arith.addi %add3A_297, %add3A_310 : i32
          %lt3A_312 = arith.constant 80 : i32
          %lt3A_313 = arith.cmpi slt, %add3A_311, %lt3A_312 : i32
          %convert_element_type3A_314 = arith.extui %lt3A_313 : i1 to i32
          %cond3A_315 = arith.constant 0 : i32
          %cond3A_316 = arith.cmpi ne, %convert_element_type3A_314, %cond3A_315 : i32
          scf.if %cond3A_316 {
            %ge3A = arith.constant 4 : i32
            %ge3A_341 = arith.cmpi sge, %add3A_297, %ge3A : i32
            %convert_element_type3A_342 = arith.extui %ge3A_341 : i1 to i32
            %cond3A_343 = arith.constant 0 : i32
            %cond3A_344 = arith.cmpi ne, %convert_element_type3A_342, %cond3A_343 : i32
            scf.if %cond3A_344 {
              %sub3A = arith.constant 4 : i32
              %sub3A_353 = arith.subi %add3A_297, %sub3A : i32
              %dma_wait3A_354 = arith.constant 0 : i32
              %dma_wait3A_355 = tpu.memref_slice %arg8[%sub3A_353, %dma_wait3A_354] : memref<80x80xi32, #tpu.memory_space<vmem>> -> memref<1x80xi32, #tpu.memory_space<vmem>>
              %dma_wait3A_356 = tpu.memref_squeeze %dma_wait3A_355 : memref<1x80xi32, #tpu.memory_space<vmem>> -> memref<80xi32, #tpu.memory_space<vmem>>
              %dma_wait3A_357 = arith.constant 0 : i32
              %dma_wait3A_358 = arith.constant 0 : i32
              %dma_wait3A_359 = tpu.memref_slice %arg6[%dma_wait3A_357, %dma_wait3A_358] : memref<10240x64xf32, #tpu.memory_space<vmem_shared>> -> memref<10240x64xf32, #tpu.memory_space<vmem_shared>>
              tpu.wait_indirect_dma semaphore(%arg27 : memref<!tpu.dma_semaphore, #tpu.memory_space<semaphore_mem>>) src(%arg11 : memref<80x64xf32, #tpu.memory_space<vmem>>) dst(%dma_wait3A_359 : memref<10240x64xf32, #tpu.memory_space<vmem_shared>>)
            } else {
            }
            %add3A_345 = arith.constant 4 : i32
            %add3A_346 = arith.addi %add3A_297, %add3A_345 : i32
            %dma_start3A_347 = arith.constant 0 : i32
            %dma_start3A_348 = tpu.memref_slice %arg7[%add3A_346, %dma_start3A_347] : memref<80x80xi32, #tpu.memory_space<vmem>> -> memref<1x80xi32, #tpu.memory_space<vmem>>
            %dma_start3A_349 = tpu.memref_squeeze %dma_start3A_348 : memref<1x80xi32, #tpu.memory_space<vmem>> -> memref<80xi32, #tpu.memory_space<vmem>>
            %dma_start3A_350 = arith.constant 0 : i32
            %dma_start3A_351 = arith.constant 0 : i32
            %dma_start3A_352 = tpu.memref_slice %arg4[%dma_start3A_350, %dma_start3A_351] : memref<10000x64xf32, #tpu.memory_space<hbm>> -> memref<10000x64xf32, #tpu.memory_space<hbm>>
            tpu.enqueue_indirect_dma source(%dma_start3A_352 : memref<10000x64xf32, #tpu.memory_space<hbm>>) target(%arg11 : memref<80x64xf32, #tpu.memory_space<vmem>>) offsets(%dma_start3A_349 : memref<80xi32, #tpu.memory_space<vmem>>) semaphore(%arg19 : memref<!tpu.dma_semaphore, #tpu.memory_space<semaphore_mem>>)
          } else {
          }
          %mul3A_317 = arith.constant 8 : i32
          %mul3A_318 = arith.muli %scan3A_155, %mul3A_317 : i32
          %add3A_319 = arith.constant 7 : i32
          %add3A_320 = arith.addi %mul3A_318, %add3A_319 : i32
          %dma_wait3A_321 = arith.constant 0 : i32
          %dma_wait3A_322 = tpu.memref_slice %arg7[%add3A_320, %dma_wait3A_321] : memref<80x80xi32, #tpu.memory_space<vmem>> -> memref<1x80xi32, #tpu.memory_space<vmem>>
          %dma_wait3A_323 = tpu.memref_squeeze %dma_wait3A_322 : memref<1x80xi32, #tpu.memory_space<vmem>> -> memref<80xi32, #tpu.memory_space<vmem>>
          %dma_wait3A_324 = arith.constant 0 : i32
          %dma_wait3A_325 = arith.constant 0 : i32
          %dma_wait3A_326 = tpu.memref_slice %arg4[%dma_wait3A_324, %dma_wait3A_325] : memref<10000x64xf32, #tpu.memory_space<hbm>> -> memref<10000x64xf32, #tpu.memory_space<hbm>>
          tpu.wait_indirect_dma semaphore(%arg24 : memref<!tpu.dma_semaphore, #tpu.memory_space<semaphore_mem>>) src(%dma_wait3A_326 : memref<10000x64xf32, #tpu.memory_space<hbm>>) dst(%arg16 : memref<80x64xf32, #tpu.memory_space<vmem>>)
          %dma_start3A_327 = arith.constant 0 : i32
          %dma_start3A_328 = tpu.memref_slice %arg8[%add3A_320, %dma_start3A_327] : memref<80x80xi32, #tpu.memory_space<vmem>> -> memref<1x80xi32, #tpu.memory_space<vmem>>
          %dma_start3A_329 = tpu.memref_squeeze %dma_start3A_328 : memref<1x80xi32, #tpu.memory_space<vmem>> -> memref<80xi32, #tpu.memory_space<vmem>>
          %dma_start3A_330 = arith.constant 0 : i32
          %dma_start3A_331 = arith.constant 0 : i32
          %dma_start3A_332 = tpu.memref_slice %arg6[%dma_start3A_330, %dma_start3A_331] : memref<10240x64xf32, #tpu.memory_space<vmem_shared>> -> memref<10240x64xf32, #tpu.memory_space<vmem_shared>>
          tpu.enqueue_indirect_dma source(%arg16 : memref<80x64xf32, #tpu.memory_space<vmem>>) target(%dma_start3A_332 : memref<10240x64xf32, #tpu.memory_space<vmem_shared>>) offsets(%dma_start3A_329 : memref<80xi32, #tpu.memory_space<vmem>>) semaphore(%arg32 : memref<!tpu.dma_semaphore, #tpu.memory_space<semaphore_mem>>) {add = true}
          %add3A_333 = arith.constant 4 : i32
          %add3A_334 = arith.addi %add3A_320, %add3A_333 : i32
          %lt3A_335 = arith.constant 80 : i32
          %lt3A_336 = arith.cmpi slt, %add3A_334, %lt3A_335 : i32
          %convert_element_type3A_337 = arith.extui %lt3A_336 : i1 to i32
          %cond3A_338 = arith.constant 0 : i32
          %cond3A_339 = arith.cmpi ne, %convert_element_type3A_337, %cond3A_338 : i32
          scf.if %cond3A_339 {
            %ge3A = arith.constant 4 : i32
            %ge3A_341 = arith.cmpi sge, %add3A_320, %ge3A : i32
            %convert_element_type3A_342 = arith.extui %ge3A_341 : i1 to i32
            %cond3A_343 = arith.constant 0 : i32
            %cond3A_344 = arith.cmpi ne, %convert_element_type3A_342, %cond3A_343 : i32
            scf.if %cond3A_344 {
              %sub3A = arith.constant 4 : i32
              %sub3A_353 = arith.subi %add3A_320, %sub3A : i32
              %dma_wait3A_354 = arith.constant 0 : i32
              %dma_wait3A_355 = tpu.memref_slice %arg8[%sub3A_353, %dma_wait3A_354] : memref<80x80xi32, #tpu.memory_space<vmem>> -> memref<1x80xi32, #tpu.memory_space<vmem>>
              %dma_wait3A_356 = tpu.memref_squeeze %dma_wait3A_355 : memref<1x80xi32, #tpu.memory_space<vmem>> -> memref<80xi32, #tpu.memory_space<vmem>>
              %dma_wait3A_357 = arith.constant 0 : i32
              %dma_wait3A_358 = arith.constant 0 : i32
              %dma_wait3A_359 = tpu.memref_slice %arg6[%dma_wait3A_357, %dma_wait3A_358] : memref<10240x64xf32, #tpu.memory_space<vmem_shared>> -> memref<10240x64xf32, #tpu.memory_space<vmem_shared>>
              tpu.wait_indirect_dma semaphore(%arg28 : memref<!tpu.dma_semaphore, #tpu.memory_space<semaphore_mem>>) src(%arg12 : memref<80x64xf32, #tpu.memory_space<vmem>>) dst(%dma_wait3A_359 : memref<10240x64xf32, #tpu.memory_space<vmem_shared>>)
            } else {
            }
            %add3A_345 = arith.constant 4 : i32
            %add3A_346 = arith.addi %add3A_320, %add3A_345 : i32
            %dma_start3A_347 = arith.constant 0 : i32
            %dma_start3A_348 = tpu.memref_slice %arg7[%add3A_346, %dma_start3A_347] : memref<80x80xi32, #tpu.memory_space<vmem>> -> memref<1x80xi32, #tpu.memory_space<vmem>>
            %dma_start3A_349 = tpu.memref_squeeze %dma_start3A_348 : memref<1x80xi32, #tpu.memory_space<vmem>> -> memref<80xi32, #tpu.memory_space<vmem>>
            %dma_start3A_350 = arith.constant 0 : i32
            %dma_start3A_351 = arith.constant 0 : i32
            %dma_start3A_352 = tpu.memref_slice %arg4[%dma_start3A_350, %dma_start3A_351] : memref<10000x64xf32, #tpu.memory_space<hbm>> -> memref<10000x64xf32, #tpu.memory_space<hbm>>
            tpu.enqueue_indirect_dma source(%dma_start3A_352 : memref<10000x64xf32, #tpu.memory_space<hbm>>) target(%arg12 : memref<80x64xf32, #tpu.memory_space<vmem>>) offsets(%dma_start3A_349 : memref<80xi32, #tpu.memory_space<vmem>>) semaphore(%arg20 : memref<!tpu.dma_semaphore, #tpu.memory_space<semaphore_mem>>)
          } else {
          }
          %scan3A_340 = arith.constant 0 : i32
          scf.yield %scan3A_340 : i32
        }
        %scan3A_98 = arith.constant 10 : i32
        %dma_wait3A = arith.constant 72 : i32
        %dma_wait3A_99 = arith.constant 0 : i32
        %dma_wait3A_100 = tpu.memref_slice %arg8[%dma_wait3A, %dma_wait3A_99] : memref<80x80xi32, #tpu.memory_space<vmem>> -> memref<1x80xi32, #tpu.memory_space<vmem>>
        %dma_wait3A_101 = tpu.memref_squeeze %dma_wait3A_100 : memref<1x80xi32, #tpu.memory_space<vmem>> -> memref<80xi32, #tpu.memory_space<vmem>>
        %dma_wait3A_102 = arith.constant 0 : i32
        %dma_wait3A_103 = arith.constant 0 : i32
        %dma_wait3A_104 = tpu.memref_slice %arg6[%dma_wait3A_102, %dma_wait3A_103] : memref<10240x64xf32, #tpu.memory_space<vmem_shared>> -> memref<10240x64xf32, #tpu.memory_space<vmem_shared>>
        tpu.wait_indirect_dma semaphore(%arg25 : memref<!tpu.dma_semaphore, #tpu.memory_space<semaphore_mem>>) src(%arg9 : memref<80x64xf32, #tpu.memory_space<vmem>>) dst(%dma_wait3A_104 : memref<10240x64xf32, #tpu.memory_space<vmem_shared>>)
        %dma_wait3A_105 = arith.constant 73 : i32
        %dma_wait3A_106 = arith.constant 0 : i32
        %dma_wait3A_107 = tpu.memref_slice %arg8[%dma_wait3A_105, %dma_wait3A_106] : memref<80x80xi32, #tpu.memory_space<vmem>> -> memref<1x80xi32, #tpu.memory_space<vmem>>
        %dma_wait3A_108 = tpu.memref_squeeze %dma_wait3A_107 : memref<1x80xi32, #tpu.memory_space<vmem>> -> memref<80xi32, #tpu.memory_space<vmem>>
        %dma_wait3A_109 = arith.constant 0 : i32
        %dma_wait3A_110 = arith.constant 0 : i32
        %dma_wait3A_111 = tpu.memref_slice %arg6[%dma_wait3A_109, %dma_wait3A_110] : memref<10240x64xf32, #tpu.memory_space<vmem_shared>> -> memref<10240x64xf32, #tpu.memory_space<vmem_shared>>
        tpu.wait_indirect_dma semaphore(%arg26 : memref<!tpu.dma_semaphore, #tpu.memory_space<semaphore_mem>>) src(%arg10 : memref<80x64xf32, #tpu.memory_space<vmem>>) dst(%dma_wait3A_111 : memref<10240x64xf32, #tpu.memory_space<vmem_shared>>)
        %dma_wait3A_112 = arith.constant 74 : i32
        %dma_wait3A_113 = arith.constant 0 : i32
        %dma_wait3A_114 = tpu.memref_slice %arg8[%dma_wait3A_112, %dma_wait3A_113] : memref<80x80xi32, #tpu.memory_space<vmem>> -> memref<1x80xi32, #tpu.memory_space<vmem>>
        %dma_wait3A_115 = tpu.memref_squeeze %dma_wait3A_114 : memref<1x80xi32, #tpu.memory_space<vmem>> -> memref<80xi32, #tpu.memory_space<vmem>>
        %dma_wait3A_116 = arith.constant 0 : i32
        %dma_wait3A_117 = arith.constant 0 : i32
        %dma_wait3A_118 = tpu.memref_slice %arg6[%dma_wait3A_116, %dma_wait3A_117] : memref<10240x64xf32, #tpu.memory_space<vmem_shared>> -> memref<10240x64xf32, #tpu.memory_space<vmem_shared>>
        tpu.wait_indirect_dma semaphore(%arg27 : memref<!tpu.dma_semaphore, #tpu.memory_space<semaphore_mem>>) src(%arg11 : memref<80x64xf32, #tpu.memory_space<vmem>>) dst(%dma_wait3A_118 : memref<10240x64xf32, #tpu.memory_space<vmem_shared>>)
        %dma_wait3A_119 = arith.constant 75 : i32
        %dma_wait3A_120 = arith.constant 0 : i32
        %dma_wait3A_121 = tpu.memref_slice %arg8[%dma_wait3A_119, %dma_wait3A_120] : memref<80x80xi32, #tpu.memory_space<vmem>> -> memref<1x80xi32, #tpu.memory_space<vmem>>
        %dma_wait3A_122 = tpu.memref_squeeze %dma_wait3A_121 : memref<1x80xi32, #tpu.memory_space<vmem>> -> memref<80xi32, #tpu.memory_space<vmem>>
        %dma_wait3A_123 = arith.constant 0 : i32
        %dma_wait3A_124 = arith.constant 0 : i32
        %dma_wait3A_125 = tpu.memref_slice %arg6[%dma_wait3A_123, %dma_wait3A_124] : memref<10240x64xf32, #tpu.memory_space<vmem_shared>> -> memref<10240x64xf32, #tpu.memory_space<vmem_shared>>
        tpu.wait_indirect_dma semaphore(%arg28 : memref<!tpu.dma_semaphore, #tpu.memory_space<semaphore_mem>>) src(%arg12 : memref<80x64xf32, #tpu.memory_space<vmem>>) dst(%dma_wait3A_125 : memref<10240x64xf32, #tpu.memory_space<vmem_shared>>)
        %dma_wait3A_126 = arith.constant 76 : i32
        %dma_wait3A_127 = arith.constant 0 : i32
        %dma_wait3A_128 = tpu.memref_slice %arg8[%dma_wait3A_126, %dma_wait3A_127] : memref<80x80xi32, #tpu.memory_space<vmem>> -> memref<1x80xi32, #tpu.memory_space<vmem>>
        %dma_wait3A_129 = tpu.memref_squeeze %dma_wait3A_128 : memref<1x80xi32, #tpu.memory_space<vmem>> -> memref<80xi32, #tpu.memory_space<vmem>>
        %dma_wait3A_130 = arith.constant 0 : i32
        %dma_wait3A_131 = arith.constant 0 : i32
        %dma_wait3A_132 = tpu.memref_slice %arg6[%dma_wait3A_130, %dma_wait3A_131] : memref<10240x64xf32, #tpu.memory_space<vmem_shared>> -> memref<10240x64xf32, #tpu.memory_space<vmem_shared>>
        tpu.wait_indirect_dma semaphore(%arg29 : memref<!tpu.dma_semaphore, #tpu.memory_space<semaphore_mem>>) src(%arg13 : memref<80x64xf32, #tpu.memory_space<vmem>>) dst(%dma_wait3A_132 : memref<10240x64xf32, #tpu.memory_space<vmem_shared>>)
        %dma_wait3A_133 = arith.constant 77 : i32
        %dma_wait3A_134 = arith.constant 0 : i32
        %dma_wait3A_135 = tpu.memref_slice %arg8[%dma_wait3A_133, %dma_wait3A_134] : memref<80x80xi32, #tpu.memory_space<vmem>> -> memref<1x80xi32, #tpu.memory_space<vmem>>
        %dma_wait3A_136 = tpu.memref_squeeze %dma_wait3A_135 : memref<1x80xi32, #tpu.memory_space<vmem>> -> memref<80xi32, #tpu.memory_space<vmem>>
        %dma_wait3A_137 = arith.constant 0 : i32
        %dma_wait3A_138 = arith.constant 0 : i32
        %dma_wait3A_139 = tpu.memref_slice %arg6[%dma_wait3A_137, %dma_wait3A_138] : memref<10240x64xf32, #tpu.memory_space<vmem_shared>> -> memref<10240x64xf32, #tpu.memory_space<vmem_shared>>
        tpu.wait_indirect_dma semaphore(%arg30 : memref<!tpu.dma_semaphore, #tpu.memory_space<semaphore_mem>>) src(%arg14 : memref<80x64xf32, #tpu.memory_space<vmem>>) dst(%dma_wait3A_139 : memref<10240x64xf32, #tpu.memory_space<vmem_shared>>)
        %dma_wait3A_140 = arith.constant 78 : i32
        %dma_wait3A_141 = arith.constant 0 : i32
        %dma_wait3A_142 = tpu.memref_slice %arg8[%dma_wait3A_140, %dma_wait3A_141] : memref<80x80xi32, #tpu.memory_space<vmem>> -> memref<1x80xi32, #tpu.memory_space<vmem>>
        %dma_wait3A_143 = tpu.memref_squeeze %dma_wait3A_142 : memref<1x80xi32, #tpu.memory_space<vmem>> -> memref<80xi32, #tpu.memory_space<vmem>>
        %dma_wait3A_144 = arith.constant 0 : i32
        %dma_wait3A_145 = arith.constant 0 : i32
        %dma_wait3A_146 = tpu.memref_slice %arg6[%dma_wait3A_144, %dma_wait3A_145] : memref<10240x64xf32, #tpu.memory_space<vmem_shared>> -> memref<10240x64xf32, #tpu.memory_space<vmem_shared>>
        tpu.wait_indirect_dma semaphore(%arg31 : memref<!tpu.dma_semaphore, #tpu.memory_space<semaphore_mem>>) src(%arg15 : memref<80x64xf32, #tpu.memory_space<vmem>>) dst(%dma_wait3A_146 : memref<10240x64xf32, #tpu.memory_space<vmem_shared>>)
        %dma_wait3A_147 = arith.constant 79 : i32
        %dma_wait3A_148 = arith.constant 0 : i32
        %dma_wait3A_149 = tpu.memref_slice %arg8[%dma_wait3A_147, %dma_wait3A_148] : memref<80x80xi32, #tpu.memory_space<vmem>> -> memref<1x80xi32, #tpu.memory_space<vmem>>
        %dma_wait3A_150 = tpu.memref_squeeze %dma_wait3A_149 : memref<1x80xi32, #tpu.memory_space<vmem>> -> memref<80xi32, #tpu.memory_space<vmem>>
        %dma_wait3A_151 = arith.constant 0 : i32
        %dma_wait3A_152 = arith.constant 0 : i32
        %dma_wait3A_153 = tpu.memref_slice %arg6[%dma_wait3A_151, %dma_wait3A_152] : memref<10240x64xf32, #tpu.memory_space<vmem_shared>> -> memref<10240x64xf32, #tpu.memory_space<vmem_shared>>
        tpu.wait_indirect_dma semaphore(%arg32 : memref<!tpu.dma_semaphore, #tpu.memory_space<semaphore_mem>>) src(%arg16 : memref<80x64xf32, #tpu.memory_space<vmem>>) dst(%dma_wait3A_153 : memref<10240x64xf32, #tpu.memory_space<vmem_shared>>)
        %scan3A_154 = arith.constant 0 : i32
        scf.yield %scan3A_154 : i32
      }
      %scan3A_56 = arith.constant 3 : i32
    } else {
    }
    %eq3A_38 = arith.constant 1 : i32
    %eq3A_39 = arith.cmpi eq, %arg0, %eq3A_38 : i32
    %convert_element_type3A_40 = arith.extui %eq3A_39 : i1 to i32
    %cond3A_41 = arith.constant 0 : i32
    %cond3A_42 = arith.cmpi ne, %convert_element_type3A_40, %cond3A_41 : i32
    scf.if %cond3A_42 {
      %mul3A_48 = arith.constant 16 : i32
      %mul3A_49 = arith.muli %arg1, %mul3A_48 : i32
      %add3A_50 = arith.constant 3840 : i32
      %add3A_51 = arith.addi %add3A_50, %mul3A_49 : i32
      %scan3A_52 = arith.constant 0 : i32
      %scan3A_53 = arith.constant 0 : i32
      %mul3A_54 = arith.constant 16 : i32
      %mul3A_55 = arith.muli %scan3A_53, %mul3A_54 : i32
      %add3A_56 = arith.addi %add3A_51, %mul3A_55 : i32
      "tpu.region"() ({
        %run_scoped3A = tpu.sem_alloc : memref<!tpu.dma_semaphore, #tpu.memory_space<semaphore_mem>>
        %dma_start3A_151 = arith.constant 0 : i32
        %dma_start3A_152 = arith.constant 0 : i32
        %dma_start3A_153 = tpu.memref_slice %arg7[%dma_start3A_151, %dma_start3A_152] : memref<80x80xi32, #tpu.memory_space<vmem>> -> memref<16x80xi32, #tpu.memory_space<vmem>>
        %dma_start3A_154 = arith.constant 0 : i32
        %dma_start3A_155 = tpu.memref_slice %arg2[%add3A_56, %dma_start3A_154] : memref<4096x80xi32, #tpu.memory_space<hbm>> -> memref<16x80xi32, #tpu.memory_space<hbm>>
        %dma_start3A_156 = arith.constant 0 : i32
        %dma_start3A_157 = arith.constant 0 : i32
        %dma_start3A_158 = tpu.memref_slice %arg7[%dma_start3A_156, %dma_start3A_157] : memref<80x80xi32, #tpu.memory_space<vmem>> -> memref<16x80xi32, #tpu.memory_space<vmem>>
        %dma_start3A_159 = arith.constant 0 : i32
        %dma_start3A_160 = tpu.memref_slice %arg2[%add3A_56, %dma_start3A_159] : memref<4096x80xi32, #tpu.memory_space<hbm>> -> memref<16x80xi32, #tpu.memory_space<hbm>>
        tpu.enqueue_dma source(%dma_start3A_160 : memref<16x80xi32, #tpu.memory_space<hbm>>) target(%dma_start3A_158 : memref<16x80xi32, #tpu.memory_space<vmem>>) target_semaphore(%run_scoped3A : memref<!tpu.dma_semaphore, #tpu.memory_space<semaphore_mem>>)
        %dma_wait3A_161 = arith.constant 0 : i32
        %dma_wait3A_162 = arith.constant 0 : i32
        %dma_wait3A_163 = tpu.memref_slice %arg7[%dma_wait3A_161, %dma_wait3A_162] : memref<80x80xi32, #tpu.memory_space<vmem>> -> memref<16x80xi32, #tpu.memory_space<vmem>>
        %dma_wait3A_164 = arith.constant 0 : i32
        %dma_wait3A_165 = tpu.memref_slice %arg2[%add3A_56, %dma_wait3A_164] : memref<4096x80xi32, #tpu.memory_space<hbm>> -> memref<16x80xi32, #tpu.memory_space<hbm>>
        %dma_wait3A_166 = arith.constant 0 : i32
        %dma_wait3A_167 = arith.constant 0 : i32
        %dma_wait3A_168 = tpu.memref_slice %arg7[%dma_wait3A_166, %dma_wait3A_167] : memref<80x80xi32, #tpu.memory_space<vmem>> -> memref<16x80xi32, #tpu.memory_space<vmem>>
        %dma_wait3A_169 = arith.constant 0 : i32
        %dma_wait3A_170 = tpu.memref_slice %arg2[%add3A_56, %dma_wait3A_169] : memref<4096x80xi32, #tpu.memory_space<hbm>> -> memref<16x80xi32, #tpu.memory_space<hbm>>
        tpu.wait_dma2 semaphore(%run_scoped3A : memref<!tpu.dma_semaphore, #tpu.memory_space<semaphore_mem>>) src(%dma_wait3A_170 : memref<16x80xi32, #tpu.memory_space<hbm>>) dst(%dma_wait3A_168 : memref<16x80xi32, #tpu.memory_space<vmem>>)
        tpu.yield
      }) : () -> ()
      %mul3A_57 = arith.constant 16 : i32
      %mul3A_58 = arith.muli %scan3A_53, %mul3A_57 : i32
      %add3A_59 = arith.addi %add3A_51, %mul3A_58 : i32
      "tpu.region"() ({
        %run_scoped3A = tpu.sem_alloc : memref<!tpu.dma_semaphore, #tpu.memory_space<semaphore_mem>>
        %dma_start3A_151 = arith.constant 0 : i32
        %dma_start3A_152 = arith.constant 0 : i32
        %dma_start3A_153 = tpu.memref_slice %arg8[%dma_start3A_151, %dma_start3A_152] : memref<80x80xi32, #tpu.memory_space<vmem>> -> memref<16x80xi32, #tpu.memory_space<vmem>>
        %dma_start3A_154 = arith.constant 0 : i32
        %dma_start3A_155 = tpu.memref_slice %arg3[%add3A_59, %dma_start3A_154] : memref<4096x80xi32, #tpu.memory_space<hbm>> -> memref<16x80xi32, #tpu.memory_space<hbm>>
        %dma_start3A_156 = arith.constant 0 : i32
        %dma_start3A_157 = arith.constant 0 : i32
        %dma_start3A_158 = tpu.memref_slice %arg8[%dma_start3A_156, %dma_start3A_157] : memref<80x80xi32, #tpu.memory_space<vmem>> -> memref<16x80xi32, #tpu.memory_space<vmem>>
        %dma_start3A_159 = arith.constant 0 : i32
        %dma_start3A_160 = tpu.memref_slice %arg3[%add3A_59, %dma_start3A_159] : memref<4096x80xi32, #tpu.memory_space<hbm>> -> memref<16x80xi32, #tpu.memory_space<hbm>>
        tpu.enqueue_dma source(%dma_start3A_160 : memref<16x80xi32, #tpu.memory_space<hbm>>) target(%dma_start3A_158 : memref<16x80xi32, #tpu.memory_space<vmem>>) target_semaphore(%run_scoped3A : memref<!tpu.dma_semaphore, #tpu.memory_space<semaphore_mem>>)
        %dma_wait3A_161 = arith.constant 0 : i32
        %dma_wait3A_162 = arith.constant 0 : i32
        %dma_wait3A_163 = tpu.memref_slice %arg8[%dma_wait3A_161, %dma_wait3A_162] : memref<80x80xi32, #tpu.memory_space<vmem>> -> memref<16x80xi32, #tpu.memory_space<vmem>>
        %dma_wait3A_164 = arith.constant 0 : i32
        %dma_wait3A_165 = tpu.memref_slice %arg3[%add3A_59, %dma_wait3A_164] : memref<4096x80xi32, #tpu.memory_space<hbm>> -> memref<16x80xi32, #tpu.memory_space<hbm>>
        %dma_wait3A_166 = arith.constant 0 : i32
        %dma_wait3A_167 = arith.constant 0 : i32
        %dma_wait3A_168 = tpu.memref_slice %arg8[%dma_wait3A_166, %dma_wait3A_167] : memref<80x80xi32, #tpu.memory_space<vmem>> -> memref<16x80xi32, #tpu.memory_space<vmem>>
        %dma_wait3A_169 = arith.constant 0 : i32
        %dma_wait3A_170 = tpu.memref_slice %arg3[%add3A_59, %dma_wait3A_169] : memref<4096x80xi32, #tpu.memory_space<hbm>> -> memref<16x80xi32, #tpu.memory_space<hbm>>
        tpu.wait_dma2 semaphore(%run_scoped3A : memref<!tpu.dma_semaphore, #tpu.memory_space<semaphore_mem>>) src(%dma_wait3A_170 : memref<16x80xi32, #tpu.memory_space<hbm>>) dst(%dma_wait3A_168 : memref<16x80xi32, #tpu.memory_space<vmem>>)
        tpu.yield
      }) : () -> ()
      %dma_start3A = arith.constant 0 : i32
      %dma_start3A_60 = arith.constant 0 : i32
      %dma_start3A_61 = tpu.memref_slice %arg7[%dma_start3A, %dma_start3A_60] : memref<80x80xi32, #tpu.memory_space<vmem>> -> memref<1x80xi32, #tpu.memory_space<vmem>>
      %dma_start3A_62 = tpu.memref_squeeze %dma_start3A_61 : memref<1x80xi32, #tpu.memory_space<vmem>> -> memref<80xi32, #tpu.memory_space<vmem>>
      %dma_start3A_63 = arith.constant 0 : i32
      %dma_start3A_64 = arith.constant 0 : i32
      %dma_start3A_65 = tpu.memref_slice %arg4[%dma_start3A_63, %dma_start3A_64] : memref<10000x64xf32, #tpu.memory_space<hbm>> -> memref<10000x64xf32, #tpu.memory_space<hbm>>
      tpu.enqueue_indirect_dma source(%dma_start3A_65 : memref<10000x64xf32, #tpu.memory_space<hbm>>) target(%arg9 : memref<80x64xf32, #tpu.memory_space<vmem>>) offsets(%dma_start3A_62 : memref<80xi32, #tpu.memory_space<vmem>>) semaphore(%arg17 : memref<!tpu.dma_semaphore, #tpu.memory_space<semaphore_mem>>)
      %dma_start3A_66 = arith.constant 1 : i32
      %dma_start3A_67 = arith.constant 0 : i32
      %dma_start3A_68 = tpu.memref_slice %arg7[%dma_start3A_66, %dma_start3A_67] : memref<80x80xi32, #tpu.memory_space<vmem>> -> memref<1x80xi32, #tpu.memory_space<vmem>>
      %dma_start3A_69 = tpu.memref_squeeze %dma_start3A_68 : memref<1x80xi32, #tpu.memory_space<vmem>> -> memref<80xi32, #tpu.memory_space<vmem>>
      %dma_start3A_70 = arith.constant 0 : i32
      %dma_start3A_71 = arith.constant 0 : i32
      %dma_start3A_72 = tpu.memref_slice %arg4[%dma_start3A_70, %dma_start3A_71] : memref<10000x64xf32, #tpu.memory_space<hbm>> -> memref<10000x64xf32, #tpu.memory_space<hbm>>
      tpu.enqueue_indirect_dma source(%dma_start3A_72 : memref<10000x64xf32, #tpu.memory_space<hbm>>) target(%arg10 : memref<80x64xf32, #tpu.memory_space<vmem>>) offsets(%dma_start3A_69 : memref<80xi32, #tpu.memory_space<vmem>>) semaphore(%arg18 : memref<!tpu.dma_semaphore, #tpu.memory_space<semaphore_mem>>)
      %dma_start3A_73 = arith.constant 2 : i32
      %dma_start3A_74 = arith.constant 0 : i32
      %dma_start3A_75 = tpu.memref_slice %arg7[%dma_start3A_73, %dma_start3A_74] : memref<80x80xi32, #tpu.memory_space<vmem>> -> memref<1x80xi32, #tpu.memory_space<vmem>>
      %dma_start3A_76 = tpu.memref_squeeze %dma_start3A_75 : memref<1x80xi32, #tpu.memory_space<vmem>> -> memref<80xi32, #tpu.memory_space<vmem>>
      %dma_start3A_77 = arith.constant 0 : i32
      %dma_start3A_78 = arith.constant 0 : i32
      %dma_start3A_79 = tpu.memref_slice %arg4[%dma_start3A_77, %dma_start3A_78] : memref<10000x64xf32, #tpu.memory_space<hbm>> -> memref<10000x64xf32, #tpu.memory_space<hbm>>
      tpu.enqueue_indirect_dma source(%dma_start3A_79 : memref<10000x64xf32, #tpu.memory_space<hbm>>) target(%arg11 : memref<80x64xf32, #tpu.memory_space<vmem>>) offsets(%dma_start3A_76 : memref<80xi32, #tpu.memory_space<vmem>>) semaphore(%arg19 : memref<!tpu.dma_semaphore, #tpu.memory_space<semaphore_mem>>)
      %dma_start3A_80 = arith.constant 3 : i32
      %dma_start3A_81 = arith.constant 0 : i32
      %dma_start3A_82 = tpu.memref_slice %arg7[%dma_start3A_80, %dma_start3A_81] : memref<80x80xi32, #tpu.memory_space<vmem>> -> memref<1x80xi32, #tpu.memory_space<vmem>>
      %dma_start3A_83 = tpu.memref_squeeze %dma_start3A_82 : memref<1x80xi32, #tpu.memory_space<vmem>> -> memref<80xi32, #tpu.memory_space<vmem>>
      %dma_start3A_84 = arith.constant 0 : i32
      %dma_start3A_85 = arith.constant 0 : i32
      %dma_start3A_86 = tpu.memref_slice %arg4[%dma_start3A_84, %dma_start3A_85] : memref<10000x64xf32, #tpu.memory_space<hbm>> -> memref<10000x64xf32, #tpu.memory_space<hbm>>
      tpu.enqueue_indirect_dma source(%dma_start3A_86 : memref<10000x64xf32, #tpu.memory_space<hbm>>) target(%arg12 : memref<80x64xf32, #tpu.memory_space<vmem>>) offsets(%dma_start3A_83 : memref<80xi32, #tpu.memory_space<vmem>>) semaphore(%arg20 : memref<!tpu.dma_semaphore, #tpu.memory_space<semaphore_mem>>)
      %scan3A_87 = arith.constant 0 : i32
      %scan3A_88 = arith.constant 0 : i32
      %scan3A_89 = arith.constant 2 : i32
      %scan3A_90 = arith.addi %scan3A_88, %scan3A_89 : i32
      %scan3A_91 = arith.constant 1 : i32
      %scan3A_92 = scf.for %scan3A_151 = %scan3A_88 to %scan3A_90 step %scan3A_91 iter_args(%scan3A_152 = %scan3A_87) -> (i32)  : i32 {
        %mul3A_153 = arith.constant 8 : i32
        %mul3A_154 = arith.muli %scan3A_151, %mul3A_153 : i32
        %add3A_155 = arith.constant 0 : i32
        %add3A_156 = arith.addi %mul3A_154, %add3A_155 : i32
        %dma_wait3A_157 = arith.constant 0 : i32
        %dma_wait3A_158 = tpu.memref_slice %arg7[%add3A_156, %dma_wait3A_157] : memref<80x80xi32, #tpu.memory_space<vmem>> -> memref<1x80xi32, #tpu.memory_space<vmem>>
        %dma_wait3A_159 = tpu.memref_squeeze %dma_wait3A_158 : memref<1x80xi32, #tpu.memory_space<vmem>> -> memref<80xi32, #tpu.memory_space<vmem>>
        %dma_wait3A_160 = arith.constant 0 : i32
        %dma_wait3A_161 = arith.constant 0 : i32
        %dma_wait3A_162 = tpu.memref_slice %arg4[%dma_wait3A_160, %dma_wait3A_161] : memref<10000x64xf32, #tpu.memory_space<hbm>> -> memref<10000x64xf32, #tpu.memory_space<hbm>>
        tpu.wait_indirect_dma semaphore(%arg17 : memref<!tpu.dma_semaphore, #tpu.memory_space<semaphore_mem>>) src(%dma_wait3A_162 : memref<10000x64xf32, #tpu.memory_space<hbm>>) dst(%arg9 : memref<80x64xf32, #tpu.memory_space<vmem>>)
        %dma_start3A_163 = arith.constant 0 : i32
        %dma_start3A_164 = tpu.memref_slice %arg8[%add3A_156, %dma_start3A_163] : memref<80x80xi32, #tpu.memory_space<vmem>> -> memref<1x80xi32, #tpu.memory_space<vmem>>
        %dma_start3A_165 = tpu.memref_squeeze %dma_start3A_164 : memref<1x80xi32, #tpu.memory_space<vmem>> -> memref<80xi32, #tpu.memory_space<vmem>>
        %dma_start3A_166 = arith.constant 0 : i32
        %dma_start3A_167 = arith.constant 0 : i32
        %dma_start3A_168 = tpu.memref_slice %arg6[%dma_start3A_166, %dma_start3A_167] : memref<10240x64xf32, #tpu.memory_space<vmem_shared>> -> memref<10240x64xf32, #tpu.memory_space<vmem_shared>>
        tpu.enqueue_indirect_dma source(%arg9 : memref<80x64xf32, #tpu.memory_space<vmem>>) target(%dma_start3A_168 : memref<10240x64xf32, #tpu.memory_space<vmem_shared>>) offsets(%dma_start3A_165 : memref<80xi32, #tpu.memory_space<vmem>>) semaphore(%arg25 : memref<!tpu.dma_semaphore, #tpu.memory_space<semaphore_mem>>) {add = true}
        %add3A_169 = arith.constant 4 : i32
        %add3A_170 = arith.addi %add3A_156, %add3A_169 : i32
        %lt3A = arith.constant 16 : i32
        %lt3A_171 = arith.cmpi slt, %add3A_170, %lt3A : i32
        %convert_element_type3A_172 = arith.extui %lt3A_171 : i1 to i32
        %cond3A_173 = arith.constant 0 : i32
        %cond3A_174 = arith.cmpi ne, %convert_element_type3A_172, %cond3A_173 : i32
        scf.if %cond3A_174 {
          %ge3A = arith.constant 4 : i32
          %ge3A_337 = arith.cmpi sge, %add3A_156, %ge3A : i32
          %convert_element_type3A_338 = arith.extui %ge3A_337 : i1 to i32
          %cond3A_339 = arith.constant 0 : i32
          %cond3A_340 = arith.cmpi ne, %convert_element_type3A_338, %cond3A_339 : i32
          scf.if %cond3A_340 {
            %sub3A = arith.constant 4 : i32
            %sub3A_349 = arith.subi %add3A_156, %sub3A : i32
            %dma_wait3A_350 = arith.constant 0 : i32
            %dma_wait3A_351 = tpu.memref_slice %arg8[%sub3A_349, %dma_wait3A_350] : memref<80x80xi32, #tpu.memory_space<vmem>> -> memref<1x80xi32, #tpu.memory_space<vmem>>
            %dma_wait3A_352 = tpu.memref_squeeze %dma_wait3A_351 : memref<1x80xi32, #tpu.memory_space<vmem>> -> memref<80xi32, #tpu.memory_space<vmem>>
            %dma_wait3A_353 = arith.constant 0 : i32
            %dma_wait3A_354 = arith.constant 0 : i32
            %dma_wait3A_355 = tpu.memref_slice %arg6[%dma_wait3A_353, %dma_wait3A_354] : memref<10240x64xf32, #tpu.memory_space<vmem_shared>> -> memref<10240x64xf32, #tpu.memory_space<vmem_shared>>
            tpu.wait_indirect_dma semaphore(%arg29 : memref<!tpu.dma_semaphore, #tpu.memory_space<semaphore_mem>>) src(%arg13 : memref<80x64xf32, #tpu.memory_space<vmem>>) dst(%dma_wait3A_355 : memref<10240x64xf32, #tpu.memory_space<vmem_shared>>)
          } else {
          }
          %add3A_341 = arith.constant 4 : i32
          %add3A_342 = arith.addi %add3A_156, %add3A_341 : i32
          %dma_start3A_343 = arith.constant 0 : i32
          %dma_start3A_344 = tpu.memref_slice %arg7[%add3A_342, %dma_start3A_343] : memref<80x80xi32, #tpu.memory_space<vmem>> -> memref<1x80xi32, #tpu.memory_space<vmem>>
          %dma_start3A_345 = tpu.memref_squeeze %dma_start3A_344 : memref<1x80xi32, #tpu.memory_space<vmem>> -> memref<80xi32, #tpu.memory_space<vmem>>
          %dma_start3A_346 = arith.constant 0 : i32
          %dma_start3A_347 = arith.constant 0 : i32
          %dma_start3A_348 = tpu.memref_slice %arg4[%dma_start3A_346, %dma_start3A_347] : memref<10000x64xf32, #tpu.memory_space<hbm>> -> memref<10000x64xf32, #tpu.memory_space<hbm>>
          tpu.enqueue_indirect_dma source(%dma_start3A_348 : memref<10000x64xf32, #tpu.memory_space<hbm>>) target(%arg13 : memref<80x64xf32, #tpu.memory_space<vmem>>) offsets(%dma_start3A_345 : memref<80xi32, #tpu.memory_space<vmem>>) semaphore(%arg21 : memref<!tpu.dma_semaphore, #tpu.memory_space<semaphore_mem>>)
        } else {
        }
        %mul3A_175 = arith.constant 8 : i32
        %mul3A_176 = arith.muli %scan3A_151, %mul3A_175 : i32
        %add3A_177 = arith.constant 1 : i32
        %add3A_178 = arith.addi %mul3A_176, %add3A_177 : i32
        %dma_wait3A_179 = arith.constant 0 : i32
        %dma_wait3A_180 = tpu.memref_slice %arg7[%add3A_178, %dma_wait3A_179] : memref<80x80xi32, #tpu.memory_space<vmem>> -> memref<1x80xi32, #tpu.memory_space<vmem>>
        %dma_wait3A_181 = tpu.memref_squeeze %dma_wait3A_180 : memref<1x80xi32, #tpu.memory_space<vmem>> -> memref<80xi32, #tpu.memory_space<vmem>>
        %dma_wait3A_182 = arith.constant 0 : i32
        %dma_wait3A_183 = arith.constant 0 : i32
        %dma_wait3A_184 = tpu.memref_slice %arg4[%dma_wait3A_182, %dma_wait3A_183] : memref<10000x64xf32, #tpu.memory_space<hbm>> -> memref<10000x64xf32, #tpu.memory_space<hbm>>
        tpu.wait_indirect_dma semaphore(%arg18 : memref<!tpu.dma_semaphore, #tpu.memory_space<semaphore_mem>>) src(%dma_wait3A_184 : memref<10000x64xf32, #tpu.memory_space<hbm>>) dst(%arg10 : memref<80x64xf32, #tpu.memory_space<vmem>>)
        %dma_start3A_185 = arith.constant 0 : i32
        %dma_start3A_186 = tpu.memref_slice %arg8[%add3A_178, %dma_start3A_185] : memref<80x80xi32, #tpu.memory_space<vmem>> -> memref<1x80xi32, #tpu.memory_space<vmem>>
        %dma_start3A_187 = tpu.memref_squeeze %dma_start3A_186 : memref<1x80xi32, #tpu.memory_space<vmem>> -> memref<80xi32, #tpu.memory_space<vmem>>
        %dma_start3A_188 = arith.constant 0 : i32
        %dma_start3A_189 = arith.constant 0 : i32
        %dma_start3A_190 = tpu.memref_slice %arg6[%dma_start3A_188, %dma_start3A_189] : memref<10240x64xf32, #tpu.memory_space<vmem_shared>> -> memref<10240x64xf32, #tpu.memory_space<vmem_shared>>
        tpu.enqueue_indirect_dma source(%arg10 : memref<80x64xf32, #tpu.memory_space<vmem>>) target(%dma_start3A_190 : memref<10240x64xf32, #tpu.memory_space<vmem_shared>>) offsets(%dma_start3A_187 : memref<80xi32, #tpu.memory_space<vmem>>) semaphore(%arg26 : memref<!tpu.dma_semaphore, #tpu.memory_space<semaphore_mem>>) {add = true}
        %add3A_191 = arith.constant 4 : i32
        %add3A_192 = arith.addi %add3A_178, %add3A_191 : i32
        %lt3A_193 = arith.constant 16 : i32
        %lt3A_194 = arith.cmpi slt, %add3A_192, %lt3A_193 : i32
        %convert_element_type3A_195 = arith.extui %lt3A_194 : i1 to i32
        %cond3A_196 = arith.constant 0 : i32
        %cond3A_197 = arith.cmpi ne, %convert_element_type3A_195, %cond3A_196 : i32
        scf.if %cond3A_197 {
          %ge3A = arith.constant 4 : i32
          %ge3A_337 = arith.cmpi sge, %add3A_178, %ge3A : i32
          %convert_element_type3A_338 = arith.extui %ge3A_337 : i1 to i32
          %cond3A_339 = arith.constant 0 : i32
          %cond3A_340 = arith.cmpi ne, %convert_element_type3A_338, %cond3A_339 : i32
          scf.if %cond3A_340 {
            %sub3A = arith.constant 4 : i32
            %sub3A_349 = arith.subi %add3A_178, %sub3A : i32
            %dma_wait3A_350 = arith.constant 0 : i32
            %dma_wait3A_351 = tpu.memref_slice %arg8[%sub3A_349, %dma_wait3A_350] : memref<80x80xi32, #tpu.memory_space<vmem>> -> memref<1x80xi32, #tpu.memory_space<vmem>>
            %dma_wait3A_352 = tpu.memref_squeeze %dma_wait3A_351 : memref<1x80xi32, #tpu.memory_space<vmem>> -> memref<80xi32, #tpu.memory_space<vmem>>
            %dma_wait3A_353 = arith.constant 0 : i32
            %dma_wait3A_354 = arith.constant 0 : i32
            %dma_wait3A_355 = tpu.memref_slice %arg6[%dma_wait3A_353, %dma_wait3A_354] : memref<10240x64xf32, #tpu.memory_space<vmem_shared>> -> memref<10240x64xf32, #tpu.memory_space<vmem_shared>>
            tpu.wait_indirect_dma semaphore(%arg30 : memref<!tpu.dma_semaphore, #tpu.memory_space<semaphore_mem>>) src(%arg14 : memref<80x64xf32, #tpu.memory_space<vmem>>) dst(%dma_wait3A_355 : memref<10240x64xf32, #tpu.memory_space<vmem_shared>>)
          } else {
          }
          %add3A_341 = arith.constant 4 : i32
          %add3A_342 = arith.addi %add3A_178, %add3A_341 : i32
          %dma_start3A_343 = arith.constant 0 : i32
          %dma_start3A_344 = tpu.memref_slice %arg7[%add3A_342, %dma_start3A_343] : memref<80x80xi32, #tpu.memory_space<vmem>> -> memref<1x80xi32, #tpu.memory_space<vmem>>
          %dma_start3A_345 = tpu.memref_squeeze %dma_start3A_344 : memref<1x80xi32, #tpu.memory_space<vmem>> -> memref<80xi32, #tpu.memory_space<vmem>>
          %dma_start3A_346 = arith.constant 0 : i32
          %dma_start3A_347 = arith.constant 0 : i32
          %dma_start3A_348 = tpu.memref_slice %arg4[%dma_start3A_346, %dma_start3A_347] : memref<10000x64xf32, #tpu.memory_space<hbm>> -> memref<10000x64xf32, #tpu.memory_space<hbm>>
          tpu.enqueue_indirect_dma source(%dma_start3A_348 : memref<10000x64xf32, #tpu.memory_space<hbm>>) target(%arg14 : memref<80x64xf32, #tpu.memory_space<vmem>>) offsets(%dma_start3A_345 : memref<80xi32, #tpu.memory_space<vmem>>) semaphore(%arg22 : memref<!tpu.dma_semaphore, #tpu.memory_space<semaphore_mem>>)
        } else {
        }
        %mul3A_198 = arith.constant 8 : i32
        %mul3A_199 = arith.muli %scan3A_151, %mul3A_198 : i32
        %add3A_200 = arith.constant 2 : i32
        %add3A_201 = arith.addi %mul3A_199, %add3A_200 : i32
        %dma_wait3A_202 = arith.constant 0 : i32
        %dma_wait3A_203 = tpu.memref_slice %arg7[%add3A_201, %dma_wait3A_202] : memref<80x80xi32, #tpu.memory_space<vmem>> -> memref<1x80xi32, #tpu.memory_space<vmem>>
        %dma_wait3A_204 = tpu.memref_squeeze %dma_wait3A_203 : memref<1x80xi32, #tpu.memory_space<vmem>> -> memref<80xi32, #tpu.memory_space<vmem>>
        %dma_wait3A_205 = arith.constant 0 : i32
        %dma_wait3A_206 = arith.constant 0 : i32
        %dma_wait3A_207 = tpu.memref_slice %arg4[%dma_wait3A_205, %dma_wait3A_206] : memref<10000x64xf32, #tpu.memory_space<hbm>> -> memref<10000x64xf32, #tpu.memory_space<hbm>>
        tpu.wait_indirect_dma semaphore(%arg19 : memref<!tpu.dma_semaphore, #tpu.memory_space<semaphore_mem>>) src(%dma_wait3A_207 : memref<10000x64xf32, #tpu.memory_space<hbm>>) dst(%arg11 : memref<80x64xf32, #tpu.memory_space<vmem>>)
        %dma_start3A_208 = arith.constant 0 : i32
        %dma_start3A_209 = tpu.memref_slice %arg8[%add3A_201, %dma_start3A_208] : memref<80x80xi32, #tpu.memory_space<vmem>> -> memref<1x80xi32, #tpu.memory_space<vmem>>
        %dma_start3A_210 = tpu.memref_squeeze %dma_start3A_209 : memref<1x80xi32, #tpu.memory_space<vmem>> -> memref<80xi32, #tpu.memory_space<vmem>>
        %dma_start3A_211 = arith.constant 0 : i32
        %dma_start3A_212 = arith.constant 0 : i32
        %dma_start3A_213 = tpu.memref_slice %arg6[%dma_start3A_211, %dma_start3A_212] : memref<10240x64xf32, #tpu.memory_space<vmem_shared>> -> memref<10240x64xf32, #tpu.memory_space<vmem_shared>>
        tpu.enqueue_indirect_dma source(%arg11 : memref<80x64xf32, #tpu.memory_space<vmem>>) target(%dma_start3A_213 : memref<10240x64xf32, #tpu.memory_space<vmem_shared>>) offsets(%dma_start3A_210 : memref<80xi32, #tpu.memory_space<vmem>>) semaphore(%arg27 : memref<!tpu.dma_semaphore, #tpu.memory_space<semaphore_mem>>) {add = true}
        %add3A_214 = arith.constant 4 : i32
        %add3A_215 = arith.addi %add3A_201, %add3A_214 : i32
        %lt3A_216 = arith.constant 16 : i32
        %lt3A_217 = arith.cmpi slt, %add3A_215, %lt3A_216 : i32
        %convert_element_type3A_218 = arith.extui %lt3A_217 : i1 to i32
        %cond3A_219 = arith.constant 0 : i32
        %cond3A_220 = arith.cmpi ne, %convert_element_type3A_218, %cond3A_219 : i32
        scf.if %cond3A_220 {
          %ge3A = arith.constant 4 : i32
          %ge3A_337 = arith.cmpi sge, %add3A_201, %ge3A : i32
          %convert_element_type3A_338 = arith.extui %ge3A_337 : i1 to i32
          %cond3A_339 = arith.constant 0 : i32
          %cond3A_340 = arith.cmpi ne, %convert_element_type3A_338, %cond3A_339 : i32
          scf.if %cond3A_340 {
            %sub3A = arith.constant 4 : i32
            %sub3A_349 = arith.subi %add3A_201, %sub3A : i32
            %dma_wait3A_350 = arith.constant 0 : i32
            %dma_wait3A_351 = tpu.memref_slice %arg8[%sub3A_349, %dma_wait3A_350] : memref<80x80xi32, #tpu.memory_space<vmem>> -> memref<1x80xi32, #tpu.memory_space<vmem>>
            %dma_wait3A_352 = tpu.memref_squeeze %dma_wait3A_351 : memref<1x80xi32, #tpu.memory_space<vmem>> -> memref<80xi32, #tpu.memory_space<vmem>>
            %dma_wait3A_353 = arith.constant 0 : i32
            %dma_wait3A_354 = arith.constant 0 : i32
            %dma_wait3A_355 = tpu.memref_slice %arg6[%dma_wait3A_353, %dma_wait3A_354] : memref<10240x64xf32, #tpu.memory_space<vmem_shared>> -> memref<10240x64xf32, #tpu.memory_space<vmem_shared>>
            tpu.wait_indirect_dma semaphore(%arg31 : memref<!tpu.dma_semaphore, #tpu.memory_space<semaphore_mem>>) src(%arg15 : memref<80x64xf32, #tpu.memory_space<vmem>>) dst(%dma_wait3A_355 : memref<10240x64xf32, #tpu.memory_space<vmem_shared>>)
          } else {
          }
          %add3A_341 = arith.constant 4 : i32
          %add3A_342 = arith.addi %add3A_201, %add3A_341 : i32
          %dma_start3A_343 = arith.constant 0 : i32
          %dma_start3A_344 = tpu.memref_slice %arg7[%add3A_342, %dma_start3A_343] : memref<80x80xi32, #tpu.memory_space<vmem>> -> memref<1x80xi32, #tpu.memory_space<vmem>>
          %dma_start3A_345 = tpu.memref_squeeze %dma_start3A_344 : memref<1x80xi32, #tpu.memory_space<vmem>> -> memref<80xi32, #tpu.memory_space<vmem>>
          %dma_start3A_346 = arith.constant 0 : i32
          %dma_start3A_347 = arith.constant 0 : i32
          %dma_start3A_348 = tpu.memref_slice %arg4[%dma_start3A_346, %dma_start3A_347] : memref<10000x64xf32, #tpu.memory_space<hbm>> -> memref<10000x64xf32, #tpu.memory_space<hbm>>
          tpu.enqueue_indirect_dma source(%dma_start3A_348 : memref<10000x64xf32, #tpu.memory_space<hbm>>) target(%arg15 : memref<80x64xf32, #tpu.memory_space<vmem>>) offsets(%dma_start3A_345 : memref<80xi32, #tpu.memory_space<vmem>>) semaphore(%arg23 : memref<!tpu.dma_semaphore, #tpu.memory_space<semaphore_mem>>)
        } else {
        }
        %mul3A_221 = arith.constant 8 : i32
        %mul3A_222 = arith.muli %scan3A_151, %mul3A_221 : i32
        %add3A_223 = arith.constant 3 : i32
        %add3A_224 = arith.addi %mul3A_222, %add3A_223 : i32
        %dma_wait3A_225 = arith.constant 0 : i32
        %dma_wait3A_226 = tpu.memref_slice %arg7[%add3A_224, %dma_wait3A_225] : memref<80x80xi32, #tpu.memory_space<vmem>> -> memref<1x80xi32, #tpu.memory_space<vmem>>
        %dma_wait3A_227 = tpu.memref_squeeze %dma_wait3A_226 : memref<1x80xi32, #tpu.memory_space<vmem>> -> memref<80xi32, #tpu.memory_space<vmem>>
        %dma_wait3A_228 = arith.constant 0 : i32
        %dma_wait3A_229 = arith.constant 0 : i32
        %dma_wait3A_230 = tpu.memref_slice %arg4[%dma_wait3A_228, %dma_wait3A_229] : memref<10000x64xf32, #tpu.memory_space<hbm>> -> memref<10000x64xf32, #tpu.memory_space<hbm>>
        tpu.wait_indirect_dma semaphore(%arg20 : memref<!tpu.dma_semaphore, #tpu.memory_space<semaphore_mem>>) src(%dma_wait3A_230 : memref<10000x64xf32, #tpu.memory_space<hbm>>) dst(%arg12 : memref<80x64xf32, #tpu.memory_space<vmem>>)
        %dma_start3A_231 = arith.constant 0 : i32
        %dma_start3A_232 = tpu.memref_slice %arg8[%add3A_224, %dma_start3A_231] : memref<80x80xi32, #tpu.memory_space<vmem>> -> memref<1x80xi32, #tpu.memory_space<vmem>>
        %dma_start3A_233 = tpu.memref_squeeze %dma_start3A_232 : memref<1x80xi32, #tpu.memory_space<vmem>> -> memref<80xi32, #tpu.memory_space<vmem>>
        %dma_start3A_234 = arith.constant 0 : i32
        %dma_start3A_235 = arith.constant 0 : i32
        %dma_start3A_236 = tpu.memref_slice %arg6[%dma_start3A_234, %dma_start3A_235] : memref<10240x64xf32, #tpu.memory_space<vmem_shared>> -> memref<10240x64xf32, #tpu.memory_space<vmem_shared>>
        tpu.enqueue_indirect_dma source(%arg12 : memref<80x64xf32, #tpu.memory_space<vmem>>) target(%dma_start3A_236 : memref<10240x64xf32, #tpu.memory_space<vmem_shared>>) offsets(%dma_start3A_233 : memref<80xi32, #tpu.memory_space<vmem>>) semaphore(%arg28 : memref<!tpu.dma_semaphore, #tpu.memory_space<semaphore_mem>>) {add = true}
        %add3A_237 = arith.constant 4 : i32
        %add3A_238 = arith.addi %add3A_224, %add3A_237 : i32
        %lt3A_239 = arith.constant 16 : i32
        %lt3A_240 = arith.cmpi slt, %add3A_238, %lt3A_239 : i32
        %convert_element_type3A_241 = arith.extui %lt3A_240 : i1 to i32
        %cond3A_242 = arith.constant 0 : i32
        %cond3A_243 = arith.cmpi ne, %convert_element_type3A_241, %cond3A_242 : i32
        scf.if %cond3A_243 {
          %ge3A = arith.constant 4 : i32
          %ge3A_337 = arith.cmpi sge, %add3A_224, %ge3A : i32
          %convert_element_type3A_338 = arith.extui %ge3A_337 : i1 to i32
          %cond3A_339 = arith.constant 0 : i32
          %cond3A_340 = arith.cmpi ne, %convert_element_type3A_338, %cond3A_339 : i32
          scf.if %cond3A_340 {
            %sub3A = arith.constant 4 : i32
            %sub3A_349 = arith.subi %add3A_224, %sub3A : i32
            %dma_wait3A_350 = arith.constant 0 : i32
            %dma_wait3A_351 = tpu.memref_slice %arg8[%sub3A_349, %dma_wait3A_350] : memref<80x80xi32, #tpu.memory_space<vmem>> -> memref<1x80xi32, #tpu.memory_space<vmem>>
            %dma_wait3A_352 = tpu.memref_squeeze %dma_wait3A_351 : memref<1x80xi32, #tpu.memory_space<vmem>> -> memref<80xi32, #tpu.memory_space<vmem>>
            %dma_wait3A_353 = arith.constant 0 : i32
            %dma_wait3A_354 = arith.constant 0 : i32
            %dma_wait3A_355 = tpu.memref_slice %arg6[%dma_wait3A_353, %dma_wait3A_354] : memref<10240x64xf32, #tpu.memory_space<vmem_shared>> -> memref<10240x64xf32, #tpu.memory_space<vmem_shared>>
            tpu.wait_indirect_dma semaphore(%arg32 : memref<!tpu.dma_semaphore, #tpu.memory_space<semaphore_mem>>) src(%arg16 : memref<80x64xf32, #tpu.memory_space<vmem>>) dst(%dma_wait3A_355 : memref<10240x64xf32, #tpu.memory_space<vmem_shared>>)
          } else {
          }
          %add3A_341 = arith.constant 4 : i32
          %add3A_342 = arith.addi %add3A_224, %add3A_341 : i32
          %dma_start3A_343 = arith.constant 0 : i32
          %dma_start3A_344 = tpu.memref_slice %arg7[%add3A_342, %dma_start3A_343] : memref<80x80xi32, #tpu.memory_space<vmem>> -> memref<1x80xi32, #tpu.memory_space<vmem>>
          %dma_start3A_345 = tpu.memref_squeeze %dma_start3A_344 : memref<1x80xi32, #tpu.memory_space<vmem>> -> memref<80xi32, #tpu.memory_space<vmem>>
          %dma_start3A_346 = arith.constant 0 : i32
          %dma_start3A_347 = arith.constant 0 : i32
          %dma_start3A_348 = tpu.memref_slice %arg4[%dma_start3A_346, %dma_start3A_347] : memref<10000x64xf32, #tpu.memory_space<hbm>> -> memref<10000x64xf32, #tpu.memory_space<hbm>>
          tpu.enqueue_indirect_dma source(%dma_start3A_348 : memref<10000x64xf32, #tpu.memory_space<hbm>>) target(%arg16 : memref<80x64xf32, #tpu.memory_space<vmem>>) offsets(%dma_start3A_345 : memref<80xi32, #tpu.memory_space<vmem>>) semaphore(%arg24 : memref<!tpu.dma_semaphore, #tpu.memory_space<semaphore_mem>>)
        } else {
        }
        %mul3A_244 = arith.constant 8 : i32
        %mul3A_245 = arith.muli %scan3A_151, %mul3A_244 : i32
        %add3A_246 = arith.constant 4 : i32
        %add3A_247 = arith.addi %mul3A_245, %add3A_246 : i32
        %dma_wait3A_248 = arith.constant 0 : i32
        %dma_wait3A_249 = tpu.memref_slice %arg7[%add3A_247, %dma_wait3A_248] : memref<80x80xi32, #tpu.memory_space<vmem>> -> memref<1x80xi32, #tpu.memory_space<vmem>>
        %dma_wait3A_250 = tpu.memref_squeeze %dma_wait3A_249 : memref<1x80xi32, #tpu.memory_space<vmem>> -> memref<80xi32, #tpu.memory_space<vmem>>
        %dma_wait3A_251 = arith.constant 0 : i32
        %dma_wait3A_252 = arith.constant 0 : i32
        %dma_wait3A_253 = tpu.memref_slice %arg4[%dma_wait3A_251, %dma_wait3A_252] : memref<10000x64xf32, #tpu.memory_space<hbm>> -> memref<10000x64xf32, #tpu.memory_space<hbm>>
        tpu.wait_indirect_dma semaphore(%arg21 : memref<!tpu.dma_semaphore, #tpu.memory_space<semaphore_mem>>) src(%dma_wait3A_253 : memref<10000x64xf32, #tpu.memory_space<hbm>>) dst(%arg13 : memref<80x64xf32, #tpu.memory_space<vmem>>)
        %dma_start3A_254 = arith.constant 0 : i32
        %dma_start3A_255 = tpu.memref_slice %arg8[%add3A_247, %dma_start3A_254] : memref<80x80xi32, #tpu.memory_space<vmem>> -> memref<1x80xi32, #tpu.memory_space<vmem>>
        %dma_start3A_256 = tpu.memref_squeeze %dma_start3A_255 : memref<1x80xi32, #tpu.memory_space<vmem>> -> memref<80xi32, #tpu.memory_space<vmem>>
        %dma_start3A_257 = arith.constant 0 : i32
        %dma_start3A_258 = arith.constant 0 : i32
        %dma_start3A_259 = tpu.memref_slice %arg6[%dma_start3A_257, %dma_start3A_258] : memref<10240x64xf32, #tpu.memory_space<vmem_shared>> -> memref<10240x64xf32, #tpu.memory_space<vmem_shared>>
        tpu.enqueue_indirect_dma source(%arg13 : memref<80x64xf32, #tpu.memory_space<vmem>>) target(%dma_start3A_259 : memref<10240x64xf32, #tpu.memory_space<vmem_shared>>) offsets(%dma_start3A_256 : memref<80xi32, #tpu.memory_space<vmem>>) semaphore(%arg29 : memref<!tpu.dma_semaphore, #tpu.memory_space<semaphore_mem>>) {add = true}
        %add3A_260 = arith.constant 4 : i32
        %add3A_261 = arith.addi %add3A_247, %add3A_260 : i32
        %lt3A_262 = arith.constant 16 : i32
        %lt3A_263 = arith.cmpi slt, %add3A_261, %lt3A_262 : i32
        %convert_element_type3A_264 = arith.extui %lt3A_263 : i1 to i32
        %cond3A_265 = arith.constant 0 : i32
        %cond3A_266 = arith.cmpi ne, %convert_element_type3A_264, %cond3A_265 : i32
        scf.if %cond3A_266 {
          %ge3A = arith.constant 4 : i32
          %ge3A_337 = arith.cmpi sge, %add3A_247, %ge3A : i32
          %convert_element_type3A_338 = arith.extui %ge3A_337 : i1 to i32
          %cond3A_339 = arith.constant 0 : i32
          %cond3A_340 = arith.cmpi ne, %convert_element_type3A_338, %cond3A_339 : i32
          scf.if %cond3A_340 {
            %sub3A = arith.constant 4 : i32
            %sub3A_349 = arith.subi %add3A_247, %sub3A : i32
            %dma_wait3A_350 = arith.constant 0 : i32
            %dma_wait3A_351 = tpu.memref_slice %arg8[%sub3A_349, %dma_wait3A_350] : memref<80x80xi32, #tpu.memory_space<vmem>> -> memref<1x80xi32, #tpu.memory_space<vmem>>
            %dma_wait3A_352 = tpu.memref_squeeze %dma_wait3A_351 : memref<1x80xi32, #tpu.memory_space<vmem>> -> memref<80xi32, #tpu.memory_space<vmem>>
            %dma_wait3A_353 = arith.constant 0 : i32
            %dma_wait3A_354 = arith.constant 0 : i32
            %dma_wait3A_355 = tpu.memref_slice %arg6[%dma_wait3A_353, %dma_wait3A_354] : memref<10240x64xf32, #tpu.memory_space<vmem_shared>> -> memref<10240x64xf32, #tpu.memory_space<vmem_shared>>
            tpu.wait_indirect_dma semaphore(%arg25 : memref<!tpu.dma_semaphore, #tpu.memory_space<semaphore_mem>>) src(%arg9 : memref<80x64xf32, #tpu.memory_space<vmem>>) dst(%dma_wait3A_355 : memref<10240x64xf32, #tpu.memory_space<vmem_shared>>)
          } else {
          }
          %add3A_341 = arith.constant 4 : i32
          %add3A_342 = arith.addi %add3A_247, %add3A_341 : i32
          %dma_start3A_343 = arith.constant 0 : i32
          %dma_start3A_344 = tpu.memref_slice %arg7[%add3A_342, %dma_start3A_343] : memref<80x80xi32, #tpu.memory_space<vmem>> -> memref<1x80xi32, #tpu.memory_space<vmem>>
          %dma_start3A_345 = tpu.memref_squeeze %dma_start3A_344 : memref<1x80xi32, #tpu.memory_space<vmem>> -> memref<80xi32, #tpu.memory_space<vmem>>
          %dma_start3A_346 = arith.constant 0 : i32
          %dma_start3A_347 = arith.constant 0 : i32
          %dma_start3A_348 = tpu.memref_slice %arg4[%dma_start3A_346, %dma_start3A_347] : memref<10000x64xf32, #tpu.memory_space<hbm>> -> memref<10000x64xf32, #tpu.memory_space<hbm>>
          tpu.enqueue_indirect_dma source(%dma_start3A_348 : memref<10000x64xf32, #tpu.memory_space<hbm>>) target(%arg9 : memref<80x64xf32, #tpu.memory_space<vmem>>) offsets(%dma_start3A_345 : memref<80xi32, #tpu.memory_space<vmem>>) semaphore(%arg17 : memref<!tpu.dma_semaphore, #tpu.memory_space<semaphore_mem>>)
        } else {
        }
        %mul3A_267 = arith.constant 8 : i32
        %mul3A_268 = arith.muli %scan3A_151, %mul3A_267 : i32
        %add3A_269 = arith.constant 5 : i32
        %add3A_270 = arith.addi %mul3A_268, %add3A_269 : i32
        %dma_wait3A_271 = arith.constant 0 : i32
        %dma_wait3A_272 = tpu.memref_slice %arg7[%add3A_270, %dma_wait3A_271] : memref<80x80xi32, #tpu.memory_space<vmem>> -> memref<1x80xi32, #tpu.memory_space<vmem>>
        %dma_wait3A_273 = tpu.memref_squeeze %dma_wait3A_272 : memref<1x80xi32, #tpu.memory_space<vmem>> -> memref<80xi32, #tpu.memory_space<vmem>>
        %dma_wait3A_274 = arith.constant 0 : i32
        %dma_wait3A_275 = arith.constant 0 : i32
        %dma_wait3A_276 = tpu.memref_slice %arg4[%dma_wait3A_274, %dma_wait3A_275] : memref<10000x64xf32, #tpu.memory_space<hbm>> -> memref<10000x64xf32, #tpu.memory_space<hbm>>
        tpu.wait_indirect_dma semaphore(%arg22 : memref<!tpu.dma_semaphore, #tpu.memory_space<semaphore_mem>>) src(%dma_wait3A_276 : memref<10000x64xf32, #tpu.memory_space<hbm>>) dst(%arg14 : memref<80x64xf32, #tpu.memory_space<vmem>>)
        %dma_start3A_277 = arith.constant 0 : i32
        %dma_start3A_278 = tpu.memref_slice %arg8[%add3A_270, %dma_start3A_277] : memref<80x80xi32, #tpu.memory_space<vmem>> -> memref<1x80xi32, #tpu.memory_space<vmem>>
        %dma_start3A_279 = tpu.memref_squeeze %dma_start3A_278 : memref<1x80xi32, #tpu.memory_space<vmem>> -> memref<80xi32, #tpu.memory_space<vmem>>
        %dma_start3A_280 = arith.constant 0 : i32
        %dma_start3A_281 = arith.constant 0 : i32
        %dma_start3A_282 = tpu.memref_slice %arg6[%dma_start3A_280, %dma_start3A_281] : memref<10240x64xf32, #tpu.memory_space<vmem_shared>> -> memref<10240x64xf32, #tpu.memory_space<vmem_shared>>
        tpu.enqueue_indirect_dma source(%arg14 : memref<80x64xf32, #tpu.memory_space<vmem>>) target(%dma_start3A_282 : memref<10240x64xf32, #tpu.memory_space<vmem_shared>>) offsets(%dma_start3A_279 : memref<80xi32, #tpu.memory_space<vmem>>) semaphore(%arg30 : memref<!tpu.dma_semaphore, #tpu.memory_space<semaphore_mem>>) {add = true}
        %add3A_283 = arith.constant 4 : i32
        %add3A_284 = arith.addi %add3A_270, %add3A_283 : i32
        %lt3A_285 = arith.constant 16 : i32
        %lt3A_286 = arith.cmpi slt, %add3A_284, %lt3A_285 : i32
        %convert_element_type3A_287 = arith.extui %lt3A_286 : i1 to i32
        %cond3A_288 = arith.constant 0 : i32
        %cond3A_289 = arith.cmpi ne, %convert_element_type3A_287, %cond3A_288 : i32
        scf.if %cond3A_289 {
          %ge3A = arith.constant 4 : i32
          %ge3A_337 = arith.cmpi sge, %add3A_270, %ge3A : i32
          %convert_element_type3A_338 = arith.extui %ge3A_337 : i1 to i32
          %cond3A_339 = arith.constant 0 : i32
          %cond3A_340 = arith.cmpi ne, %convert_element_type3A_338, %cond3A_339 : i32
          scf.if %cond3A_340 {
            %sub3A = arith.constant 4 : i32
            %sub3A_349 = arith.subi %add3A_270, %sub3A : i32
            %dma_wait3A_350 = arith.constant 0 : i32
            %dma_wait3A_351 = tpu.memref_slice %arg8[%sub3A_349, %dma_wait3A_350] : memref<80x80xi32, #tpu.memory_space<vmem>> -> memref<1x80xi32, #tpu.memory_space<vmem>>
            %dma_wait3A_352 = tpu.memref_squeeze %dma_wait3A_351 : memref<1x80xi32, #tpu.memory_space<vmem>> -> memref<80xi32, #tpu.memory_space<vmem>>
            %dma_wait3A_353 = arith.constant 0 : i32
            %dma_wait3A_354 = arith.constant 0 : i32
            %dma_wait3A_355 = tpu.memref_slice %arg6[%dma_wait3A_353, %dma_wait3A_354] : memref<10240x64xf32, #tpu.memory_space<vmem_shared>> -> memref<10240x64xf32, #tpu.memory_space<vmem_shared>>
            tpu.wait_indirect_dma semaphore(%arg26 : memref<!tpu.dma_semaphore, #tpu.memory_space<semaphore_mem>>) src(%arg10 : memref<80x64xf32, #tpu.memory_space<vmem>>) dst(%dma_wait3A_355 : memref<10240x64xf32, #tpu.memory_space<vmem_shared>>)
          } else {
          }
          %add3A_341 = arith.constant 4 : i32
          %add3A_342 = arith.addi %add3A_270, %add3A_341 : i32
          %dma_start3A_343 = arith.constant 0 : i32
          %dma_start3A_344 = tpu.memref_slice %arg7[%add3A_342, %dma_start3A_343] : memref<80x80xi32, #tpu.memory_space<vmem>> -> memref<1x80xi32, #tpu.memory_space<vmem>>
          %dma_start3A_345 = tpu.memref_squeeze %dma_start3A_344 : memref<1x80xi32, #tpu.memory_space<vmem>> -> memref<80xi32, #tpu.memory_space<vmem>>
          %dma_start3A_346 = arith.constant 0 : i32
          %dma_start3A_347 = arith.constant 0 : i32
          %dma_start3A_348 = tpu.memref_slice %arg4[%dma_start3A_346, %dma_start3A_347] : memref<10000x64xf32, #tpu.memory_space<hbm>> -> memref<10000x64xf32, #tpu.memory_space<hbm>>
          tpu.enqueue_indirect_dma source(%dma_start3A_348 : memref<10000x64xf32, #tpu.memory_space<hbm>>) target(%arg10 : memref<80x64xf32, #tpu.memory_space<vmem>>) offsets(%dma_start3A_345 : memref<80xi32, #tpu.memory_space<vmem>>) semaphore(%arg18 : memref<!tpu.dma_semaphore, #tpu.memory_space<semaphore_mem>>)
        } else {
        }
        %mul3A_290 = arith.constant 8 : i32
        %mul3A_291 = arith.muli %scan3A_151, %mul3A_290 : i32
        %add3A_292 = arith.constant 6 : i32
        %add3A_293 = arith.addi %mul3A_291, %add3A_292 : i32
        %dma_wait3A_294 = arith.constant 0 : i32
        %dma_wait3A_295 = tpu.memref_slice %arg7[%add3A_293, %dma_wait3A_294] : memref<80x80xi32, #tpu.memory_space<vmem>> -> memref<1x80xi32, #tpu.memory_space<vmem>>
        %dma_wait3A_296 = tpu.memref_squeeze %dma_wait3A_295 : memref<1x80xi32, #tpu.memory_space<vmem>> -> memref<80xi32, #tpu.memory_space<vmem>>
        %dma_wait3A_297 = arith.constant 0 : i32
        %dma_wait3A_298 = arith.constant 0 : i32
        %dma_wait3A_299 = tpu.memref_slice %arg4[%dma_wait3A_297, %dma_wait3A_298] : memref<10000x64xf32, #tpu.memory_space<hbm>> -> memref<10000x64xf32, #tpu.memory_space<hbm>>
        tpu.wait_indirect_dma semaphore(%arg23 : memref<!tpu.dma_semaphore, #tpu.memory_space<semaphore_mem>>) src(%dma_wait3A_299 : memref<10000x64xf32, #tpu.memory_space<hbm>>) dst(%arg15 : memref<80x64xf32, #tpu.memory_space<vmem>>)
        %dma_start3A_300 = arith.constant 0 : i32
        %dma_start3A_301 = tpu.memref_slice %arg8[%add3A_293, %dma_start3A_300] : memref<80x80xi32, #tpu.memory_space<vmem>> -> memref<1x80xi32, #tpu.memory_space<vmem>>
        %dma_start3A_302 = tpu.memref_squeeze %dma_start3A_301 : memref<1x80xi32, #tpu.memory_space<vmem>> -> memref<80xi32, #tpu.memory_space<vmem>>
        %dma_start3A_303 = arith.constant 0 : i32
        %dma_start3A_304 = arith.constant 0 : i32
        %dma_start3A_305 = tpu.memref_slice %arg6[%dma_start3A_303, %dma_start3A_304] : memref<10240x64xf32, #tpu.memory_space<vmem_shared>> -> memref<10240x64xf32, #tpu.memory_space<vmem_shared>>
        tpu.enqueue_indirect_dma source(%arg15 : memref<80x64xf32, #tpu.memory_space<vmem>>) target(%dma_start3A_305 : memref<10240x64xf32, #tpu.memory_space<vmem_shared>>) offsets(%dma_start3A_302 : memref<80xi32, #tpu.memory_space<vmem>>) semaphore(%arg31 : memref<!tpu.dma_semaphore, #tpu.memory_space<semaphore_mem>>) {add = true}
        %add3A_306 = arith.constant 4 : i32
        %add3A_307 = arith.addi %add3A_293, %add3A_306 : i32
        %lt3A_308 = arith.constant 16 : i32
        %lt3A_309 = arith.cmpi slt, %add3A_307, %lt3A_308 : i32
        %convert_element_type3A_310 = arith.extui %lt3A_309 : i1 to i32
        %cond3A_311 = arith.constant 0 : i32
        %cond3A_312 = arith.cmpi ne, %convert_element_type3A_310, %cond3A_311 : i32
        scf.if %cond3A_312 {
          %ge3A = arith.constant 4 : i32
          %ge3A_337 = arith.cmpi sge, %add3A_293, %ge3A : i32
          %convert_element_type3A_338 = arith.extui %ge3A_337 : i1 to i32
          %cond3A_339 = arith.constant 0 : i32
          %cond3A_340 = arith.cmpi ne, %convert_element_type3A_338, %cond3A_339 : i32
          scf.if %cond3A_340 {
            %sub3A = arith.constant 4 : i32
            %sub3A_349 = arith.subi %add3A_293, %sub3A : i32
            %dma_wait3A_350 = arith.constant 0 : i32
            %dma_wait3A_351 = tpu.memref_slice %arg8[%sub3A_349, %dma_wait3A_350] : memref<80x80xi32, #tpu.memory_space<vmem>> -> memref<1x80xi32, #tpu.memory_space<vmem>>
            %dma_wait3A_352 = tpu.memref_squeeze %dma_wait3A_351 : memref<1x80xi32, #tpu.memory_space<vmem>> -> memref<80xi32, #tpu.memory_space<vmem>>
            %dma_wait3A_353 = arith.constant 0 : i32
            %dma_wait3A_354 = arith.constant 0 : i32
            %dma_wait3A_355 = tpu.memref_slice %arg6[%dma_wait3A_353, %dma_wait3A_354] : memref<10240x64xf32, #tpu.memory_space<vmem_shared>> -> memref<10240x64xf32, #tpu.memory_space<vmem_shared>>
            tpu.wait_indirect_dma semaphore(%arg27 : memref<!tpu.dma_semaphore, #tpu.memory_space<semaphore_mem>>) src(%arg11 : memref<80x64xf32, #tpu.memory_space<vmem>>) dst(%dma_wait3A_355 : memref<10240x64xf32, #tpu.memory_space<vmem_shared>>)
          } else {
          }
          %add3A_341 = arith.constant 4 : i32
          %add3A_342 = arith.addi %add3A_293, %add3A_341 : i32
          %dma_start3A_343 = arith.constant 0 : i32
          %dma_start3A_344 = tpu.memref_slice %arg7[%add3A_342, %dma_start3A_343] : memref<80x80xi32, #tpu.memory_space<vmem>> -> memref<1x80xi32, #tpu.memory_space<vmem>>
          %dma_start3A_345 = tpu.memref_squeeze %dma_start3A_344 : memref<1x80xi32, #tpu.memory_space<vmem>> -> memref<80xi32, #tpu.memory_space<vmem>>
          %dma_start3A_346 = arith.constant 0 : i32
          %dma_start3A_347 = arith.constant 0 : i32
          %dma_start3A_348 = tpu.memref_slice %arg4[%dma_start3A_346, %dma_start3A_347] : memref<10000x64xf32, #tpu.memory_space<hbm>> -> memref<10000x64xf32, #tpu.memory_space<hbm>>
          tpu.enqueue_indirect_dma source(%dma_start3A_348 : memref<10000x64xf32, #tpu.memory_space<hbm>>) target(%arg11 : memref<80x64xf32, #tpu.memory_space<vmem>>) offsets(%dma_start3A_345 : memref<80xi32, #tpu.memory_space<vmem>>) semaphore(%arg19 : memref<!tpu.dma_semaphore, #tpu.memory_space<semaphore_mem>>)
        } else {
        }
        %mul3A_313 = arith.constant 8 : i32
        %mul3A_314 = arith.muli %scan3A_151, %mul3A_313 : i32
        %add3A_315 = arith.constant 7 : i32
        %add3A_316 = arith.addi %mul3A_314, %add3A_315 : i32
        %dma_wait3A_317 = arith.constant 0 : i32
        %dma_wait3A_318 = tpu.memref_slice %arg7[%add3A_316, %dma_wait3A_317] : memref<80x80xi32, #tpu.memory_space<vmem>> -> memref<1x80xi32, #tpu.memory_space<vmem>>
        %dma_wait3A_319 = tpu.memref_squeeze %dma_wait3A_318 : memref<1x80xi32, #tpu.memory_space<vmem>> -> memref<80xi32, #tpu.memory_space<vmem>>
        %dma_wait3A_320 = arith.constant 0 : i32
        %dma_wait3A_321 = arith.constant 0 : i32
        %dma_wait3A_322 = tpu.memref_slice %arg4[%dma_wait3A_320, %dma_wait3A_321] : memref<10000x64xf32, #tpu.memory_space<hbm>> -> memref<10000x64xf32, #tpu.memory_space<hbm>>
        tpu.wait_indirect_dma semaphore(%arg24 : memref<!tpu.dma_semaphore, #tpu.memory_space<semaphore_mem>>) src(%dma_wait3A_322 : memref<10000x64xf32, #tpu.memory_space<hbm>>) dst(%arg16 : memref<80x64xf32, #tpu.memory_space<vmem>>)
        %dma_start3A_323 = arith.constant 0 : i32
        %dma_start3A_324 = tpu.memref_slice %arg8[%add3A_316, %dma_start3A_323] : memref<80x80xi32, #tpu.memory_space<vmem>> -> memref<1x80xi32, #tpu.memory_space<vmem>>
        %dma_start3A_325 = tpu.memref_squeeze %dma_start3A_324 : memref<1x80xi32, #tpu.memory_space<vmem>> -> memref<80xi32, #tpu.memory_space<vmem>>
        %dma_start3A_326 = arith.constant 0 : i32
        %dma_start3A_327 = arith.constant 0 : i32
        %dma_start3A_328 = tpu.memref_slice %arg6[%dma_start3A_326, %dma_start3A_327] : memref<10240x64xf32, #tpu.memory_space<vmem_shared>> -> memref<10240x64xf32, #tpu.memory_space<vmem_shared>>
        tpu.enqueue_indirect_dma source(%arg16 : memref<80x64xf32, #tpu.memory_space<vmem>>) target(%dma_start3A_328 : memref<10240x64xf32, #tpu.memory_space<vmem_shared>>) offsets(%dma_start3A_325 : memref<80xi32, #tpu.memory_space<vmem>>) semaphore(%arg32 : memref<!tpu.dma_semaphore, #tpu.memory_space<semaphore_mem>>) {add = true}
        %add3A_329 = arith.constant 4 : i32
        %add3A_330 = arith.addi %add3A_316, %add3A_329 : i32
        %lt3A_331 = arith.constant 16 : i32
        %lt3A_332 = arith.cmpi slt, %add3A_330, %lt3A_331 : i32
        %convert_element_type3A_333 = arith.extui %lt3A_332 : i1 to i32
        %cond3A_334 = arith.constant 0 : i32
        %cond3A_335 = arith.cmpi ne, %convert_element_type3A_333, %cond3A_334 : i32
        scf.if %cond3A_335 {
          %ge3A = arith.constant 4 : i32
          %ge3A_337 = arith.cmpi sge, %add3A_316, %ge3A : i32
          %convert_element_type3A_338 = arith.extui %ge3A_337 : i1 to i32
          %cond3A_339 = arith.constant 0 : i32
          %cond3A_340 = arith.cmpi ne, %convert_element_type3A_338, %cond3A_339 : i32
          scf.if %cond3A_340 {
            %sub3A = arith.constant 4 : i32
            %sub3A_349 = arith.subi %add3A_316, %sub3A : i32
            %dma_wait3A_350 = arith.constant 0 : i32
            %dma_wait3A_351 = tpu.memref_slice %arg8[%sub3A_349, %dma_wait3A_350] : memref<80x80xi32, #tpu.memory_space<vmem>> -> memref<1x80xi32, #tpu.memory_space<vmem>>
            %dma_wait3A_352 = tpu.memref_squeeze %dma_wait3A_351 : memref<1x80xi32, #tpu.memory_space<vmem>> -> memref<80xi32, #tpu.memory_space<vmem>>
            %dma_wait3A_353 = arith.constant 0 : i32
            %dma_wait3A_354 = arith.constant 0 : i32
            %dma_wait3A_355 = tpu.memref_slice %arg6[%dma_wait3A_353, %dma_wait3A_354] : memref<10240x64xf32, #tpu.memory_space<vmem_shared>> -> memref<10240x64xf32, #tpu.memory_space<vmem_shared>>
            tpu.wait_indirect_dma semaphore(%arg28 : memref<!tpu.dma_semaphore, #tpu.memory_space<semaphore_mem>>) src(%arg12 : memref<80x64xf32, #tpu.memory_space<vmem>>) dst(%dma_wait3A_355 : memref<10240x64xf32, #tpu.memory_space<vmem_shared>>)
          } else {
          }
          %add3A_341 = arith.constant 4 : i32
          %add3A_342 = arith.addi %add3A_316, %add3A_341 : i32
          %dma_start3A_343 = arith.constant 0 : i32
          %dma_start3A_344 = tpu.memref_slice %arg7[%add3A_342, %dma_start3A_343] : memref<80x80xi32, #tpu.memory_space<vmem>> -> memref<1x80xi32, #tpu.memory_space<vmem>>
          %dma_start3A_345 = tpu.memref_squeeze %dma_start3A_344 : memref<1x80xi32, #tpu.memory_space<vmem>> -> memref<80xi32, #tpu.memory_space<vmem>>
          %dma_start3A_346 = arith.constant 0 : i32
          %dma_start3A_347 = arith.constant 0 : i32
          %dma_start3A_348 = tpu.memref_slice %arg4[%dma_start3A_346, %dma_start3A_347] : memref<10000x64xf32, #tpu.memory_space<hbm>> -> memref<10000x64xf32, #tpu.memory_space<hbm>>
          tpu.enqueue_indirect_dma source(%dma_start3A_348 : memref<10000x64xf32, #tpu.memory_space<hbm>>) target(%arg12 : memref<80x64xf32, #tpu.memory_space<vmem>>) offsets(%dma_start3A_345 : memref<80xi32, #tpu.memory_space<vmem>>) semaphore(%arg20 : memref<!tpu.dma_semaphore, #tpu.memory_space<semaphore_mem>>)
        } else {
        }
        %scan3A_336 = arith.constant 0 : i32
        scf.yield %scan3A_336 : i32
      }
      %scan3A_93 = arith.constant 2 : i32
      %dma_wait3A = arith.constant 8 : i32
      %dma_wait3A_94 = arith.constant 0 : i32
      %dma_wait3A_95 = tpu.memref_slice %arg8[%dma_wait3A, %dma_wait3A_94] : memref<80x80xi32, #tpu.memory_space<vmem>> -> memref<1x80xi32, #tpu.memory_space<vmem>>
      %dma_wait3A_96 = tpu.memref_squeeze %dma_wait3A_95 : memref<1x80xi32, #tpu.memory_space<vmem>> -> memref<80xi32, #tpu.memory_space<vmem>>
      %dma_wait3A_97 = arith.constant 0 : i32
      %dma_wait3A_98 = arith.constant 0 : i32
      %dma_wait3A_99 = tpu.memref_slice %arg6[%dma_wait3A_97, %dma_wait3A_98] : memref<10240x64xf32, #tpu.memory_space<vmem_shared>> -> memref<10240x64xf32, #tpu.memory_space<vmem_shared>>
      tpu.wait_indirect_dma semaphore(%arg25 : memref<!tpu.dma_semaphore, #tpu.memory_space<semaphore_mem>>) src(%arg9 : memref<80x64xf32, #tpu.memory_space<vmem>>) dst(%dma_wait3A_99 : memref<10240x64xf32, #tpu.memory_space<vmem_shared>>)
      %dma_wait3A_100 = arith.constant 9 : i32
      %dma_wait3A_101 = arith.constant 0 : i32
      %dma_wait3A_102 = tpu.memref_slice %arg8[%dma_wait3A_100, %dma_wait3A_101] : memref<80x80xi32, #tpu.memory_space<vmem>> -> memref<1x80xi32, #tpu.memory_space<vmem>>
      %dma_wait3A_103 = tpu.memref_squeeze %dma_wait3A_102 : memref<1x80xi32, #tpu.memory_space<vmem>> -> memref<80xi32, #tpu.memory_space<vmem>>
      %dma_wait3A_104 = arith.constant 0 : i32
      %dma_wait3A_105 = arith.constant 0 : i32
      %dma_wait3A_106 = tpu.memref_slice %arg6[%dma_wait3A_104, %dma_wait3A_105] : memref<10240x64xf32, #tpu.memory_space<vmem_shared>> -> memref<10240x64xf32, #tpu.memory_space<vmem_shared>>
      tpu.wait_indirect_dma semaphore(%arg26 : memref<!tpu.dma_semaphore, #tpu.memory_space<semaphore_mem>>) src(%arg10 : memref<80x64xf32, #tpu.memory_space<vmem>>) dst(%dma_wait3A_106 : memref<10240x64xf32, #tpu.memory_space<vmem_shared>>)
      %dma_wait3A_107 = arith.constant 10 : i32
      %dma_wait3A_108 = arith.constant 0 : i32
      %dma_wait3A_109 = tpu.memref_slice %arg8[%dma_wait3A_107, %dma_wait3A_108] : memref<80x80xi32, #tpu.memory_space<vmem>> -> memref<1x80xi32, #tpu.memory_space<vmem>>
      %dma_wait3A_110 = tpu.memref_squeeze %dma_wait3A_109 : memref<1x80xi32, #tpu.memory_space<vmem>> -> memref<80xi32, #tpu.memory_space<vmem>>
      %dma_wait3A_111 = arith.constant 0 : i32
      %dma_wait3A_112 = arith.constant 0 : i32
      %dma_wait3A_113 = tpu.memref_slice %arg6[%dma_wait3A_111, %dma_wait3A_112] : memref<10240x64xf32, #tpu.memory_space<vmem_shared>> -> memref<10240x64xf32, #tpu.memory_space<vmem_shared>>
      tpu.wait_indirect_dma semaphore(%arg27 : memref<!tpu.dma_semaphore, #tpu.memory_space<semaphore_mem>>) src(%arg11 : memref<80x64xf32, #tpu.memory_space<vmem>>) dst(%dma_wait3A_113 : memref<10240x64xf32, #tpu.memory_space<vmem_shared>>)
      %dma_wait3A_114 = arith.constant 11 : i32
      %dma_wait3A_115 = arith.constant 0 : i32
      %dma_wait3A_116 = tpu.memref_slice %arg8[%dma_wait3A_114, %dma_wait3A_115] : memref<80x80xi32, #tpu.memory_space<vmem>> -> memref<1x80xi32, #tpu.memory_space<vmem>>
      %dma_wait3A_117 = tpu.memref_squeeze %dma_wait3A_116 : memref<1x80xi32, #tpu.memory_space<vmem>> -> memref<80xi32, #tpu.memory_space<vmem>>
      %dma_wait3A_118 = arith.constant 0 : i32
      %dma_wait3A_119 = arith.constant 0 : i32
      %dma_wait3A_120 = tpu.memref_slice %arg6[%dma_wait3A_118, %dma_wait3A_119] : memref<10240x64xf32, #tpu.memory_space<vmem_shared>> -> memref<10240x64xf32, #tpu.memory_space<vmem_shared>>
      tpu.wait_indirect_dma semaphore(%arg28 : memref<!tpu.dma_semaphore, #tpu.memory_space<semaphore_mem>>) src(%arg12 : memref<80x64xf32, #tpu.memory_space<vmem>>) dst(%dma_wait3A_120 : memref<10240x64xf32, #tpu.memory_space<vmem_shared>>)
      %dma_wait3A_121 = arith.constant 12 : i32
      %dma_wait3A_122 = arith.constant 0 : i32
      %dma_wait3A_123 = tpu.memref_slice %arg8[%dma_wait3A_121, %dma_wait3A_122] : memref<80x80xi32, #tpu.memory_space<vmem>> -> memref<1x80xi32, #tpu.memory_space<vmem>>
      %dma_wait3A_124 = tpu.memref_squeeze %dma_wait3A_123 : memref<1x80xi32, #tpu.memory_space<vmem>> -> memref<80xi32, #tpu.memory_space<vmem>>
      %dma_wait3A_125 = arith.constant 0 : i32
      %dma_wait3A_126 = arith.constant 0 : i32
      %dma_wait3A_127 = tpu.memref_slice %arg6[%dma_wait3A_125, %dma_wait3A_126] : memref<10240x64xf32, #tpu.memory_space<vmem_shared>> -> memref<10240x64xf32, #tpu.memory_space<vmem_shared>>
      tpu.wait_indirect_dma semaphore(%arg29 : memref<!tpu.dma_semaphore, #tpu.memory_space<semaphore_mem>>) src(%arg13 : memref<80x64xf32, #tpu.memory_space<vmem>>) dst(%dma_wait3A_127 : memref<10240x64xf32, #tpu.memory_space<vmem_shared>>)
      %dma_wait3A_128 = arith.constant 13 : i32
      %dma_wait3A_129 = arith.constant 0 : i32
      %dma_wait3A_130 = tpu.memref_slice %arg8[%dma_wait3A_128, %dma_wait3A_129] : memref<80x80xi32, #tpu.memory_space<vmem>> -> memref<1x80xi32, #tpu.memory_space<vmem>>
      %dma_wait3A_131 = tpu.memref_squeeze %dma_wait3A_130 : memref<1x80xi32, #tpu.memory_space<vmem>> -> memref<80xi32, #tpu.memory_space<vmem>>
      %dma_wait3A_132 = arith.constant 0 : i32
      %dma_wait3A_133 = arith.constant 0 : i32
      %dma_wait3A_134 = tpu.memref_slice %arg6[%dma_wait3A_132, %dma_wait3A_133] : memref<10240x64xf32, #tpu.memory_space<vmem_shared>> -> memref<10240x64xf32, #tpu.memory_space<vmem_shared>>
      tpu.wait_indirect_dma semaphore(%arg30 : memref<!tpu.dma_semaphore, #tpu.memory_space<semaphore_mem>>) src(%arg14 : memref<80x64xf32, #tpu.memory_space<vmem>>) dst(%dma_wait3A_134 : memref<10240x64xf32, #tpu.memory_space<vmem_shared>>)
      %dma_wait3A_135 = arith.constant 14 : i32
      %dma_wait3A_136 = arith.constant 0 : i32
      %dma_wait3A_137 = tpu.memref_slice %arg8[%dma_wait3A_135, %dma_wait3A_136] : memref<80x80xi32, #tpu.memory_space<vmem>> -> memref<1x80xi32, #tpu.memory_space<vmem>>
      %dma_wait3A_138 = tpu.memref_squeeze %dma_wait3A_137 : memref<1x80xi32, #tpu.memory_space<vmem>> -> memref<80xi32, #tpu.memory_space<vmem>>
      %dma_wait3A_139 = arith.constant 0 : i32
      %dma_wait3A_140 = arith.constant 0 : i32
      %dma_wait3A_141 = tpu.memref_slice %arg6[%dma_wait3A_139, %dma_wait3A_140] : memref<10240x64xf32, #tpu.memory_space<vmem_shared>> -> memref<10240x64xf32, #tpu.memory_space<vmem_shared>>
      tpu.wait_indirect_dma semaphore(%arg31 : memref<!tpu.dma_semaphore, #tpu.memory_space<semaphore_mem>>) src(%arg15 : memref<80x64xf32, #tpu.memory_space<vmem>>) dst(%dma_wait3A_141 : memref<10240x64xf32, #tpu.memory_space<vmem_shared>>)
      %dma_wait3A_142 = arith.constant 15 : i32
      %dma_wait3A_143 = arith.constant 0 : i32
      %dma_wait3A_144 = tpu.memref_slice %arg8[%dma_wait3A_142, %dma_wait3A_143] : memref<80x80xi32, #tpu.memory_space<vmem>> -> memref<1x80xi32, #tpu.memory_space<vmem>>
      %dma_wait3A_145 = tpu.memref_squeeze %dma_wait3A_144 : memref<1x80xi32, #tpu.memory_space<vmem>> -> memref<80xi32, #tpu.memory_space<vmem>>
      %dma_wait3A_146 = arith.constant 0 : i32
      %dma_wait3A_147 = arith.constant 0 : i32
      %dma_wait3A_148 = tpu.memref_slice %arg6[%dma_wait3A_146, %dma_wait3A_147] : memref<10240x64xf32, #tpu.memory_space<vmem_shared>> -> memref<10240x64xf32, #tpu.memory_space<vmem_shared>>
      tpu.wait_indirect_dma semaphore(%arg32 : memref<!tpu.dma_semaphore, #tpu.memory_space<semaphore_mem>>) src(%arg16 : memref<80x64xf32, #tpu.memory_space<vmem>>) dst(%dma_wait3A_148 : memref<10240x64xf32, #tpu.memory_space<vmem_shared>>)
      %scan3A_149 = arith.constant 0 : i32
      %scan3A_150 = arith.constant 1 : i32
    } else {
    }
    %barrier3A_43 = arith.constant 0 : index
    tpu.barrier barrier_id(%barrier3A_43)
    %mul3A_44 = arith.constant 640 : i32
    %mul3A_45 = arith.muli %arg1, %mul3A_44 : i32
    %mul3A_46 = arith.constant 640 : i32
    %mul3A_47 = arith.muli %arg1, %mul3A_46 : i32
    "tpu.region"() ({
      %run_scoped3A = tpu.sem_alloc : memref<!tpu.dma_semaphore, #tpu.memory_space<semaphore_mem>>
      %dma_start3A = arith.constant 0 : i32
      %dma_start3A_48 = tpu.memref_slice %arg5[%arg0, %mul3A_47, %dma_start3A] : memref<2x10240x64xf32, #tpu.memory_space<hbm>> -> memref<1x640x64xf32, #tpu.memory_space<hbm>>
      %dma_start3A_49 = tpu.memref_squeeze %dma_start3A_48 : memref<1x640x64xf32, #tpu.memory_space<hbm>> -> memref<640x64xf32, #tpu.memory_space<hbm>>
      %dma_start3A_50 = arith.constant 0 : i32
      %dma_start3A_51 = tpu.memref_slice %arg6[%mul3A_45, %dma_start3A_50] : memref<10240x64xf32, #tpu.memory_space<vmem_shared>> -> memref<640x64xf32, #tpu.memory_space<vmem_shared>>
      tpu.enqueue_dma source(%dma_start3A_51 : memref<640x64xf32, #tpu.memory_space<vmem_shared>>) target(%dma_start3A_49 : memref<640x64xf32, #tpu.memory_space<hbm>>) target_semaphore(%run_scoped3A : memref<!tpu.dma_semaphore, #tpu.memory_space<semaphore_mem>>)
      %dma_wait3A = arith.constant 0 : i32
      %dma_wait3A_52 = tpu.memref_slice %arg5[%arg0, %mul3A_47, %dma_wait3A] : memref<2x10240x64xf32, #tpu.memory_space<hbm>> -> memref<1x640x64xf32, #tpu.memory_space<hbm>>
      %dma_wait3A_53 = tpu.memref_squeeze %dma_wait3A_52 : memref<1x640x64xf32, #tpu.memory_space<hbm>> -> memref<640x64xf32, #tpu.memory_space<hbm>>
      %dma_wait3A_54 = arith.constant 0 : i32
      %dma_wait3A_55 = tpu.memref_slice %arg6[%mul3A_45, %dma_wait3A_54] : memref<10240x64xf32, #tpu.memory_space<vmem_shared>> -> memref<640x64xf32, #tpu.memory_space<vmem_shared>>
      tpu.wait_dma2 semaphore(%run_scoped3A : memref<!tpu.dma_semaphore, #tpu.memory_space<semaphore_mem>>) src(%dma_wait3A_55 : memref<640x64xf32, #tpu.memory_space<vmem_shared>>) dst(%dma_wait3A_53 : memref<640x64xf32, #tpu.memory_space<hbm>>)
      tpu.yield
    }) : () -> ()
    return
  }
}

module attributes {stable_mosaic.version = 14 : i64} {
  func.func @_b_body(%arg0: memref<10000x128xf32, #tpu.memory_space<vmem>>, %arg1: memref<128x64xf32, #tpu.memory_space<vmem>>, %arg2: memref<2x10240xf32, #tpu.memory_space<vmem>>, %arg3: memref<10000x64xf32, #tpu.memory_space<vmem>>, %arg4: memref<10000x1xf32, #tpu.memory_space<vmem>>) attributes {dimension_semantics = [], scalar_prefetch = 0 : i64, scratch_operands = 0 : i64, tpu.core_type = #tpu.core_type<tc>} {
    %get3A = arith.constant 0 : index
    %get3A_0 = arith.constant 0 : index
    %get3A_1 = vector.load %arg2[%get3A, %get3A_0] : memref<2x10240xf32, #tpu.memory_space<vmem>>, vector<2x10240xf32>
    %transpose3A = tpu.transpose %get3A_1, [1, 0] : vector<2x10240xf32> -> vector<10240x2xf32>
    %slice3A = vector.extract_strided_slice %transpose3A {offsets = [0, 0], sizes = [10000, 2], strides = [1, 1]} : vector<10240x2xf32> to vector<10000x2xf32>
    %reduce_sum3A = arith.constant dense<0.000000e+00> : vector<10000xf32>
    %reduce_sum3A_2 = vector.multi_reduction <add>, %slice3A, %reduce_sum3A [1] : vector<10000x2xf32> to vector<10000xf32>
    %broadcast_in_dim3A = vector.shape_cast %reduce_sum3A_2 : vector<10000xf32> to vector<10000x1xf32>
    %add3A = arith.constant 1.000000e+00 : f32
    %add3A_3 = vector.broadcast %add3A : f32 to vector<10000x1xf32>
    %add3A_4 = arith.addf %broadcast_in_dim3A, %add3A_3 : vector<10000x1xf32>
    %rsqrt3A = math.rsqrt %add3A_4 : vector<10000x1xf32>
    %get3A_5 = arith.constant 0 : index
    %get3A_6 = arith.constant 0 : index
    %get3A_7 = vector.load %arg0[%get3A_5, %get3A_6] : memref<10000x128xf32, #tpu.memory_space<vmem>>, vector<10000x128xf32>
    %get3A_8 = arith.constant 0 : index
    %get3A_9 = arith.constant 0 : index
    %get3A_10 = vector.load %arg1[%get3A_8, %get3A_9] : memref<128x64xf32, #tpu.memory_space<vmem>>, vector<128x64xf32>
    %dot_general3A = arith.constant dense<0.000000e+00> : vector<10000x64xf32>
    %dot_general3A_11 = tpu.matmul %get3A_7, %get3A_10, %dot_general3A {dimension_numbers = #tpu.dot_dimension_numbers<[1], [0], [0], [1], [0, 0, 1, 1], [], []>, transpose_lhs_hint = false} : vector<10000x128xf32>, vector<128x64xf32>, vector<10000x64xf32> -> vector<10000x64xf32>
    %mul3A = vector.broadcast %rsqrt3A : vector<10000x1xf32> to vector<10000x64xf32>
    %mul3A_12 = arith.mulf %mul3A, %dot_general3A_11 : vector<10000x64xf32>
    %swap3A = arith.constant 0 : index
    %swap3A_13 = arith.constant 0 : index
    %swap3A_14 = vector.load %arg3[%swap3A, %swap3A_13] : memref<10000x64xf32, #tpu.memory_space<vmem>>, vector<10000x64xf32>
    tpu.vector_store %arg3[%swap3A, %swap3A_13], %mul3A_12 {strides = array<i32>} : memref<10000x64xf32, #tpu.memory_space<vmem>>, vector<10000x64xf32>,
    %swap3A_15 = arith.constant 0 : index
    %swap3A_16 = arith.constant 0 : index
    %swap3A_17 = vector.load %arg4[%swap3A_15, %swap3A_16] : memref<10000x1xf32, #tpu.memory_space<vmem>>, vector<10000x1xf32>
    tpu.vector_store %arg4[%swap3A_15, %swap3A_16], %rsqrt3A {strides = array<i32>} : memref<10000x1xf32, #tpu.memory_space<vmem>>, vector<10000x1xf32>,
    return
  }
}

module attributes {stable_mosaic.version = 14 : i64} {
  func.func @_d_body(%arg0: memref<2x10240x64xf32, #tpu.memory_space<vmem>>, %arg1: memref<10000x64xf32, #tpu.memory_space<vmem>>, %arg2: memref<10000x1xf32, #tpu.memory_space<vmem>>, %arg3: memref<64xf32, #tpu.memory_space<vmem>>, %arg4: memref<64x64xf32, #tpu.memory_space<vmem>>, %arg5: memref<64x1xf32, #tpu.memory_space<vmem>>, %arg6: memref<10000x1xf32, #tpu.memory_space<vmem>>) attributes {dimension_semantics = [], scalar_prefetch = 0 : i64, scratch_operands = 0 : i64, tpu.core_type = #tpu.core_type<tc>} {
    %get3A = arith.constant 0 : index
    %get3A_0 = arith.constant 0 : index
    %get3A_1 = vector.load %arg2[%get3A, %get3A_0] : memref<10000x1xf32, #tpu.memory_space<vmem>>, vector<10000x1xf32>
    %get3A_2 = arith.constant 0 : index
    %get3A_3 = arith.constant 0 : index
    %get3A_4 = arith.constant 0 : index
    %get3A_5 = vector.load %arg0[%get3A_2, %get3A_3, %get3A_4] : memref<2x10240x64xf32, #tpu.memory_space<vmem>>, vector<1x10000x64xf32>
    %get3A_6 = vector.shape_cast %get3A_5 : vector<1x10000x64xf32> to vector<10000x64xf32>
    %get3A_7 = arith.constant 1 : index
    %get3A_8 = arith.constant 0 : index
    %get3A_9 = arith.constant 0 : index
    %get3A_10 = vector.load %arg0[%get3A_7, %get3A_8, %get3A_9] : memref<2x10240x64xf32, #tpu.memory_space<vmem>>, vector<1x10000x64xf32>
    %get3A_11 = vector.shape_cast %get3A_10 : vector<1x10000x64xf32> to vector<10000x64xf32>
    %add3A = arith.addf %get3A_6, %get3A_11 : vector<10000x64xf32>
    %get3A_12 = arith.constant 0 : index
    %get3A_13 = arith.constant 0 : index
    %get3A_14 = vector.load %arg1[%get3A_12, %get3A_13] : memref<10000x64xf32, #tpu.memory_space<vmem>>, vector<10000x64xf32>
    %add3A_15 = arith.addf %add3A, %get3A_14 : vector<10000x64xf32>
    %mul3A = vector.broadcast %get3A_1 : vector<10000x1xf32> to vector<10000x64xf32>
    %mul3A_16 = arith.mulf %mul3A, %add3A_15 : vector<10000x64xf32>
    %get3A_17 = arith.constant 0 : index
    %get3A_18 = vector.load %arg3[%get3A_17] : memref<64xf32, #tpu.memory_space<vmem>>, vector<64xf32>
    %broadcast_in_dim3A = vector.shape_cast %get3A_18 : vector<64xf32> to vector<1x64xf32>
    %add3A_19 = vector.broadcast %broadcast_in_dim3A : vector<1x64xf32> to vector<10000x64xf32>
    %add3A_20 = arith.addf %mul3A_16, %add3A_19 : vector<10000x64xf32>
    %max3A = arith.constant 0.000000e+00 : f32
    %max3A_21 = vector.broadcast %max3A : f32 to vector<10000x64xf32>
    %max3A_22 = arith.maximumf %add3A_20, %max3A_21 : vector<10000x64xf32>
    %get3A_23 = arith.constant 0 : index
    %get3A_24 = arith.constant 0 : index
    %get3A_25 = vector.load %arg4[%get3A_23, %get3A_24] : memref<64x64xf32, #tpu.memory_space<vmem>>, vector<64x64xf32>
    %get3A_26 = arith.constant 0 : index
    %get3A_27 = arith.constant 0 : index
    %get3A_28 = vector.load %arg5[%get3A_26, %get3A_27] : memref<64x1xf32, #tpu.memory_space<vmem>>, vector<64x1xf32>
    %dot_general3A = arith.constant dense<0.000000e+00> : vector<64x1xf32>
    %dot_general3A_29 = tpu.matmul %get3A_25, %get3A_28, %dot_general3A {dimension_numbers = #tpu.dot_dimension_numbers<[1], [0], [0], [1], [0, 0, 1, 1], [], []>, transpose_lhs_hint = false} : vector<64x64xf32>, vector<64x1xf32>, vector<64x1xf32> -> vector<64x1xf32>
    %dot_general3A_30 = arith.constant dense<0.000000e+00> : vector<10000x1xf32>
    %dot_general3A_31 = tpu.matmul %max3A_22, %dot_general3A_29, %dot_general3A_30 {dimension_numbers = #tpu.dot_dimension_numbers<[1], [0], [0], [1], [0, 0, 1, 1], [], []>, transpose_lhs_hint = false} : vector<10000x64xf32>, vector<64x1xf32>, vector<10000x1xf32> -> vector<10000x1xf32>
    %mul3A_32 = arith.mulf %get3A_1, %dot_general3A_31 : vector<10000x1xf32>
    %swap3A = arith.constant 0 : index
    %swap3A_33 = arith.constant 0 : index
    %swap3A_34 = vector.load %arg6[%swap3A, %swap3A_33] : memref<10000x1xf32, #tpu.memory_space<vmem>>, vector<10000x1xf32>
    tpu.vector_store %arg6[%swap3A, %swap3A_33], %mul3A_32 {strides = array<i32>} : memref<10000x1xf32, #tpu.memory_space<vmem>>, vector<10000x1xf32>,
    return
  }
}

module attributes {stable_mosaic.version = 14 : i64} {
  func.func @_f_body(%arg0: memref<2x10240xf32, #tpu.memory_space<vmem>>, %arg1: memref<10000x1xf32, #tpu.memory_space<vmem>>, %arg2: memref<10000x1xf32, #tpu.memory_space<vmem>>, %arg3: memref<64xf32, #tpu.memory_space<vmem>>, %arg4: memref<64x1xf32, #tpu.memory_space<vmem>>, %arg5: memref<1xf32, #tpu.memory_space<vmem>>, %arg6: memref<10000x1xf32, #tpu.memory_space<vmem>>) attributes {dimension_semantics = [], scalar_prefetch = 0 : i64, scratch_operands = 0 : i64, tpu.core_type = #tpu.core_type<tc>} {
    %get3A = arith.constant 0 : index
    %get3A_0 = arith.constant 0 : index
    %get3A_1 = vector.load %arg0[%get3A, %get3A_0] : memref<2x10240xf32, #tpu.memory_space<vmem>>, vector<2x10240xf32>
    %transpose3A = tpu.transpose %get3A_1, [1, 0] : vector<2x10240xf32> -> vector<10240x2xf32>
    %slice3A = vector.extract_strided_slice %transpose3A {offsets = [0, 0], sizes = [10000, 2], strides = [1, 1]} : vector<10240x2xf32> to vector<10000x2xf32>
    %reduce_sum3A = arith.constant dense<0.000000e+00> : vector<10000xf32>
    %reduce_sum3A_2 = vector.multi_reduction <add>, %slice3A, %reduce_sum3A [1] : vector<10000x2xf32> to vector<10000xf32>
    %broadcast_in_dim3A = vector.shape_cast %reduce_sum3A_2 : vector<10000xf32> to vector<10000x1xf32>
    %get3A_3 = arith.constant 0 : index
    %get3A_4 = vector.load %arg3[%get3A_3] : memref<64xf32, #tpu.memory_space<vmem>>, vector<64xf32>
    %broadcast_in_dim3A_5 = vector.shape_cast %get3A_4 : vector<64xf32> to vector<64x1xf32>
    %get3A_6 = arith.constant 0 : index
    %get3A_7 = arith.constant 0 : index
    %get3A_8 = vector.load %arg4[%get3A_6, %get3A_7] : memref<64x1xf32, #tpu.memory_space<vmem>>, vector<64x1xf32>
    %mul3A = arith.mulf %broadcast_in_dim3A_5, %get3A_8 : vector<64x1xf32>
    %reduce_sum3A_9 = vector.shape_cast %mul3A : vector<64x1xf32> to vector<1x64x1xf32>
    %reduce_sum3A_10 = arith.constant dense<0.000000e+00> : vector<1xf32>
    %reduce_sum3A_11 = vector.multi_reduction <add>, %reduce_sum3A_9, %reduce_sum3A_10 [1, 2] : vector<1x64x1xf32> to vector<1xf32>
    %reduce_sum3A_12 = vector.shape_cast %reduce_sum3A_11 : vector<1xf32> to vector<1x1x1xf32>
    %reduce_sum3A_13 = vector.extract %reduce_sum3A_12[0, 0, 0] : f32 from vector<1x1x1xf32>
    %get3A_14 = arith.constant 0 : index
    %get3A_15 = vector.load %arg5[%get3A_14] : memref<1xf32, #tpu.memory_space<vmem>>, vector<1xf32>
    %reduce_sum3A_16 = vector.shape_cast %get3A_15 : vector<1xf32> to vector<1x1xf32>
    %reduce_sum3A_17 = arith.constant dense<0.000000e+00> : vector<1xf32>
    %reduce_sum3A_18 = vector.multi_reduction <add>, %reduce_sum3A_16, %reduce_sum3A_17 [1] : vector<1x1xf32> to vector<1xf32>
    %reduce_sum3A_19 = vector.shape_cast %reduce_sum3A_18 : vector<1xf32> to vector<1x1xf32>
    %reduce_sum3A_20 = vector.extract %reduce_sum3A_19[0, 0] : f32 from vector<1x1xf32>
    %add3A = arith.addf %reduce_sum3A_13, %reduce_sum3A_20 : f32
    %get3A_21 = arith.constant 0 : index
    %get3A_22 = arith.constant 0 : index
    %get3A_23 = vector.load %arg2[%get3A_21, %get3A_22] : memref<10000x1xf32, #tpu.memory_space<vmem>>, vector<10000x1xf32>
    %get3A_24 = arith.constant 0 : index
    %get3A_25 = arith.constant 0 : index
    %get3A_26 = vector.load %arg1[%get3A_24, %get3A_25] : memref<10000x1xf32, #tpu.memory_space<vmem>>, vector<10000x1xf32>
    %add3A_27 = arith.addf %broadcast_in_dim3A, %get3A_26 : vector<10000x1xf32>
    %mul3A_28 = arith.mulf %get3A_23, %add3A_27 : vector<10000x1xf32>
    %add3A_29 = vector.broadcast %add3A : f32 to vector<10000x1xf32>
    %add3A_30 = arith.addf %mul3A_28, %add3A_29 : vector<10000x1xf32>
    %swap3A = arith.constant 0 : index
    %swap3A_31 = arith.constant 0 : index
    %swap3A_32 = vector.load %arg6[%swap3A, %swap3A_31] : memref<10000x1xf32, #tpu.memory_space<vmem>>, vector<10000x1xf32>
    tpu.vector_store %arg6[%swap3A, %swap3A_31], %add3A_30 {strides = array<i32>} : memref<10000x1xf32, #tpu.memory_space<vmem>>, vector<10000x1xf32>,
    return
  }
}

</mosaic_0001>

<sc_bundles>
// kernel: kernel.11.cloned.1.call-start
scs
__scs_entry_jumppad:
0x0: {  	(pc) =	sbr.rel $0x88, $3  }
0x1: {  	(tag) =	ssettag $0x0;
	lr =	simm.s32 $0x1  }
0x2: {  	[smem:$0x3F99] =	sst lr;
	_ =	strace $0xD0000000  }
0x3: {  	_ = 	snop  }
0x4: {  	_ = 	snop  }
0x5: {  	_ = 	snop  }
0x6: {  	_ = 	snop  }
0x7: {  	_ = 	snop  }
__scs_overlays_trampoline_lowered:
0x8: {  	[smem:$0x3FA8] =	sst s0  }
0x9: {  	[smem:$0x3FA9] =	sst s1  }
0xa: {  	[smem:$0x3FAA] =	sst s2  }
0xb: {  	[smem:$0x3FAB] =	sst s3  }
0xc: {  	[smem:$0x3FAC] =	sst s4  }
0xd: {  	[smem:$0x3FAD] =	sst s5  }
0xe: {  	[smem:$0x3FAE] =	sst s6  }
0xf: {  	[smem:$0x3FAF] =	sst s7  }
0x10: {  	[smem:$0x3FB0] =	sst s8  }
0x11: {  	[smem:$0x3FB1] =	sst s9;
	s0 =	simm.s32 @!p0 $0x0  }
0x12: {  	s1 =	sld [smem:$0x3F97];
	s0 =	simm.s32 @p0 $0x1  }
0x13: {  	[smem:$0x3FB2] =	sst s0;
	s0 =	simm.s32 @!p1 $0x0  }
0x14: {  	s2 =	sld [smem:$0x3F96];
	s0 =	simm.s32 @p1 $0x1  }
0x15: {  	[smem:$0x3FB3] =	sst s0;
	s0 =	simm.s32 @!p2 $0x0  }
0x16: {  	s3 =	sld [smem:$0x3FDB];
	s0 =	simm.s32 @p2 $0x1  }
0x17: {  	s4 =	simm.s32 $0x1BF5;
	[smem:$0x3FB5] =	sst s0  }
0x18: {  	s0 =	sld [smem:$0x3F98];
	_ =	swait.ge [sflag:s4], $0x0  }
0x19: {  	s7 =	sld [smem:$0x3F99]  }
0x1a: {  	s8 =	sadd.s32 $0xFFFFE003, lr  }
0x1b: {  	s9 =	sadd.s32 $0xFFFFFEF7, lr;
	s5 =	simm.s32 $0xFFFFFFFF;
	p2 =	slt.u32 s8, $0xFFFFF086  }
0x1c: {  	p1 =	slt.u32 s9, $0xF7A;
	s5 =	simm.s32 @!p2 $0x0  }
0x1d: {  	s5 =	simm.s32 @p1 $0x1;
	p0 =	seq.s32 s7, s2  }
0x1e: {  	s7 =	smul.u32 @!p0 $0xF7A, s2;
	p2 =	seq.s32 @!p0 s5, $0x0  }
0x1f: {  	s9 =	smul.u32 $0xF7A, s1;
	s8 =	simm.s32 @!p0 $0x1BF5;
	p2 =	por !p2, p0  }
0x20: {  	[sflag:s8] =	ssyncset.s32 @!p0 $0xFFFFF086;
	s6 =	sadd.s32 @!p0 s3, s7;
	s7 =	simm.s32 @!p0 $0x108  }
0x21: {  	s3 =	sadd.s32 s3, s9;
	s6 =	sadd.s32 @!p0 $0x88, s6;
	s7 =	simm.s32 @p2 $0x1082  }
0x22: {  	[simem:s7], [sflag:s8] =	dma.local @!p0 [hbm:s6], $0xF7A  }
0x23: {  	s9 =	sor.u32 $0xD0000000, s2;
	s6 =	simm.s32 $0x108;
	_ =	swait.ge @!p0 [sflag:s8], $0x0  }
0x24: {  	s3 =	sadd.s32 $0x88, s3;
	s6 =	simm.s32 @!p1 $0x1082;
	[sflag:s4] =	ssyncset.s32 $0xFFFFF086  }
0x25: {  	[simem:s6], [sflag:s4] =	dma.local [hbm:s3], $0xF7A  }
0x26: {  	[smem:$0x3F99] =	sst s1;
	(tag) =	ssettag s2;
	_ =	strace s9  }
0x27: {  	s1 =	sld [smem:$0x3FA9]  }
0x28: {  	s2 =	sld [smem:$0x3FAA]  }
0x29: {  	s4 =	sld [smem:$0x3FAC]  }
0x2a: {  	p0 =	seq.s32 s5, $0x0;
	s5 =	sld [smem:$0x3FAD]  }
0x2b: {  	s6 =	sld [smem:$0x3FAE]  }
0x2c: {  	s7 =	sld [smem:$0x3FAF]  }
0x2d: {  	s3 =	simm.s32 $0x108;
	s8 =	sld [smem:$0x3FB0]  }
0x2e: {  	s3 =	simm.s32 @!p0 $0x1082;
	s9 =	sld [smem:$0x3FB1]  }
0x2f: {  	lr =	sadd.s32 s0, s3;
	s0 =	sld [smem:$0x3FA8]  }
0x30: {  	s3 =	sld [smem:$0x3FAB]  }
0x31: {  	[smem:$0x3FB4] =	sst s10  }
0x32: {  	s10 =	sld [smem:$0x3FB2];
	_ =	sdelay $0x3  }
0x33: {  	p0 =	seq.s32 s10, $0x1;
	s10 =	sld [smem:$0x3FB4];
	_ =	sdelay $0x3  }
0x34: {  	[smem:$0x3FB4] =	sst s10  }
0x35: {  	s10 =	sld [smem:$0x3FB3];
	_ =	sdelay $0x3  }
0x36: {  	p1 =	seq.s32 s10, $0x1;
	s10 =	sld [smem:$0x3FB4];
	_ =	sdelay $0x3  }
0x37: {  	[smem:$0x3FB4] =	sst s10  }
0x38: {  	s10 =	sld [smem:$0x3FB5]  }
0x39: {  	_ = 	snop;
	(pc) =	sbr.ind lr, $3  }
0x3a: {  	_ = 	snop  }
0x3b: {  	_ = 	snop  }
0x3c: {  	p2 =	seq.s32 s10, $0x1;
	s10 =	sld [smem:$0x3FB4]  }
0x3d: {  	_ =	shalt  }
0x3e: {  	_ =	shalt  }
0x3f: {  	_ =	shalt  }
0x40: {  	_ =	shalt  }
0x41: {  	_ =	shalt  }
0x42: {  	_ =	shalt  }
0x43: {  	_ =	shalt  }
0x44: {  	_ =	shalt  }
0x45: {  	_ =	shalt  }
0x46: {  	_ =	shalt  }
0x47: {  	_ =	shalt  }
0x48: {  	_ =	shalt  }
0x49: {  	_ =	shalt  }
0x4a: {  	_ =	shalt  }
0x4b: {  	_ =	shalt  }
0x4c: {  	_ =	shalt  }
0x4d: {  	_ =	shalt  }
0x4e: {  	_ =	shalt  }
0x4f: {  	_ =	shalt  }
0x50: {  	_ =	shalt  }
0x51: {  	_ =	shalt  }
0x52: {  	_ =	shalt  }
0x53: {  	_ =	shalt  }
0x54: {  	_ =	shalt  }
0x55: {  	_ =	shalt  }
0x56: {  	_ =	shalt  }
0x57: {  	_ =	shalt  }
0x58: {  	_ =	shalt  }
0x59: {  	_ =	shalt  }
0x5a: {  	_ =	shalt  }
0x5b: {  	_ =	shalt  }
0x5c: {  	_ =	shalt  }
0x5d: {  	_ =	shalt  }
0x5e: {  	_ =	shalt  }
0x5f: {  	_ =	shalt  }
0x60: {  	_ =	shalt  }
0x61: {  	_ =	shalt  }
0x62: {  	_ =	shalt  }
0x63: {  	_ =	shalt  }
0x64: {  	_ =	shalt  }
0x65: {  	_ =	shalt  }
0x66: {  	_ =	shalt  }
0x67: {  	_ =	shalt  }
0x68: {  	_ =	shalt  }
0x69: {  	_ =	shalt  }
0x6a: {  	_ =	shalt  }
0x6b: {  	_ =	shalt  }
0x6c: {  	_ =	shalt  }
0x6d: {  	_ =	shalt  }
0x6e: {  	_ =	shalt  }
0x6f: {  	_ =	shalt  }
0x70: {  	_ =	shalt  }
0x71: {  	_ =	shalt  }
0x72: {  	_ =	shalt  }
0x73: {  	_ =	shalt  }
0x74: {  	_ =	shalt  }
0x75: {  	_ =	shalt  }
0x76: {  	_ =	shalt  }
0x77: {  	_ =	shalt  }
0x78: {  	_ =	shalt  }
0x79: {  	_ =	shalt  }
0x7a: {  	_ =	shalt  }
0x7b: {  	_ =	shalt  }
0x7c: {  	_ =	shalt  }
0x7d: {  	_ =	shalt  }
0x7e: {  	_ =	shalt  }
0x7f: {  	_ =	shalt  }
0x80: {  	_ =	shalt  }
0x81: {  	_ =	shalt  }
0x82: {  	_ =	shalt  }
0x83: {  	_ =	shalt  }
0x84: {  	_ =	shalt  }
0x85: {  	_ =	shalt  }
0x86: {  	_ =	shalt  }
0x87: {  	_ =	shalt  }
.Lfunc_end0:
.L_simem_size_0:
called_computation.1_lowered:
.L_overlay_start_0:
0x88: {  	s2 =	sld [smem:$0x3FD9]  }
0x89: {  	s3 =	sld [smem:$0x3FFE];
	_ =	sdelay $0x1  }
0x8a: {  	s1 =	srdreg.scid  }
0x8b: {  	s0 =	sand.u32 $0x1, s1  }
0x8c: {  	s16 =	sshll.u32 s0, $0xA;
	s2 =	sadd.s32 s3, s2  }
0x8d: {  	s2 =	sadd.s32 s2, s16  }
0x8e: {  	[smem:$0x3FC0] =	sst s2  }
0x8f: {  	_ = 	snop  }
0x90: {  	(tm) =	ssettm $0x1  }
0x91: {  	s17 =	sld [smem:$0x3FFB];
	_ =	sdelay $0x3  }
0x92: {  	_ =	strace s17  }
0x93: {  	s2 =	sld [smem:$0x3FFC];
	_ =	sdelay $0x3  }
0x94: {  	_ =	strace s2  }
0x95: {  	s2 =	sld [smem:$0x3FFD];
	_ =	sdelay $0x3  }
0x96: {  	_ =	strace s2  }
0x97: {  	_ =	strace $0x8FFFFFFF  }
0x98: {  	s18 =	sld [smem:$0x3FDB];
	_ =	sdelay $0x1  }
0x99: {  	s19 =	simm.s32 $_scs_section_size  }
0x9a: {  	s4 =	simm.s32 $_size__tile_overlayer_lowered;
	s5 =	simm.s32 $_tile_overlayer_lowered  }
0x9b: {  	s22 =	simm.s32 $0x1BFF;
	s21 =	sshll.u32 s5, $0x1;
	s2 =	sadd.s32 s19, s18  }
0x9c: {  	s6 =	simm.s32 $0x0;
	s20 =	sshll.u32 s4, $0x1;
	s4 =	sadd.s32 s21, s2  }
0x9d: {  	[timem:s6], [sflag:s22] =	dma.local [hbm:s4], s20  }
0x9e: {  	_ =	swait.ge [sflag:s22], s20  }
0x9f: {  	s3 =	ssub.s32 $0x0, s20;
	[sflag:s22] =	ssyncset.done $0x0  }
0xa0: {  	[sflag:s22] =	ssyncadd.s32 s3;
	_ =	sdelay $0x1  }
0xa1: {  	s23 =	simm.s32 $0x1B8B  }
0xa2: {  	_ =	swait.ge [sflag:s23], $0x1  }
0xa3: {  	[sflag:s23] =	ssyncset.done $0x0  }
0xa4: {  	s25 =	simm.s32 $0x1B8E;
	s24 =	sld [smem:$0x3FFE];
	[sflag:s23] =	ssyncadd.s32 $0xFFFFFFFF  }
0xa5: {  	s26 =	simm.s32 $execute0_lowered;
	[smem:$0x3FD2] =	sst s25  }
0xa6: {  	s4 =	sshll.u32 s26, $0x1;
	_ =	strace $0x80000049;
	[dreg:$0x1] =	wrdreg $0xFFFFFFFF  }
0xa7: {  	s28 =	simm.s32 $_size_execute0_lowered;
	s2 =	sadd.s32 s2, s4;
	[dreg:$0x0] =	wrdreg $0x0  }
0xa8: {  	s4 =	sshll.u32 s28, $0x1;
	[dreg:$0x2] =	wrdreg s2  }
0xa9: {  	[dreg:$0x3] =	wrdreg s4  }
0xaa: {  	[dreg:$0x4] =	wrdreg $0xC0  }
0xab: {  	_ =	task [dreg:s6], $0x5FFFF  }
0xac: {  	[dreg:$0x1] =	wrdreg $0xFFFFFFFF  }
0xad: {  	[dreg:$0x0] =	wrdreg $0x60  }
0xae: {  	[dreg:$0x2] =	wrdreg s24  }
0xaf: {  	[dreg:$0x3] =	wrdreg $0x0  }
0xb0: {  	[dreg:$0x4] =	wrdreg $0x9  }
0xb1: {  	_ =	task.clear_ibuf [dreg:s6], $0x5FFFF;
	_ =	strace $0x90000049  }
0xb2: {  	s29 =	simm.s32 $0x9;
	_ =	strace $0x8000004B  }
0xb3: {  	_ =	swait.ge [sflag:s29], $0x1  }
0xb4: {  	[sflag:s29] =	ssyncadd.s32 $0xFFFFFFFF  }
0xb5: {  	_ =	strace $0x9000004B  }
0xb6: {  	_ =	sfence  }
0xb7: {  	s30 =	sld [smem:$0x0];
	_ =	sdelay $0x2  }
0xb8: {  	s31 =	sshll.u32 s1, $0xD;
	s1 =	sshrl.u32 s1, $0x2  }
0xb9: {  	s3 =	sand.u32 $0x4000, s31;
	s1 =	sadd.s32 s1, s30  }
0xba: {  	s0 =	sor.u32 s3, s0;
	s1 =	sshll.u32 s1, $0x11  }
0xbb: {  	s0 =	sor.u32 s1, s0  }
0xbc: {  	s0 =	sadd.s32 $0x8F2B, s0  }
0xbd: {  	[sflag:s0] =	ssyncadd.remote.s32 $0x1  }
0xbe: {  	_ =	sfence.sel $0xFFFF  }
0xbf: {  	[dreg:$0x0] =	wrdreg $0xFFFFFFFF;
	(pc) =	sbr.abs _section_cstart, $3  }
0xc0: {  	[dreg:$0x1] =	wrdreg $0xFFFFFFFF  }
0xc1: {  	_ =	task.clear_ibuf [dreg:s6], $0x2FFFF;
	_ =	strace $0x9FFFFFFF  }
0xc2: {  	(tm) =	ssettm $0x7FFFFFFF  }
0xc3: {  	_ =	shalt  }
tec
execute0_lowered:
.L_overlay_start_1:
0x0: {  	(tag) =	ssettag $0x1  }
0x1: {  	s0 =	rddreg [dreg:$0x0]  }
0x2: {  	s2 =	rddreg [dreg:$0x1]  }
0x3: {  	s1 =	srdreg.scid;
	s8 =	stileid.u32;
	s4 =	simm.s32 $0x0  }
0x4: {  	s29 =	simm.s32 $0xFA00;
	s31 =	simm.s32 $0x10E00;
	s11 =	simm.s32 $0x5  }
0x5: {  	s13 =	simm.s32 $0x8;
	s30 =	simm.s32 $0xF;
	s3 =	smul.u32 $0xA000, s8  }
0x6: {  	s1 =	sand.u32 $0x1, s1;
	[smem:$0x7FF] =	sst s4;
	s5 =	smul.u32 $0x28000, s8  }
0x7: {  	s9 =	sadd.s32 $0x1BA00, s0;
	s10 =	sadd.s32 $0x1000, s0;
	s19 =	smul.u32 $0x500, s8  }
0x8: {  	s6 =	sadd.s32 $0x25A00, s0;
	s25 =	smul.u32 $0xF0, s8;
	s8 =	simm.s32 $0x14A00  }
0x9: {  	s15 =	smul.u32 $0xA0000, s1;
	_ =	strace $0x8000004A;
	[dreg:$0x3] =	wrdreg s9  }
0xa: {  	s7 =	ssub.s32 $0x2, s1;
	p0 =	seq.s32 s1, $0x1;
	[dreg:$0x4] =	wrdreg s10  }
0xb: {  	s16 =	sshrl.u32 s7, $0x1;
	s5 =	sshrl.u32 s5, $0x2;
	s14 =	sadd.s32 s3, s2  }
0xc: {  	s24 =	sshrl.u32 s19, $0x3;
	[dreg:$0xd] =	wrdreg s25;
	s17 =	sadd.s32 s5, s2  }
0xd: {  	s19 =	simm.s32 $0xB;
	[dreg:$0x5] =	wrdreg s14;
	s5 =	sadd.s32 $0x1400, s17  }
0xe: {  	s4 =	sadd.s32 s3, s15;
	s18 =	sadd.s32 $0x2800, s17;
	[dreg:$0x6] =	wrdreg s5  }
0xf: {  	s26 =	sadd.s32 $0x9600, s24;
	s20 =	sadd.s32 $0x3C00, s17;
	[dreg:$0x7] =	wrdreg s18  }
0x10: {  	s24 =	simm.s32 $0x50;
	s21 =	sadd.s32 $0x5000, s17;
	[dreg:$0x8] =	wrdreg s20  }
0x11: {  	s4 =	sshrl.u32 s4, $0x3;
	s22 =	sadd.s32 $0x6400, s17;
	[dreg:$0x9] =	wrdreg s21  }
0x12: {  	s23 =	sadd.s32 $0x7800, s17;
	s3 =	sadd.s32 $0x8C00, s17;
	[dreg:$0xa] =	wrdreg s22  }
0x13: {  	s1 =	sadd.s32 s10, s26;
	s17 =	simm.s32 $0x13600;
	[dreg:$0xb] =	wrdreg s23  }
0x14: {  	s10 =	simm.s32 $0x15E00;
	s0 =	sadd.s32 s4, s0;
	[dreg:$0xc] =	wrdreg s3  }
0x15: {  	s4 =	ssub.s32 s7, s16;
	s3 =	sadd.s32 s9, s26;
	[dreg:$0xf] =	wrdreg s1  }
0x16: {  	s20 =	simm.s32 $0xD200;
	s21 =	simm.s32 $0x11;
	s26 =	simm.s32 $0xE600  }
.Ltmp0:
0x17: {  	s16 =	simm.s32 $0x2;
	s1 =	simm.s32 $0x3;
	(pc) =	sbr.rel .LBB2_1-.Ltmp0, $4  }
0x18: {  	s9 =	simm.s32 $0x4;
	s18 =	simm.s32 $0x7;
	s7 =	simm.s32 $0xC  }
0x19: {  	s23 =	simm.s32 $0x10;
	[dreg:$0xe] =	wrdreg s3;
	s0 =	sadd.s32 $0x39400, s0  }
0x1a: {  	s5 =	simm.s32 $0x0;
	s28 =	smax.u32 s4, $0x1;
	[dreg:$0x10] =	wrdreg s0  }
0x1b: {  	v0 =	vimm.f32 $0.0e+00;
	s3 =	simm.s32 $0x12200;
	[dreg:$0x11] =	wrdreg s28;
	s0 =	simm.s32 $0x1  }
.LBB2_9:
0x1c: {  	s4 =	stileid.u32;
	[bflag:$0x0] =	sbarrier.arrive $0xFFFF  }
0x1d: {  	s4 =	sshll.u32 s4, $0x6;
	s14 =	rddreg [dreg:$0x5]  }
0x1e: {  	s12 =	rddreg [dreg:$0x10];
	s4 =	sor.u32 $0x1C11, s4;
	s5 =	sshrl.u32 s14, $0x3  }
0x1f: {  	[hbm:s12], [sflag:s4] =	dma.local [spmem:s5], $0x1400  }
0x20: {  	_ =	swait.ge [sflag:s21], $0x1400  }
0x21: {  	s25 =	rddreg [dreg:$0x12]  }
0x22: {  	s28 =	rddreg [dreg:$0x11];
	s5 =	sadd.s32 $0x1, s25  }
0x23: {  	p1 =	sne.s32 s5, s28  }
.Ltmp1:
0x24: {  	_ = 	snop;
	(pc) =	sbr.rel @!p1 .LBB2_10-.Ltmp1, $3  }
0x25: {  	_ =	sdelay $0x1  }
0x26: {  	[sflag:s21] =	ssyncset.done $0x0  }
0x27: {  	[sflag:s21] =	ssyncadd.s32 $0xFFFFEC00  }
.LBB2_1:
0x28: {  	[dreg:$0x12] =	wrdreg s5;
	s5 =	simm.s32 $0x100;
	s4 =	simm.s32 $0x0  }
.LBB2_2:
0x29: {  	p1 =	sne.s32 s5, $0x4F00;
	[tilespmem:s4+$0xD230] =	vst v0;
	s12 =	smov.u32 s5;
	s5 =	sadd.s32 $0x100, s5  }
.Ltmp2:
0x2a: {  	[tilespmem:s4+$0xD220] =	vst v0;
	(pc) =	sbr.rel @p1 .LBB2_2-.Ltmp2, $3  }
0x2b: {  	[tilespmem:s4+$0xD200] =	vst v0  }
0x2c: {  	[tilespmem:s4+$0xD210] =	vst v0;
	_ =	sdelay $0x1  }
0x2d: {  	s4 =	sshra.s32 s12, $0x2  }
0x2e: {  	[tilespmem:s4+$0xD230] =	vst v0  }
0x2f: {  	[tilespmem:s4+$0xD220] =	vst v0  }
0x30: {  	[tilespmem:s4+$0xD200] =	vst v0  }
0x31: {  	[tilespmem:s4+$0xD210] =	vst v0  }
0x32: {  	[spmem:s14] =	stream.linear.scatter [tilespmem:s20], [sflag:$0x11], $0x1400, $0x38;
	[tilespmem:$0x17200] =	vst v63  }
0x33: {  	_ =	swait.ge [sflag:s21], $0x1400  }
0x34: {  	[sflag:s21] =	ssyncset.done $0x0  }
0x35: {  	s5 =	rddreg [dreg:$0x6];
	[sflag:s21] =	ssyncadd.s32 $0xFFFFEC00  }
0x36: {  	[spmem:s5] =	stream.linear.scatter [tilespmem:s20], [sflag:$0x11], $0x1400, $0x38;
	[tilespmem:$0x17200] =	vst v63  }
0x37: {  	_ =	swait.ge [sflag:s21], $0x1400  }
0x38: {  	[sflag:s21] =	ssyncset.done $0x0  }
0x39: {  	s12 =	rddreg [dreg:$0x7];
	[sflag:s21] =	ssyncadd.s32 $0xFFFFEC00  }
0x3a: {  	[spmem:s12] =	stream.linear.scatter [tilespmem:s20], [sflag:$0x11], $0x1400, $0x38;
	[tilespmem:$0x17200] =	vst v63  }
0x3b: {  	_ =	swait.ge [sflag:s21], $0x1400  }
0x3c: {  	[sflag:s21] =	ssyncset.done $0x0  }
0x3d: {  	s14 =	rddreg [dreg:$0x8];
	[sflag:s21] =	ssyncadd.s32 $0xFFFFEC00  }
0x3e: {  	[spmem:s14] =	stream.linear.scatter [tilespmem:s20], [sflag:$0x11], $0x1400, $0x38;
	[tilespmem:$0x17200] =	vst v63  }
0x3f: {  	_ =	swait.ge [sflag:s21], $0x1400  }
0x40: {  	[sflag:s21] =	ssyncset.done $0x0  }
0x41: {  	s15 =	rddreg [dreg:$0x9];
	[sflag:s21] =	ssyncadd.s32 $0xFFFFEC00  }
0x42: {  	[spmem:s15] =	stream.linear.scatter [tilespmem:s20], [sflag:$0x11], $0x1400, $0x38;
	[tilespmem:$0x17200] =	vst v63  }
0x43: {  	_ =	swait.ge [sflag:s21], $0x1400  }
0x44: {  	[sflag:s21] =	ssyncset.done $0x0  }
0x45: {  	s22 =	rddreg [dreg:$0xa];
	[sflag:s21] =	ssyncadd.s32 $0xFFFFEC00  }
0x46: {  	[spmem:s22] =	stream.linear.scatter [tilespmem:s20], [sflag:$0x11], $0x1400, $0x38;
	[tilespmem:$0x17200] =	vst v63  }
0x47: {  	_ =	swait.ge [sflag:s21], $0x1400  }
0x48: {  	[sflag:s21] =	ssyncset.done $0x0  }
0x49: {  	s25 =	rddreg [dreg:$0xb];
	[sflag:s21] =	ssyncadd.s32 $0xFFFFEC00  }
0x4a: {  	[spmem:s25] =	stream.linear.scatter [tilespmem:s20], [sflag:$0x11], $0x1400, $0x38;
	[tilespmem:$0x17200] =	vst v63  }
0x4b: {  	_ =	swait.ge [sflag:s21], $0x1400  }
0x4c: {  	[sflag:s21] =	ssyncset.done $0x0  }
0x4d: {  	s28 =	rddreg [dreg:$0xc];
	[sflag:s21] =	ssyncadd.s32 $0xFFFFEC00  }
0x4e: {  	[spmem:s28] =	stream.linear.scatter [tilespmem:s20], [sflag:$0x11], $0x1400, $0x38;
	[tilespmem:$0x17200] =	vst v63  }
.Ltmp3:
0x4f: {  	_ =	swait.ge [sflag:s21], $0x1400;
	(pc) =	sbr.rel @!p0 .LBB2_4-.Ltmp3, $4  }
0x50: {  	[sflag:s21] =	ssyncset.done $0x0  }
0x51: {  	[sflag:s21] =	ssyncadd.s32 $0xFFFFEC00  }
0x52: {  	[bflag:$0x0] =	sbarrier.arrive $0xFFFF  }
0x53: {  	s4 =	simm.s32 $0x0;
	s5 =	simm.s32 $0x0  }
0x54: {  	s4 =	simm.s32 $0x0;
	s5 =	rddreg [dreg:$0xe];
	s12 =	simm.s32 $0xA000  }
0x55: {  	[tilespmem:s12], [sflag:$0x11] =	stream.linear.gather [hbm4b:s5+s4], $0x500, $0x38;
	[tilespmem:$0x17200] =	vst v63  }
0x56: {  	_ =	swait.ge [sflag:s21], $0x500  }
0x57: {  	[sflag:s21] =	ssyncset.done $0x0  }
0x58: {  	s14 =	simm.s32 $0xB900;
	s15 =	rddreg [dreg:$0xf];
	[sflag:s21] =	ssyncadd.s32 $0xFFFFFB00  }
0x59: {  	[tilespmem:s14], [sflag:$0x11] =	stream.linear.gather [hbm4b:s15+s4], $0x500, $0x38;
	[tilespmem:$0x17200] =	vst v63  }
0x5a: {  	_ =	swait.ge [sflag:s21], $0x500  }
0x5b: {  	[sflag:s21] =	ssyncset.done $0x0  }
0x5c: {  	[sflag:s21] =	ssyncadd.s32 $0xFFFFFB00  }
0x5d: {  	[tilespmem:s20], [sflag:$0x1] =	stream.indirect.gather [hbm4b:s6+s24], $0x40, s12, s24, $0xb8;
	[tilespmem:$0x17200] =	vst v63  }
0x5e: {  	s22 =	simm.s32 $0xA050  }
0x5f: {  	[tilespmem:s26], [sflag:$0x2] =	stream.indirect.gather [hbm4b:s6+s24], $0x40, s22, s24, $0xb8;
	[tilespmem:$0x17200] =	vst v63  }
0x60: {  	s25 =	simm.s32 $0xA0A0  }
0x61: {  	[tilespmem:s29], [sflag:$0x3] =	stream.indirect.gather [hbm4b:s6+s24], $0x40, s25, s24, $0xb8;
	[tilespmem:$0x17200] =	vst v63  }
0x62: {  	s28 =	simm.s32 $0xA0F0  }
0x63: {  	[tilespmem:s31], [sflag:$0x4] =	stream.indirect.gather [hbm4b:s6+s24], $0x40, s28, s24, $0xb8;
	[tilespmem:$0x17200] =	vst v63  }
0x64: {  	_ =	swait.ge [sflag:s0], $0x1400  }
0x65: {  	[sflag:s0] =	ssyncset.done $0x0  }
0x66: {  	[sflag:s0] =	ssyncadd.s32 $0xFFFFEC00  }
0x67: {  	[spmem:s2] =	stream.indirect.scatter.add.f32 [tilespmem:s20], [sflag:$0x9], $0x40, s14, s24, $0xb8;
	[tilespmem:$0x17200] =	vst v63  }
0x68: {  	s5 =	simm.s32 $0xA140  }
0x69: {  	[tilespmem:s3], [sflag:$0x5] =	stream.indirect.gather [hbm4b:s6+s24], $0x40, s5, s24, $0xb8;
	[tilespmem:$0x17200] =	vst v63  }
0x6a: {  	_ =	swait.ge [sflag:s16], $0x1400  }
0x6b: {  	[sflag:s16] =	ssyncset.done $0x0  }
0x6c: {  	s12 =	simm.s32 $0xB950;
	[sflag:s16] =	ssyncadd.s32 $0xFFFFEC00  }
0x6d: {  	[spmem:s2] =	stream.indirect.scatter.add.f32 [tilespmem:s26], [sflag:$0xA], $0x40, s12, s24, $0xb8;
	[tilespmem:$0x17200] =	vst v63  }
0x6e: {  	s14 =	simm.s32 $0xA190  }
0x6f: {  	[tilespmem:s17], [sflag:$0x6] =	stream.indirect.gather [hbm4b:s6+s24], $0x40, s14, s24, $0xb8;
	[tilespmem:$0x17200] =	vst v63  }
0x70: {  	_ =	swait.ge [sflag:s1], $0x1400  }
0x71: {  	[sflag:s1] =	ssyncset.done $0x0  }
0x72: {  	s15 =	simm.s32 $0xB9A0;
	[sflag:s1] =	ssyncadd.s32 $0xFFFFEC00  }
0x73: {  	[spmem:s2] =	stream.indirect.scatter.add.f32 [tilespmem:s29], [sflag:$0xB], $0x40, s15, s24, $0xb8;
	[tilespmem:$0x17200] =	vst v63  }
0x74: {  	s22 =	simm.s32 $0xA1E0  }
0x75: {  	[tilespmem:s8], [sflag:$0x7] =	stream.indirect.gather [hbm4b:s6+s24], $0x40, s22, s24, $0xb8;
	[tilespmem:$0x17200] =	vst v63  }
0x76: {  	_ =	swait.ge [sflag:s9], $0x1400  }
0x77: {  	[sflag:s9] =	ssyncset.done $0x0  }
0x78: {  	s25 =	simm.s32 $0xB9F0;
	[sflag:s9] =	ssyncadd.s32 $0xFFFFEC00  }
0x79: {  	[spmem:s2] =	stream.indirect.scatter.add.f32 [tilespmem:s31], [sflag:$0xC], $0x40, s25, s24, $0xb8;
	[tilespmem:$0x17200] =	vst v63  }
0x7a: {  	s28 =	simm.s32 $0xA230  }
0x7b: {  	[tilespmem:s10], [sflag:$0x8] =	stream.indirect.gather [hbm4b:s6+s24], $0x40, s28, s24, $0xb8;
	[tilespmem:$0x17200] =	vst v63  }
0x7c: {  	_ =	swait.ge [sflag:s11], $0x1400  }
0x7d: {  	[sflag:s11] =	ssyncset.done $0x0  }
0x7e: {  	s4 =	simm.s32 $0x9;
	s5 =	simm.s32 $0xBA40;
	[sflag:s11] =	ssyncadd.s32 $0xFFFFEC00  }
0x7f: {  	[spmem:s2] =	stream.indirect.scatter.add.f32 [tilespmem:s3], [sflag:$0xD], $0x40, s5, s24, $0xb8;
	[tilespmem:$0x17200] =	vst v63  }
0x80: {  	_ =	swait.ge [sflag:s4], $0x1400  }
0x81: {  	[sflag:s4] =	ssyncset.done $0x0  }
0x82: {  	s12 =	simm.s32 $0xA280;
	s5 =	simm.s32 $0x6;
	[sflag:s4] =	ssyncadd.s32 $0xFFFFEC00  }
0x83: {  	[tilespmem:s20], [sflag:$0x1] =	stream.indirect.gather [hbm4b:s6+s24], $0x40, s12, s24, $0xb8;
	[tilespmem:$0x17200] =	vst v63  }
0x84: {  	_ =	swait.ge [sflag:s5], $0x1400  }
0x85: {  	[sflag:s5] =	ssyncset.done $0x0  }
0x86: {  	s14 =	simm.s32 $0xBA90;
	s12 =	simm.s32 $0xA;
	[sflag:s5] =	ssyncadd.s32 $0xFFFFEC00  }
0x87: {  	[spmem:s2] =	stream.indirect.scatter.add.f32 [tilespmem:s17], [sflag:$0xE], $0x40, s14, s24, $0xb8;
	[tilespmem:$0x17200] =	vst v63  }
0x88: {  	_ =	swait.ge [sflag:s12], $0x1400  }
0x89: {  	[sflag:s12] =	ssyncset.done $0x0  }
0x8a: {  	s15 =	simm.s32 $0xA2D0;
	[sflag:s12] =	ssyncadd.s32 $0xFFFFEC00  }
0x8b: {  	[tilespmem:s26], [sflag:$0x2] =	stream.indirect.gather [hbm4b:s6+s24], $0x40, s15, s24, $0xb8;
	[tilespmem:$0x17200] =	vst v63  }
0x8c: {  	_ =	swait.ge [sflag:s18], $0x1400  }
0x8d: {  	[sflag:s18] =	ssyncset.done $0x0  }
0x8e: {  	s22 =	simm.s32 $0xBAE0;
	[sflag:s18] =	ssyncadd.s32 $0xFFFFEC00  }
0x8f: {  	[spmem:s2] =	stream.indirect.scatter.add.f32 [tilespmem:s8], [sflag:$0xF], $0x40, s22, s24, $0xb8;
	[tilespmem:$0x17200] =	vst v63  }
0x90: {  	_ =	swait.ge [sflag:s19], $0x1400  }
0x91: {  	[sflag:s19] =	ssyncset.done $0x0  }
0x92: {  	s25 =	simm.s32 $0xA320;
	[sflag:s19] =	ssyncadd.s32 $0xFFFFEC00  }
0x93: {  	[tilespmem:s29], [sflag:$0x3] =	stream.indirect.gather [hbm4b:s6+s24], $0x40, s25, s24, $0xb8;
	[tilespmem:$0x17200] =	vst v63  }
0x94: {  	_ =	swait.ge [sflag:s13], $0x1400  }
0x95: {  	[sflag:s13] =	ssyncset.done $0x0  }
0x96: {  	s28 =	simm.s32 $0xBB30;
	[sflag:s13] =	ssyncadd.s32 $0xFFFFEC00  }
0x97: {  	[spmem:s2] =	stream.indirect.scatter.add.f32 [tilespmem:s10], [sflag:$0x10], $0x40, s28, s24, $0xb8;
	[tilespmem:$0x17200] =	vst v63  }
0x98: {  	_ =	swait.ge [sflag:s7], $0x1400  }
0x99: {  	[sflag:s7] =	ssyncset.done $0x0  }
0x9a: {  	s15 =	simm.s32 $0xA370;
	[sflag:s7] =	ssyncadd.s32 $0xFFFFEC00  }
0x9b: {  	[tilespmem:s31], [sflag:$0x4] =	stream.indirect.gather [hbm4b:s6+s24], $0x40, s15, s24, $0xb8;
	[tilespmem:$0x17200] =	vst v63  }
0x9c: {  	_ =	swait.ge [sflag:s0], $0x1400  }
0x9d: {  	[sflag:s0] =	ssyncset.done $0x0  }
0x9e: {  	s14 =	simm.s32 $0xD;
	s22 =	simm.s32 $0xBB80;
	[sflag:s0] =	ssyncadd.s32 $0xFFFFEC00  }
0x9f: {  	[spmem:s2] =	stream.indirect.scatter.add.f32 [tilespmem:s20], [sflag:$0x9], $0x40, s22, s24, $0xb8;
	[tilespmem:$0x17200] =	vst v63  }
0xa0: {  	_ =	swait.ge [sflag:s14], $0x1400  }
0xa1: {  	[sflag:s14] =	ssyncset.done $0x0  }
0xa2: {  	s15 =	simm.s32 $0xA3C0;
	[sflag:s14] =	ssyncadd.s32 $0xFFFFEC00  }
0xa3: {  	[tilespmem:s3], [sflag:$0x5] =	stream.indirect.gather [hbm4b:s6+s24], $0x40, s15, s24, $0xb8;
	[tilespmem:$0x17200] =	vst v63  }
0xa4: {  	_ =	swait.ge [sflag:s16], $0x1400  }
0xa5: {  	[sflag:s16] =	ssyncset.done $0x0  }
0xa6: {  	s25 =	simm.s32 $0xBBD0;
	s15 =	simm.s32 $0xE;
	[sflag:s16] =	ssyncadd.s32 $0xFFFFEC00  }
0xa7: {  	[spmem:s2] =	stream.indirect.scatter.add.f32 [tilespmem:s26], [sflag:$0xA], $0x40, s25, s24, $0xb8;
	[tilespmem:$0x17200] =	vst v63  }
0xa8: {  	_ =	swait.ge [sflag:s15], $0x1400  }
0xa9: {  	[sflag:s15] =	ssyncset.done $0x0  }
0xaa: {  	s22 =	simm.s32 $0xA410;
	[sflag:s15] =	ssyncadd.s32 $0xFFFFEC00  }
0xab: {  	[tilespmem:s17], [sflag:$0x6] =	stream.indirect.gather [hbm4b:s6+s24], $0x40, s22, s24, $0xb8;
	[tilespmem:$0x17200] =	vst v63  }
0xac: {  	_ =	swait.ge [sflag:s1], $0x1400  }
0xad: {  	[sflag:s1] =	ssyncset.done $0x0  }
0xae: {  	s28 =	simm.s32 $0xBC20;
	[sflag:s1] =	ssyncadd.s32 $0xFFFFEC00  }
0xaf: {  	[spmem:s2] =	stream.indirect.scatter.add.f32 [tilespmem:s29], [sflag:$0xB], $0x40, s28, s24, $0xb8;
	[tilespmem:$0x17200] =	vst v63  }
0xb0: {  	_ =	swait.ge [sflag:s30], $0x1400  }
0xb1: {  	[sflag:s30] =	ssyncset.done $0x0  }
0xb2: {  	s25 =	simm.s32 $0xA460;
	[sflag:s30] =	ssyncadd.s32 $0xFFFFEC00  }
0xb3: {  	[tilespmem:s8], [sflag:$0x7] =	stream.indirect.gather [hbm4b:s6+s24], $0x40, s25, s24, $0xb8;
	[tilespmem:$0x17200] =	vst v63  }
0xb4: {  	_ =	swait.ge [sflag:s9], $0x1400  }
0xb5: {  	[sflag:s9] =	ssyncset.done $0x0  }
0xb6: {  	s28 =	simm.s32 $0xBC70;
	[sflag:s9] =	ssyncadd.s32 $0xFFFFEC00  }
0xb7: {  	[spmem:s2] =	stream.indirect.scatter.add.f32 [tilespmem:s31], [sflag:$0xC], $0x40, s28, s24, $0xb8;
	[tilespmem:$0x17200] =	vst v63  }
0xb8: {  	_ =	swait.ge [sflag:s23], $0x1400  }
0xb9: {  	[sflag:s23] =	ssyncset.done $0x0  }
0xba: {  	s25 =	simm.s32 $0xA4B0;
	[sflag:s23] =	ssyncadd.s32 $0xFFFFEC00  }
0xbb: {  	[tilespmem:s10], [sflag:$0x8] =	stream.indirect.gather [hbm4b:s6+s24], $0x40, s25, s24, $0xb8;
	[tilespmem:$0x17200] =	vst v63  }
0xbc: {  	_ =	swait.ge [sflag:s11], $0x1400  }
0xbd: {  	[sflag:s11] =	ssyncset.done $0x0  }
0xbe: {  	s28 =	simm.s32 $0xBCC0;
	[sflag:s11] =	ssyncadd.s32 $0xFFFFEC00  }
0xbf: {  	[spmem:s2] =	stream.indirect.scatter.add.f32 [tilespmem:s3], [sflag:$0xD], $0x40, s28, s24, $0xb8;
	[tilespmem:$0x17200] =	vst v63  }
0xc0: {  	_ =	swait.ge [sflag:s5], $0x1400  }
0xc1: {  	[sflag:s5] =	ssyncset.done $0x0  }
0xc2: {  	s22 =	simm.s32 $0xBD10;
	[sflag:s5] =	ssyncadd.s32 $0xFFFFEC00  }
0xc3: {  	[spmem:s2] =	stream.indirect.scatter.add.f32 [tilespmem:s17], [sflag:$0xE], $0x40, s22, s24, $0xb8;
	[tilespmem:$0x17200] =	vst v63  }
0xc4: {  	_ =	swait.ge [sflag:s18], $0x1400  }
0xc5: {  	[sflag:s18] =	ssyncset.done $0x0  }
0xc6: {  	s25 =	simm.s32 $0xBD60;
	[sflag:s18] =	ssyncadd.s32 $0xFFFFEC00  }
0xc7: {  	[spmem:s2] =	stream.indirect.scatter.add.f32 [tilespmem:s8], [sflag:$0xF], $0x40, s25, s24, $0xb8;
	[tilespmem:$0x17200] =	vst v63  }
0xc8: {  	_ =	swait.ge [sflag:s13], $0x1400  }
0xc9: {  	[sflag:s13] =	ssyncset.done $0x0  }
0xca: {  	s28 =	simm.s32 $0xBDB0;
	[sflag:s13] =	ssyncadd.s32 $0xFFFFEC00  }
0xcb: {  	[spmem:s2] =	stream.indirect.scatter.add.f32 [tilespmem:s10], [sflag:$0x10], $0x40, s28, s24, $0xb8;
	[tilespmem:$0x17200] =	vst v63  }
0xcc: {  	_ =	swait.ge [sflag:s4], $0x1400  }
0xcd: {  	[sflag:s4] =	ssyncset.done $0x0  }
0xce: {  	[sflag:s4] =	ssyncadd.s32 $0xFFFFEC00  }
0xcf: {  	_ =	swait.ge [sflag:s12], $0x1400  }
0xd0: {  	[sflag:s12] =	ssyncset.done $0x0  }
0xd1: {  	[sflag:s12] =	ssyncadd.s32 $0xFFFFEC00  }
0xd2: {  	_ =	swait.ge [sflag:s19], $0x1400  }
0xd3: {  	[sflag:s19] =	ssyncset.done $0x0  }
0xd4: {  	[sflag:s19] =	ssyncadd.s32 $0xFFFFEC00  }
0xd5: {  	_ =	swait.ge [sflag:s7], $0x1400  }
0xd6: {  	[sflag:s7] =	ssyncset.done $0x0  }
0xd7: {  	[sflag:s7] =	ssyncadd.s32 $0xFFFFEC00  }
0xd8: {  	_ =	swait.ge [sflag:s14], $0x1400  }
0xd9: {  	[sflag:s14] =	ssyncset.done $0x0  }
0xda: {  	[sflag:s14] =	ssyncadd.s32 $0xFFFFEC00  }
0xdb: {  	_ =	swait.ge [sflag:s15], $0x1400  }
0xdc: {  	[sflag:s15] =	ssyncset.done $0x0  }
0xdd: {  	[sflag:s15] =	ssyncadd.s32 $0xFFFFEC00  }
0xde: {  	_ =	swait.ge [sflag:s30], $0x1400  }
.Ltmp4:
0xdf: {  	[sflag:s30] =	ssyncset.done $0x0;
	(pc) =	sbr.rel .LBB2_9-.Ltmp4, $4  }
0xe0: {  	[sflag:s30] =	ssyncadd.s32 $0xFFFFEC00  }
0xe1: {  	_ =	swait.ge [sflag:s23], $0x1400  }
0xe2: {  	[sflag:s23] =	ssyncset.done $0x0  }
0xe3: {  	[sflag:s23] =	ssyncadd.s32 $0xFFFFEC00  }
.LBB2_7:
0xe4: {  	_ =	swait.ge [sflag:s13], $0x1400  }
0xe5: {  	[sflag:s13] =	ssyncset.done $0x0  }
0xe6: {  	s15 =	simm.s32 $0x9;
	[sflag:s13] =	ssyncadd.s32 $0xFFFFEC00  }
0xe7: {  	[spmem:s2] =	stream.indirect.scatter.add.f32 [tilespmem:s10], [sflag:$0x10], $0x40, s12, s24, $0xb8;
	[tilespmem:$0x17200] =	vst v63  }
0xe8: {  	_ =	swait.ge [sflag:s15], $0x1400  }
0xe9: {  	[sflag:s15] =	ssyncset.done $0x0  }
0xea: {  	s22 =	simm.s32 $0xA;
	[sflag:s15] =	ssyncadd.s32 $0xFFFFEC00  }
0xeb: {  	_ =	swait.ge [sflag:s22], $0x1400  }
0xec: {  	[sflag:s22] =	ssyncset.done $0x0  }
0xed: {  	[sflag:s22] =	ssyncadd.s32 $0xFFFFEC00  }
0xee: {  	_ =	swait.ge [sflag:s19], $0x1400  }
0xef: {  	[sflag:s19] =	ssyncset.done $0x0  }
0xf0: {  	[sflag:s19] =	ssyncadd.s32 $0xFFFFEC00  }
0xf1: {  	_ =	swait.ge [sflag:s7], $0x1400  }
0xf2: {  	[sflag:s7] =	ssyncset.done $0x0  }
0xf3: {  	s25 =	simm.s32 $0xD;
	[sflag:s7] =	ssyncadd.s32 $0xFFFFEC00  }
0xf4: {  	_ =	swait.ge [sflag:s25], $0x1400  }
0xf5: {  	[sflag:s25] =	ssyncset.done $0x0  }
0xf6: {  	s28 =	simm.s32 $0xE;
	[sflag:s25] =	ssyncadd.s32 $0xFFFFEC00  }
0xf7: {  	_ =	swait.ge [sflag:s28], $0x1400  }
0xf8: {  	[sflag:s28] =	ssyncset.done $0x0  }
0xf9: {  	s5 =	sadd.s32 $0x1, s5;
	[sflag:s28] =	ssyncadd.s32 $0xFFFFEC00  }
0xfa: {  	p1 =	seq.s32 s5, $0x3;
	_ =	swait.ge [sflag:s30], $0x1400  }
.Ltmp5:
0xfb: {  	[sflag:s30] =	ssyncset.done $0x0;
	(pc) =	sbr.rel @p1 .LBB2_9-.Ltmp5, $4  }
0xfc: {  	[sflag:s30] =	ssyncadd.s32 $0xFFFFEC00  }
0xfd: {  	_ =	swait.ge [sflag:s23], $0x1400  }
0xfe: {  	[sflag:s23] =	ssyncset.done $0x0  }
0xff: {  	[sflag:s23] =	ssyncadd.s32 $0xFFFFEC00  }
.LBB2_4:
0x100: {  	s12 =	smul.u32 $0x50, s5  }
0x101: {  	s14 =	rddreg [dreg:$0xd]  }
0x102: {  	s12 =	sadd.s32 s14, s12  }
0x103: {  	s12 =	smul.u32 $0xA, s12  }
0x104: {  	s25 =	rddreg [dreg:$0x3]  }
0x105: {  	s22 =	simm.s32 $0xA000;
	s15 =	sadd.s32 s25, s12  }
0x106: {  	[tilespmem:s22], [sflag:$0x11] =	stream.linear.gather [hbm4b:s15+s4], $0x1900, $0x38;
	[tilespmem:$0x17200] =	vst v63  }
0x107: {  	_ =	swait.ge [sflag:s21], $0x1900  }
0x108: {  	[sflag:s21] =	ssyncset.done $0x0;
	s28 =	rddreg [dreg:$0x4]  }
0x109: {  	s15 =	simm.s32 $0xB900;
	[sflag:s21] =	ssyncadd.s32 $0xFFFFE700;
	s12 =	sadd.s32 s28, s12  }
0x10a: {  	[tilespmem:s15], [sflag:$0x11] =	stream.linear.gather [hbm4b:s12+s4], $0x1900, $0x38;
	[tilespmem:$0x17200] =	vst v63  }
0x10b: {  	_ =	swait.ge [sflag:s21], $0x1900  }
0x10c: {  	[sflag:s21] =	ssyncset.done $0x0  }
0x10d: {  	[sflag:s21] =	ssyncadd.s32 $0xFFFFE700  }
0x10e: {  	[tilespmem:s20], [sflag:$0x1] =	stream.indirect.gather [hbm4b:s6+s24], $0x40, s22, s24, $0xb8;
	[tilespmem:$0x17200] =	vst v63  }
0x10f: {  	s22 =	simm.s32 $0xA050  }
0x110: {  	[tilespmem:s26], [sflag:$0x2] =	stream.indirect.gather [hbm4b:s6+s24], $0x40, s22, s24, $0xb8;
	[tilespmem:$0x17200] =	vst v63  }
0x111: {  	s25 =	simm.s32 $0xA0A0  }
0x112: {  	[tilespmem:s29], [sflag:$0x3] =	stream.indirect.gather [hbm4b:s6+s24], $0x40, s25, s24, $0xb8;
	[tilespmem:$0x17200] =	vst v63  }
0x113: {  	s28 =	simm.s32 $0xA0F0;
	s15 =	simm.s32 $0x0  }
0x114: {  	[tilespmem:s31], [sflag:$0x4] =	stream.indirect.gather [hbm4b:s6+s24], $0x40, s28, s24, $0xb8;
	[tilespmem:$0x17200] =	vst v63  }
.LBB2_5:
0x115: {  	_ =	swait.ge [sflag:s0], $0x1400  }
0x116: {  	s22 =	sshra.s32 s15, $0x2;
	[sflag:s0] =	ssyncset.done $0x0  }
0x117: {  	p1 =	seq.s32 s15, $0x0;
	s12 =	sadd.s32 $0xB900, s22;
	[sflag:s0] =	ssyncadd.s32 $0xFFFFEC00  }
0x118: {  	[spmem:s2] =	stream.indirect.scatter.add.f32 [tilespmem:s20], [sflag:$0x9], $0x40, s12, s24, $0xb8;
	[tilespmem:$0x17200] =	vst v63  }
0x119: {  	s12 =	simm.s32 @!p1 $0xD  }
0x11a: {  	_ =	swait.ge @!p1 [sflag:s12], $0x1400  }
0x11b: {  	[sflag:s12] =	ssyncset.done @!p1 $0x0  }
0x11c: {  	s14 =	sadd.s32 $0xA140, s22;
	[sflag:s12] =	ssyncadd.s32 @!p1 $0xFFFFEC00  }
0x11d: {  	[tilespmem:s3], [sflag:$0x5] =	stream.indirect.gather [hbm4b:s6+s24], $0x40, s14, s24, $0xb8;
	[tilespmem:$0x17200] =	vst v63  }
0x11e: {  	_ =	swait.ge [sflag:s16], $0x1400  }
0x11f: {  	[sflag:s16] =	ssyncset.done $0x0  }
0x120: {  	s25 =	sadd.s32 $0xB950, s22;
	s12 =	simm.s32 @!p1 $0xE;
	[sflag:s16] =	ssyncadd.s32 $0xFFFFEC00  }
0x121: {  	[spmem:s2] =	stream.indirect.scatter.add.f32 [tilespmem:s26], [sflag:$0xA], $0x40, s25, s24, $0xb8;
	[tilespmem:$0x17200] =	vst v63  }
0x122: {  	_ =	swait.ge @!p1 [sflag:s12], $0x1400  }
0x123: {  	[sflag:s12] =	ssyncset.done @!p1 $0x0  }
0x124: {  	s28 =	sadd.s32 $0xA190, s22;
	[sflag:s12] =	ssyncadd.s32 @!p1 $0xFFFFEC00  }
0x125: {  	[tilespmem:s17], [sflag:$0x6] =	stream.indirect.gather [hbm4b:s6+s24], $0x40, s28, s24, $0xb8;
	[tilespmem:$0x17200] =	vst v63  }
0x126: {  	_ =	swait.ge [sflag:s1], $0x1400  }
0x127: {  	[sflag:s1] =	ssyncset.done $0x0  }
0x128: {  	s14 =	sadd.s32 $0xB9A0, s22;
	s12 =	simm.s32 @!p1 $0xF;
	[sflag:s1] =	ssyncadd.s32 $0xFFFFEC00  }
0x129: {  	[spmem:s2] =	stream.indirect.scatter.add.f32 [tilespmem:s29], [sflag:$0xB], $0x40, s14, s24, $0xb8;
	[tilespmem:$0x17200] =	vst v63  }
0x12a: {  	_ =	swait.ge @!p1 [sflag:s12], $0x1400  }
0x12b: {  	[sflag:s12] =	ssyncset.done @!p1 $0x0  }
0x12c: {  	s25 =	sadd.s32 $0xA1E0, s22;
	[sflag:s12] =	ssyncadd.s32 @!p1 $0xFFFFEC00  }
0x12d: {  	[tilespmem:s8], [sflag:$0x7] =	stream.indirect.gather [hbm4b:s6+s24], $0x40, s25, s24, $0xb8;
	[tilespmem:$0x17200] =	vst v63  }
0x12e: {  	_ =	swait.ge [sflag:s9], $0x1400  }
0x12f: {  	[sflag:s9] =	ssyncset.done $0x0  }
0x130: {  	s28 =	sadd.s32 $0xB9F0, s22;
	s12 =	simm.s32 @!p1 $0x10;
	[sflag:s9] =	ssyncadd.s32 $0xFFFFEC00  }
0x131: {  	[spmem:s2] =	stream.indirect.scatter.add.f32 [tilespmem:s31], [sflag:$0xC], $0x40, s28, s24, $0xb8;
	[tilespmem:$0x17200] =	vst v63  }
0x132: {  	_ =	swait.ge @!p1 [sflag:s12], $0x1400  }
0x133: {  	[sflag:s12] =	ssyncset.done @!p1 $0x0  }
0x134: {  	s14 =	sadd.s32 $0xA230, s22;
	[sflag:s12] =	ssyncadd.s32 @!p1 $0xFFFFEC00  }
0x135: {  	[tilespmem:s10], [sflag:$0x8] =	stream.indirect.gather [hbm4b:s6+s24], $0x40, s14, s24, $0xb8;
	[tilespmem:$0x17200] =	vst v63  }
0x136: {  	_ =	swait.ge [sflag:s11], $0x1400  }
0x137: {  	p1 =	seq.s32 s15, $0x5A00;
	[sflag:s11] =	ssyncset.done $0x0  }
0x138: {  	s25 =	sadd.s32 $0xBA40, s22;
	s12 =	simm.s32 @p1 $0x6;
	[sflag:s11] =	ssyncadd.s32 $0xFFFFEC00  }
0x139: {  	[spmem:s2] =	stream.indirect.scatter.add.f32 [tilespmem:s3], [sflag:$0xD], $0x40, s25, s24, $0xb8;
	[tilespmem:$0x17200] =	vst v63  }
0x13a: {  	_ =	swait.ge @p1 [sflag:s12], $0x1400  }
0x13b: {  	[sflag:s12] =	ssyncset.done @p1 $0x0  }
0x13c: {  	[sflag:s12] =	ssyncadd.s32 @p1 $0xFFFFEC00;
	s12 =	sshra.s32 @p1 s15, $0x2  }
0x13d: {  	s14 =	simm.s32 @p1 $0x50;
	s25 =	simm.s32 @p1 $0x13600;
	s12 =	sadd.s32 @p1 $0xBA90, s12  }
0x13e: {  	[spmem:s2] =	stream.indirect.scatter.add.f32 @p1 [tilespmem:s25], [sflag:$0xE], $0x40, s12, s14, $0xb8;
	[tilespmem:$0x17200] =	vst v63  }
0x13f: {  	s12 =	simm.s32 @!p1 $0x9  }
0x140: {  	_ =	swait.ge @!p1 [sflag:s12], $0x1400  }
0x141: {  	[sflag:s12] =	ssyncset.done @!p1 $0x0  }
0x142: {  	[sflag:s12] =	ssyncadd.s32 @!p1 $0xFFFFEC00;
	s12 =	sshra.s32 @!p1 s15, $0x2  }
0x143: {  	s28 =	simm.s32 @!p1 $0xD200;
	s25 =	simm.s32 @!p1 $0x50;
	s14 =	sadd.s32 @!p1 $0xA280, s12  }
0x144: {  	[tilespmem:s28], [sflag:$0x1] =	stream.indirect.gather @!p1 [hbm4b:s6+s25], $0x40, s14, s25, $0xb8;
	[tilespmem:$0x17200] =	vst v63  }
0x145: {  	s14 =	simm.s32 @!p1 $0x6  }
0x146: {  	_ =	swait.ge @!p1 [sflag:s14], $0x1400  }
0x147: {  	[sflag:s14] =	ssyncset.done @!p1 $0x0  }
0x148: {  	s28 =	simm.s32 @!p1 $0x13600;
	[sflag:s14] =	ssyncadd.s32 @!p1 $0xFFFFEC00;
	s14 =	sadd.s32 @!p1 $0xBA90, s12  }
0x149: {  	[spmem:s2] =	stream.indirect.scatter.add.f32 @!p1 [tilespmem:s28], [sflag:$0xE], $0x40, s14, s25, $0xb8;
	[tilespmem:$0x17200] =	vst v63  }
0x14a: {  	s14 =	simm.s32 @!p1 $0xA  }
0x14b: {  	_ =	swait.ge @!p1 [sflag:s14], $0x1400  }
0x14c: {  	[sflag:s14] =	ssyncset.done @!p1 $0x0  }
0x14d: {  	s12 =	sadd.s32 @!p1 $0xA2D0, s12;
	[sflag:s14] =	ssyncadd.s32 @!p1 $0xFFFFEC00;
	s14 =	simm.s32 @!p1 $0xE600  }
0x14e: {  	[tilespmem:s14], [sflag:$0x2] =	stream.indirect.gather @!p1 [hbm4b:s6+s25], $0x40, s12, s25, $0xb8;
	[tilespmem:$0x17200] =	vst v63  }
.Ltmp6:
0x14f: {  	_ = 	snop;
	(pc) =	sbr.rel @p1 .LBB2_7-.Ltmp6, $4  }
0x150: {  	_ =	swait.ge [sflag:s18], $0x1400  }
0x151: {  	[sflag:s18] =	ssyncset.done $0x0  }
0x152: {  	s28 =	sadd.s32 $0xBAE0, s22;
	s12 =	sadd.s32 $0xBB30, s22;
	[sflag:s18] =	ssyncadd.s32 $0xFFFFEC00  }
0x153: {  	[spmem:s2] =	stream.indirect.scatter.add.f32 [tilespmem:s8], [sflag:$0xF], $0x40, s28, s24, $0xb8;
	[tilespmem:$0x17200] =	vst v63  }
0x154: {  	_ =	swait.ge [sflag:s19], $0x1400  }
0x155: {  	[sflag:s19] =	ssyncset.done $0x0  }
0x156: {  	s14 =	sadd.s32 $0xA320, s22;
	[sflag:s19] =	ssyncadd.s32 $0xFFFFEC00  }
0x157: {  	[tilespmem:s29], [sflag:$0x3] =	stream.indirect.gather [hbm4b:s6+s24], $0x40, s14, s24, $0xb8;
	[tilespmem:$0x17200] =	vst v63  }
0x158: {  	_ =	swait.ge [sflag:s13], $0x1400  }
0x159: {  	[sflag:s13] =	ssyncset.done $0x0  }
0x15a: {  	[sflag:s13] =	ssyncadd.s32 $0xFFFFEC00  }
0x15b: {  	[spmem:s2] =	stream.indirect.scatter.add.f32 [tilespmem:s10], [sflag:$0x10], $0x40, s12, s24, $0xb8;
	[tilespmem:$0x17200] =	vst v63  }
.Ltmp7:
0x15c: {  	_ = 	snop;
	(pc) =	sbr.rel .LBB2_5-.Ltmp7, $4  }
0x15d: {  	_ =	swait.ge [sflag:s7], $0x1400  }
0x15e: {  	[sflag:s7] =	ssyncset.done $0x0  }
0x15f: {  	s28 =	sadd.s32 $0xA370, s22;
	s15 =	sadd.s32 $0xA00, s15;
	[sflag:s7] =	ssyncadd.s32 $0xFFFFEC00  }
0x160: {  	[tilespmem:s31], [sflag:$0x4] =	stream.indirect.gather [hbm4b:s6+s24], $0x40, s28, s24, $0xb8;
	[tilespmem:$0x17200] =	vst v63  }
.LBB2_10:
0x161: {  	_ =	sfence.sel $0x180000  }
0x162: {  	[bflag:$0x0] =	sbarrier.arrive $0xFFFF  }
0x163: {  	_ =	strace $0x9000004A  }
0x164: {  	s0 =	stileid.u32;
	[bflag:$0x2] =	sbarrier.arrive $0xFFFF  }
0x165: {  	p0 =	sne.s32 s0, $0x0;
	s0 =	rddreg [dreg:$0x2]  }
0x166: {  	s0 =	sadd.s32 @!p0 $0x100000, s0  }
0x167: {  	[sflag:s0] =	ssyncadd.tile.s32 @!p0 $0x1;
	_ =	shalt  }
.Lfunc_end2:
_tile_overlayer_lowered:
.L_overlay_start_2:
0x168: {  	(tag) =	ssettag $0x2  }
0x169: {  	s0 =	rddreg [dreg:$0x0];
	s2 =	stileid.u32  }
0x16a: {  	s1 =	rddreg [dreg:$0x1];
	p0 =	sne.s32 s2, $0x0  }
0x16b: {  	s3 =	rddreg [dreg:$0x2];
	[bflag:$0x3] =	sbarrier.arrive $0xFFFF;
	s2 =	simm.s32 @!p0 $0x1C11  }
0x16c: {  	[timem:s3], [sflag:s2] =	dma.local @!p0 [hbm:s0], s1  }
0x16d: {  	s0 =	simm.s32 @!p0 $0x11  }
0x16e: {  	_ =	swait.ge @!p0 [sflag:s0], s1  }
0x16f: {  	s1 =	ssub.s32 @!p0 $0x0, s1;
	[sflag:s0] =	ssyncset.done @!p0 $0x0  }
0x170: {  	[sflag:s0] =	ssyncadd.s32 @!p0 s1  }
0x171: {  	[bflag:$0x3] =	sbarrier.arrive $0xFFFF  }
0x172: {  	_ =	shalt  }

// kernel: kernel.14.cloned.1.call-start
scs
__scs_entry_jumppad:
0x0: {  	(pc) =	sbr.rel $0x88, $3  }
0x1: {  	(tag) =	ssettag $0x0;
	lr =	simm.s32 $0x1  }
0x2: {  	[smem:$0x3F99] =	sst lr;
	_ =	strace $0xD0000000  }
0x3: {  	_ = 	snop  }
0x4: {  	_ = 	snop  }
0x5: {  	_ = 	snop  }
0x6: {  	_ = 	snop  }
0x7: {  	_ = 	snop  }
__scs_overlays_trampoline_lowered:
0x8: {  	[smem:$0x3FA8] =	sst s0  }
0x9: {  	[smem:$0x3FA9] =	sst s1  }
0xa: {  	[smem:$0x3FAA] =	sst s2  }
0xb: {  	[smem:$0x3FAB] =	sst s3  }
0xc: {  	[smem:$0x3FAC] =	sst s4  }
0xd: {  	[smem:$0x3FAD] =	sst s5  }
0xe: {  	[smem:$0x3FAE] =	sst s6  }
0xf: {  	[smem:$0x3FAF] =	sst s7  }
0x10: {  	[smem:$0x3FB0] =	sst s8  }
0x11: {  	[smem:$0x3FB1] =	sst s9;
	s0 =	simm.s32 @!p0 $0x0  }
0x12: {  	s1 =	sld [smem:$0x3F97];
	s0 =	simm.s32 @p0 $0x1  }
0x13: {  	[smem:$0x3FB2] =	sst s0;
	s0 =	simm.s32 @!p1 $0x0  }
0x14: {  	s2 =	sld [smem:$0x3F96];
	s0 =	simm.s32 @p1 $0x1  }
0x15: {  	[smem:$0x3FB3] =	sst s0;
	s0 =	simm.s32 @!p2 $0x0  }
0x16: {  	s3 =	sld [smem:$0x3FDB];
	s0 =	simm.s32 @p2 $0x1  }
0x17: {  	s4 =	simm.s32 $0x1BF5;
	[smem:$0x3FB5] =	sst s0  }
0x18: {  	s0 =	sld [smem:$0x3F98];
	_ =	swait.ge [sflag:s4], $0x0  }
0x19: {  	s7 =	sld [smem:$0x3F99]  }
0x1a: {  	s8 =	sadd.s32 $0xFFFFE003, lr  }
0x1b: {  	s9 =	sadd.s32 $0xFFFFFEF7, lr;
	s5 =	simm.s32 $0xFFFFFFFF;
	p2 =	slt.u32 s8, $0xFFFFF086  }
0x1c: {  	p1 =	slt.u32 s9, $0xF7A;
	s5 =	simm.s32 @!p2 $0x0  }
0x1d: {  	s5 =	simm.s32 @p1 $0x1;
	p0 =	seq.s32 s7, s2  }
0x1e: {  	s7 =	smul.u32 @!p0 $0xF7A, s2;
	p2 =	seq.s32 @!p0 s5, $0x0  }
0x1f: {  	s9 =	smul.u32 $0xF7A, s1;
	s8 =	simm.s32 @!p0 $0x1BF5;
	p2 =	por !p2, p0  }
0x20: {  	[sflag:s8] =	ssyncset.s32 @!p0 $0xFFFFF086;
	s6 =	sadd.s32 @!p0 s3, s7;
	s7 =	simm.s32 @!p0 $0x108  }
0x21: {  	s3 =	sadd.s32 s3, s9;
	s6 =	sadd.s32 @!p0 $0x88, s6;
	s7 =	simm.s32 @p2 $0x1082  }
0x22: {  	[simem:s7], [sflag:s8] =	dma.local @!p0 [hbm:s6], $0xF7A  }
0x23: {  	s9 =	sor.u32 $0xD0000000, s2;
	s6 =	simm.s32 $0x108;
	_ =	swait.ge @!p0 [sflag:s8], $0x0  }
0x24: {  	s3 =	sadd.s32 $0x88, s3;
	s6 =	simm.s32 @!p1 $0x1082;
	[sflag:s4] =	ssyncset.s32 $0xFFFFF086  }
0x25: {  	[simem:s6], [sflag:s4] =	dma.local [hbm:s3], $0xF7A  }
0x26: {  	[smem:$0x3F99] =	sst s1;
	(tag) =	ssettag s2;
	_ =	strace s9  }
0x27: {  	s1 =	sld [smem:$0x3FA9]  }
0x28: {  	s2 =	sld [smem:$0x3FAA]  }
0x29: {  	s4 =	sld [smem:$0x3FAC]  }
0x2a: {  	p0 =	seq.s32 s5, $0x0;
	s5 =	sld [smem:$0x3FAD]  }
0x2b: {  	s6 =	sld [smem:$0x3FAE]  }
0x2c: {  	s7 =	sld [smem:$0x3FAF]  }
0x2d: {  	s3 =	simm.s32 $0x108;
	s8 =	sld [smem:$0x3FB0]  }
0x2e: {  	s3 =	simm.s32 @!p0 $0x1082;
	s9 =	sld [smem:$0x3FB1]  }
0x2f: {  	lr =	sadd.s32 s0, s3;
	s0 =	sld [smem:$0x3FA8]  }
0x30: {  	s3 =	sld [smem:$0x3FAB]  }
0x31: {  	[smem:$0x3FB4] =	sst s10  }
0x32: {  	s10 =	sld [smem:$0x3FB2];
	_ =	sdelay $0x3  }
0x33: {  	p0 =	seq.s32 s10, $0x1;
	s10 =	sld [smem:$0x3FB4];
	_ =	sdelay $0x3  }
0x34: {  	[smem:$0x3FB4] =	sst s10  }
0x35: {  	s10 =	sld [smem:$0x3FB3];
	_ =	sdelay $0x3  }
0x36: {  	p1 =	seq.s32 s10, $0x1;
	s10 =	sld [smem:$0x3FB4];
	_ =	sdelay $0x3  }
0x37: {  	[smem:$0x3FB4] =	sst s10  }
0x38: {  	s10 =	sld [smem:$0x3FB5]  }
0x39: {  	_ = 	snop;
	(pc) =	sbr.ind lr, $3  }
0x3a: {  	_ = 	snop  }
0x3b: {  	_ = 	snop  }
0x3c: {  	p2 =	seq.s32 s10, $0x1;
	s10 =	sld [smem:$0x3FB4]  }
0x3d: {  	_ =	shalt  }
0x3e: {  	_ =	shalt  }
0x3f: {  	_ =	shalt  }
0x40: {  	_ =	shalt  }
0x41: {  	_ =	shalt  }
0x42: {  	_ =	shalt  }
0x43: {  	_ =	shalt  }
0x44: {  	_ =	shalt  }
0x45: {  	_ =	shalt  }
0x46: {  	_ =	shalt  }
0x47: {  	_ =	shalt  }
0x48: {  	_ =	shalt  }
0x49: {  	_ =	shalt  }
0x4a: {  	_ =	shalt  }
0x4b: {  	_ =	shalt  }
0x4c: {  	_ =	shalt  }
0x4d: {  	_ =	shalt  }
0x4e: {  	_ =	shalt  }
0x4f: {  	_ =	shalt  }
0x50: {  	_ =	shalt  }
0x51: {  	_ =	shalt  }
0x52: {  	_ =	shalt  }
0x53: {  	_ =	shalt  }
0x54: {  	_ =	shalt  }
0x55: {  	_ =	shalt  }
0x56: {  	_ =	shalt  }
0x57: {  	_ =	shalt  }
0x58: {  	_ =	shalt  }
0x59: {  	_ =	shalt  }
0x5a: {  	_ =	shalt  }
0x5b: {  	_ =	shalt  }
0x5c: {  	_ =	shalt  }
0x5d: {  	_ =	shalt  }
0x5e: {  	_ =	shalt  }
0x5f: {  	_ =	shalt  }
0x60: {  	_ =	shalt  }
0x61: {  	_ =	shalt  }
0x62: {  	_ =	shalt  }
0x63: {  	_ =	shalt  }
0x64: {  	_ =	shalt  }
0x65: {  	_ =	shalt  }
0x66: {  	_ =	shalt  }
0x67: {  	_ =	shalt  }
0x68: {  	_ =	shalt  }
0x69: {  	_ =	shalt  }
0x6a: {  	_ =	shalt  }
0x6b: {  	_ =	shalt  }
0x6c: {  	_ =	shalt  }
0x6d: {  	_ =	shalt  }
0x6e: {  	_ =	shalt  }
0x6f: {  	_ =	shalt  }
0x70: {  	_ =	shalt  }
0x71: {  	_ =	shalt  }
0x72: {  	_ =	shalt  }
0x73: {  	_ =	shalt  }
0x74: {  	_ =	shalt  }
0x75: {  	_ =	shalt  }
0x76: {  	_ =	shalt  }
0x77: {  	_ =	shalt  }
0x78: {  	_ =	shalt  }
0x79: {  	_ =	shalt  }
0x7a: {  	_ =	shalt  }
0x7b: {  	_ =	shalt  }
0x7c: {  	_ =	shalt  }
0x7d: {  	_ =	shalt  }
0x7e: {  	_ =	shalt  }
0x7f: {  	_ =	shalt  }
0x80: {  	_ =	shalt  }
0x81: {  	_ =	shalt  }
0x82: {  	_ =	shalt  }
0x83: {  	_ =	shalt  }
0x84: {  	_ =	shalt  }
0x85: {  	_ =	shalt  }
0x86: {  	_ =	shalt  }
0x87: {  	_ =	shalt  }
.Lfunc_end0:
.L_simem_size_0:
called_computation.2_lowered:
.L_overlay_start_0:
0x88: {  	s2 =	sld [smem:$0x3FD9]  }
0x89: {  	s3 =	sld [smem:$0x3FFE];
	_ =	sdelay $0x1  }
0x8a: {  	s1 =	srdreg.scid  }
0x8b: {  	s0 =	sand.u32 $0x1, s1  }
0x8c: {  	s16 =	sshll.u32 s0, $0xA;
	s2 =	sadd.s32 s3, s2  }
0x8d: {  	s2 =	sadd.s32 s2, s16  }
0x8e: {  	[smem:$0x3FC0] =	sst s2  }
0x8f: {  	_ = 	snop  }
0x90: {  	(tm) =	ssettm $0x1  }
0x91: {  	s17 =	sld [smem:$0x3FFB];
	_ =	sdelay $0x3  }
0x92: {  	_ =	strace s17  }
0x93: {  	s2 =	sld [smem:$0x3FFC];
	_ =	sdelay $0x3  }
0x94: {  	_ =	strace s2  }
0x95: {  	s2 =	sld [smem:$0x3FFD];
	_ =	sdelay $0x3  }
0x96: {  	_ =	strace s2  }
0x97: {  	_ =	strace $0x8FFFFFFF  }
0x98: {  	s18 =	sld [smem:$0x3FDB];
	_ =	sdelay $0x1  }
0x99: {  	s19 =	simm.s32 $_scs_section_size  }
0x9a: {  	s4 =	simm.s32 $_size__tile_overlayer_lowered;
	s5 =	simm.s32 $_tile_overlayer_lowered  }
0x9b: {  	s22 =	simm.s32 $0x1BFF;
	s21 =	sshll.u32 s5, $0x1;
	s2 =	sadd.s32 s19, s18  }
0x9c: {  	s6 =	simm.s32 $0x0;
	s20 =	sshll.u32 s4, $0x1;
	s4 =	sadd.s32 s21, s2  }
0x9d: {  	[timem:s6], [sflag:s22] =	dma.local [hbm:s4], s20  }
0x9e: {  	_ =	swait.ge [sflag:s22], s20  }
0x9f: {  	s3 =	ssub.s32 $0x0, s20;
	[sflag:s22] =	ssyncset.done $0x0  }
0xa0: {  	[sflag:s22] =	ssyncadd.s32 s3;
	_ =	sdelay $0x1  }
0xa1: {  	s23 =	simm.s32 $0x1B8B  }
0xa2: {  	_ =	swait.ge [sflag:s23], $0x1  }
0xa3: {  	[sflag:s23] =	ssyncset.done $0x0  }
0xa4: {  	s25 =	simm.s32 $0x1B8E;
	s24 =	sld [smem:$0x3FFE];
	[sflag:s23] =	ssyncadd.s32 $0xFFFFFFFF  }
0xa5: {  	s26 =	simm.s32 $execute0_lowered;
	[smem:$0x3FD2] =	sst s25  }
0xa6: {  	s4 =	sshll.u32 s26, $0x1;
	_ =	strace $0x8000004C;
	[dreg:$0x1] =	wrdreg $0xFFFFFFFF  }
0xa7: {  	s28 =	simm.s32 $_size_execute0_lowered;
	s2 =	sadd.s32 s2, s4;
	[dreg:$0x0] =	wrdreg $0x0  }
0xa8: {  	s4 =	sshll.u32 s28, $0x1;
	[dreg:$0x2] =	wrdreg s2  }
0xa9: {  	[dreg:$0x3] =	wrdreg s4  }
0xaa: {  	[dreg:$0x4] =	wrdreg $0xC0  }
0xab: {  	_ =	task [dreg:s6], $0x5FFFF  }
0xac: {  	[dreg:$0x1] =	wrdreg $0xFFFFFFFF  }
0xad: {  	[dreg:$0x0] =	wrdreg $0x60  }
0xae: {  	[dreg:$0x2] =	wrdreg s24  }
0xaf: {  	[dreg:$0x3] =	wrdreg $0x0  }
0xb0: {  	[dreg:$0x4] =	wrdreg $0x9  }
0xb1: {  	_ =	task.clear_ibuf [dreg:s6], $0x5FFFF;
	_ =	strace $0x9000004C  }
0xb2: {  	s29 =	simm.s32 $0x9;
	_ =	strace $0x8000004E  }
0xb3: {  	_ =	swait.ge [sflag:s29], $0x1  }
0xb4: {  	[sflag:s29] =	ssyncadd.s32 $0xFFFFFFFF  }
0xb5: {  	_ =	strace $0x9000004E  }
0xb6: {  	_ =	sfence  }
0xb7: {  	s30 =	sld [smem:$0x0];
	_ =	sdelay $0x2  }
0xb8: {  	s31 =	sshll.u32 s1, $0xD;
	s1 =	sshrl.u32 s1, $0x2  }
0xb9: {  	s3 =	sand.u32 $0x4000, s31;
	s1 =	sadd.s32 s1, s30  }
0xba: {  	s0 =	sor.u32 s3, s0;
	s1 =	sshll.u32 s1, $0x11  }
0xbb: {  	s0 =	sor.u32 s1, s0  }
0xbc: {  	s0 =	sadd.s32 $0x8F2B, s0  }
0xbd: {  	[sflag:s0] =	ssyncadd.remote.s32 $0x1  }
0xbe: {  	_ =	sfence.sel $0xFFFF  }
0xbf: {  	[dreg:$0x0] =	wrdreg $0xFFFFFFFF;
	(pc) =	sbr.abs _section_cstart, $3  }
0xc0: {  	[dreg:$0x1] =	wrdreg $0xFFFFFFFF  }
0xc1: {  	_ =	task.clear_ibuf [dreg:s6], $0x2FFFF;
	_ =	strace $0x9FFFFFFF  }
0xc2: {  	(tm) =	ssettm $0x7FFFFFFF  }
0xc3: {  	_ =	shalt  }
tec
execute0_lowered:
.L_overlay_start_1:
0x0: {  	(tag) =	ssettag $0x1  }
0x1: {  	s5 =	rddreg [dreg:$0x0]  }
0x2: {  	s2 =	rddreg [dreg:$0x1]  }
0x3: {  	s0 =	rddreg [dreg:$0x2];
	s4 =	srdreg.scid  }
0x4: {  	s1 =	stileid.u32;
	s3 =	simm.s32 $0x0;
	s12 =	simm.s32 $0x280  }
0x5: {  	s13 =	simm.s32 $0x8280;
	s14 =	simm.s32 $0x50;
	s15 =	simm.s32 $0x1  }
0x6: {  	s18 =	simm.s32 $0x0;
	s4 =	sand.u32 $0x1, s4;
	s6 =	smul.u32 $0x280, s1  }
0x7: {  	[smem:$0x7FF] =	sst s3;
	s9 =	sshll.u32 s1, $0xB;
	s16 =	sshll.u32 s1, $0x6  }
0x8: {  	s7 =	smul.u32 $0x2800, s4;
	_ =	strace $0x8000004D;
	s8 =	sshll.u32 s4, $0xF  }
0x9: {  	s31 =	ssub.s32 $0x2, s4;
	s4 =	sadd.s32 $0x1000, s5;
	s16 =	sor.u32 $0x1C02, s16  }
0xa: {  	s8 =	sor.u32 s9, s8;
	s10 =	sshrl.u32 s31, $0x1;
	s7 =	sadd.s32 s6, s7  }
0xb: {  	s8 =	sadd.s32 s8, s5;
	s9 =	ssub.s32 s31, s10;
	s7 =	sshrl.u32 s7, $0x3  }
0xc: {  	s10 =	simm.s32 $0xEA00;
	s9 =	smax.u32 s9, $0x1;
	s11 =	sadd.s32 s7, s5  }
0xd: {  	s5 =	sadd.s32 s6, s2;
	s6 =	sadd.s32 $0x61400, s8;
	s7 =	sadd.s32 $0xB000, s8  }
0xe: {  	v0 =	vimm.f32 $0.0e+00;
	s8 =	sadd.s32 $0x1600, s11;
	s11 =	simm.s32 $0x2;
	s17 =	sshrl.u32 s5, $0x3  }
.LBB2_1:
0xf: {  	[tilespmem:$0xEA00] =	vst v0  }
0x10: {  	[tilespmem:$0xEA10] =	vst v0  }
0x11: {  	[tilespmem:$0xEA20] =	vst v0  }
0x12: {  	[tilespmem:$0xEA30] =	vst v0  }
0x13: {  	[tilespmem:$0xEA40] =	vst v0  }
0x14: {  	[tilespmem:$0xEA50] =	vst v0  }
0x15: {  	[tilespmem:$0xEA60] =	vst v0  }
0x16: {  	[tilespmem:$0xEA70] =	vst v0  }
0x17: {  	[tilespmem:$0xEA80] =	vst v0  }
0x18: {  	[tilespmem:$0xEA90] =	vst v0  }
0x19: {  	[tilespmem:$0xEAA0] =	vst v0  }
0x1a: {  	[tilespmem:$0xEAB0] =	vst v0  }
0x1b: {  	[tilespmem:$0xEAC0] =	vst v0  }
0x1c: {  	[tilespmem:$0xEAD0] =	vst v0  }
0x1d: {  	[tilespmem:$0xEAE0] =	vst v0  }
0x1e: {  	[tilespmem:$0xEAF0] =	vst v0  }
0x1f: {  	[tilespmem:$0xEB00] =	vst v0  }
0x20: {  	[tilespmem:$0xEB10] =	vst v0  }
0x21: {  	[tilespmem:$0xEB20] =	vst v0  }
0x22: {  	[tilespmem:$0xEB30] =	vst v0  }
0x23: {  	[tilespmem:$0xEB40] =	vst v0  }
0x24: {  	[tilespmem:$0xEB50] =	vst v0  }
0x25: {  	[tilespmem:$0xEB60] =	vst v0  }
0x26: {  	[tilespmem:$0xEB70] =	vst v0  }
0x27: {  	[tilespmem:$0xEB80] =	vst v0  }
0x28: {  	[tilespmem:$0xEB90] =	vst v0  }
0x29: {  	[tilespmem:$0xEBA0] =	vst v0  }
0x2a: {  	[tilespmem:$0xEBB0] =	vst v0  }
0x2b: {  	[tilespmem:$0xEBC0] =	vst v0  }
0x2c: {  	[tilespmem:$0xEBD0] =	vst v0  }
0x2d: {  	[tilespmem:$0xEBE0] =	vst v0  }
0x2e: {  	[tilespmem:$0xEBF0] =	vst v0  }
0x2f: {  	[tilespmem:$0xEC00] =	vst v0  }
0x30: {  	[tilespmem:$0xEC10] =	vst v0  }
0x31: {  	[tilespmem:$0xEC20] =	vst v0  }
0x32: {  	[tilespmem:$0xEC30] =	vst v0  }
0x33: {  	[tilespmem:$0xEC40] =	vst v0  }
0x34: {  	[tilespmem:$0xEC50] =	vst v0  }
0x35: {  	[tilespmem:$0xEC60] =	vst v0  }
0x36: {  	[tilespmem:$0xEC70] =	vst v0  }
0x37: {  	[spmem:s5] =	stream.linear.scatter [tilespmem:s10], [sflag:$0x2], $0x280, $0x38;
	[tilespmem:$0xEC80] =	vst v63  }
0x38: {  	_ =	swait.ge [sflag:s11], $0x280  }
0x39: {  	[sflag:s11] =	ssyncset.done $0x0  }
0x3a: {  	[sflag:s11] =	ssyncadd.s32 $0xFFFFFD80  }
0x3b: {  	[tilespmem:s12], [sflag:$0x2] =	stream.linear.gather [hbm4b:s6+s3], $0x4000, $0x38;
	[tilespmem:$0xEC80] =	vst v63  }
0x3c: {  	_ =	swait.ge [sflag:s11], $0x4000  }
0x3d: {  	[sflag:s11] =	ssyncset.done $0x0  }
0x3e: {  	s19 =	simm.s32 $0x4280;
	[sflag:s11] =	ssyncadd.s32 $0xFFFFC000  }
0x3f: {  	[tilespmem:s19], [sflag:$0x2] =	stream.linear.gather [hbm4b:s7+s3], $0x4000, $0x38;
	[tilespmem:$0xEC80] =	vst v63  }
0x40: {  	_ =	swait.ge [sflag:s11], $0x4000  }
0x41: {  	[sflag:s11] =	ssyncset.done $0x0  }
0x42: {  	[sflag:s11] =	ssyncadd.s32 $0xFFFFC000  }
0x43: {  	[tilespmem:s13], [sflag:$0x2] =	stream.linear.gather [hbm4b:s4+s3], $0x2780, $0x38;
	[tilespmem:$0xEC80] =	vst v63  }
0x44: {  	_ =	swait.ge [sflag:s11], $0x2780  }
0x45: {  	[sflag:s11] =	ssyncset.done $0x0  }
0x46: {  	s20 =	simm.s32 $0xAA00;
	[sflag:s11] =	ssyncadd.s32 $0xFFFFD880  }
0x47: {  	s21 =	simm.s32 $0x2A0;
	s22 =	simm.s32 $0x0;
	[bflag:$0x0] =	sbarrier.arrive $0xFFFF  }
.LBB2_2:
0x48: {  	v1 =	vld [tilespmem:s21+$0xFFFFFFE0];
	_ =	sdelay $0x7  }
0x49: {  	v1 =	vld.idx.msk [tilespmem:v1+s13+$0x0], $0xffff;
	_ =	sdelay $0x4  }
0x4a: {  	[tilespmem:s20+$0x0] =	vst v1  }
0x4b: {  	v1 =	vld [tilespmem:s21+$0xFFFFFFF0];
	_ =	sdelay $0x7  }
0x4c: {  	v1 =	vld.idx.msk [tilespmem:v1+s13+$0x0], $0xffff;
	_ =	sdelay $0x4  }
0x4d: {  	[tilespmem:s20+$0x10] =	vst v1  }
0x4e: {  	v1 =	vld [tilespmem:s21+$0x0];
	_ =	sdelay $0x7  }
0x4f: {  	v1 =	vld.idx.msk [tilespmem:v1+s13+$0x0], $0xffff;
	_ =	sdelay $0x4  }
0x50: {  	[tilespmem:s20+$0x20] =	vst v1  }
0x51: {  	v1 =	vld [tilespmem:s21+$0x10];
	_ =	sdelay $0x7  }
0x52: {  	v1 =	vld.idx.msk [tilespmem:v1+s13+$0x0], $0xffff;
	_ =	sdelay $0x4  }
0x53: {  	[tilespmem:s20+$0x30] =	vst v1  }
0x54: {  	v1 =	vld [tilespmem:s21+$0x20];
	_ =	sdelay $0x7  }
0x55: {  	v1 =	vld.idx.msk [tilespmem:v1+s13+$0x0], $0xffff;
	_ =	sdelay $0x3  }
0x56: {  	p0 =	slt.u32 s22, $0x10  }
0x57: {  	s23 =	simm.s32 @!p0 $0x1;
	[tilespmem:s20+$0x40] =	vst v1  }
0x58: {  	[spmem:s2] =	stream.indirect.scatter.add.f32 [tilespmem:s20], [sflag:$0x1], $0x1, s19, s14, $0xb8;
	[tilespmem:$0xEC80] =	vst v63  }
0x59: {  	_ =	swait.ge @!p0 [sflag:s23], $0x50  }
0x5a: {  	s22 =	sadd.s32 $0x1, s22;
	[sflag:s23] =	ssyncset.done @!p0 $0x0  }
0x5b: {  	[sflag:s23] =	ssyncadd.s32 @!p0 $0xFFFFFFB0;
	p0 =	sne.s32 s22, $0x80  }
.Ltmp0:
0x5c: {  	_ = 	snop;
	(pc) =	sbr.rel @p0 .LBB2_2-.Ltmp0, $2  }
0x5d: {  	_ =	sdelay $0x2  }
0x5e: {  	s21 =	sadd.s32 $0x80, s21;
	s19 =	sadd.s32 $0x80, s19;
	s20 =	sadd.s32 $0x80, s20  }
0x5f: {  	_ =	swait.ge [sflag:s15], $0x50  }
0x60: {  	[sflag:s15] =	ssyncset.done $0x0  }
0x61: {  	[sflag:s15] =	ssyncadd.s32 $0xFFFFFFB0  }
0x62: {  	_ =	swait.ge [sflag:s15], $0x50  }
0x63: {  	[sflag:s15] =	ssyncset.done $0x0  }
0x64: {  	[sflag:s15] =	ssyncadd.s32 $0xFFFFFFB0  }
0x65: {  	_ =	swait.ge [sflag:s15], $0x50  }
0x66: {  	[sflag:s15] =	ssyncset.done $0x0  }
0x67: {  	[sflag:s15] =	ssyncadd.s32 $0xFFFFFFB0  }
0x68: {  	_ =	swait.ge [sflag:s15], $0x50  }
0x69: {  	[sflag:s15] =	ssyncset.done $0x0  }
0x6a: {  	[sflag:s15] =	ssyncadd.s32 $0xFFFFFFB0  }
0x6b: {  	_ =	swait.ge [sflag:s15], $0x50  }
0x6c: {  	[sflag:s15] =	ssyncset.done $0x0  }
0x6d: {  	[sflag:s15] =	ssyncadd.s32 $0xFFFFFFB0  }
0x6e: {  	_ =	swait.ge [sflag:s15], $0x50  }
0x6f: {  	[sflag:s15] =	ssyncset.done $0x0  }
0x70: {  	[sflag:s15] =	ssyncadd.s32 $0xFFFFFFB0  }
0x71: {  	_ =	swait.ge [sflag:s15], $0x50  }
0x72: {  	[sflag:s15] =	ssyncset.done $0x0  }
0x73: {  	[sflag:s15] =	ssyncadd.s32 $0xFFFFFFB0  }
0x74: {  	_ =	swait.ge [sflag:s15], $0x50  }
0x75: {  	[sflag:s15] =	ssyncset.done $0x0  }
0x76: {  	[sflag:s15] =	ssyncadd.s32 $0xFFFFFFB0  }
0x77: {  	_ =	swait.ge [sflag:s15], $0x50  }
0x78: {  	[sflag:s15] =	ssyncset.done $0x0  }
0x79: {  	[sflag:s15] =	ssyncadd.s32 $0xFFFFFFB0  }
0x7a: {  	_ =	swait.ge [sflag:s15], $0x50  }
0x7b: {  	[sflag:s15] =	ssyncset.done $0x0  }
0x7c: {  	[sflag:s15] =	ssyncadd.s32 $0xFFFFFFB0  }
0x7d: {  	_ =	swait.ge [sflag:s15], $0x50  }
0x7e: {  	[sflag:s15] =	ssyncset.done $0x0  }
0x7f: {  	[sflag:s15] =	ssyncadd.s32 $0xFFFFFFB0  }
0x80: {  	_ =	swait.ge [sflag:s15], $0x50  }
0x81: {  	[sflag:s15] =	ssyncset.done $0x0  }
0x82: {  	[sflag:s15] =	ssyncadd.s32 $0xFFFFFFB0  }
0x83: {  	_ =	swait.ge [sflag:s15], $0x50  }
0x84: {  	[sflag:s15] =	ssyncset.done $0x0  }
0x85: {  	[sflag:s15] =	ssyncadd.s32 $0xFFFFFFB0  }
0x86: {  	_ =	swait.ge [sflag:s15], $0x50  }
0x87: {  	[sflag:s15] =	ssyncset.done $0x0  }
0x88: {  	[sflag:s15] =	ssyncadd.s32 $0xFFFFFFB0  }
0x89: {  	_ =	swait.ge [sflag:s15], $0x50  }
0x8a: {  	[sflag:s15] =	ssyncset.done $0x0  }
0x8b: {  	[sflag:s15] =	ssyncadd.s32 $0xFFFFFFB0  }
0x8c: {  	_ =	swait.ge [sflag:s15], $0x50  }
0x8d: {  	s18 =	sadd.s32 $0x1, s18;
	[sflag:s15] =	ssyncset.done $0x0  }
0x8e: {  	p0 =	sne.s32 s18, s9;
	[sflag:s15] =	ssyncadd.s32 $0xFFFFFFB0  }
.Ltmp1:
0x8f: {  	[bflag:$0x0] =	sbarrier.arrive $0xFFFF;
	(pc) =	sbr.rel @p0 .LBB2_1-.Ltmp1, $4  }
0x90: {  	[hbm:s8], [sflag:s16] =	dma.local [spmem:s17], $0x50  }
0x91: {  	_ =	swait.ge [sflag:s11], $0x50  }
0x92: {  	[sflag:s11] =	ssyncset.done $0x0  }
0x93: {  	[sflag:s11] =	ssyncadd.s32 $0xFFFFFFB0  }
0x94: {  	_ =	sfence.sel $0x180000  }
0x95: {  	[bflag:$0x0] =	sbarrier.arrive $0xFFFF  }
0x96: {  	p0 =	sne.s32 s1, $0x0;
	_ =	strace $0x9000004D  }
0x97: {  	s0 =	sadd.s32 @!p0 $0x100000, s0;
	[bflag:$0x2] =	sbarrier.arrive $0xFFFF  }
0x98: {  	[sflag:s0] =	ssyncadd.tile.s32 @!p0 $0x1;
	_ =	shalt  }
.Lfunc_end2:
_tile_overlayer_lowered:
.L_overlay_start_2:
0x99: {  	(tag) =	ssettag $0x2  }
0x9a: {  	s0 =	rddreg [dreg:$0x0];
	s2 =	stileid.u32  }
0x9b: {  	s1 =	rddreg [dreg:$0x1];
	p0 =	sne.s32 s2, $0x0  }
0x9c: {  	s3 =	rddreg [dreg:$0x2];
	[bflag:$0x3] =	sbarrier.arrive $0xFFFF;
	s2 =	simm.s32 @!p0 $0x1C02  }
0x9d: {  	[timem:s3], [sflag:s2] =	dma.local @!p0 [hbm:s0], s1  }
0x9e: {  	s0 =	simm.s32 @!p0 $0x2  }
0x9f: {  	_ =	swait.ge @!p0 [sflag:s0], s1  }
0xa0: {  	s1 =	ssub.s32 @!p0 $0x0, s1;
	[sflag:s0] =	ssyncset.done @!p0 $0x0  }
0xa1: {  	[sflag:s0] =	ssyncadd.s32 @!p0 s1  }
0xa2: {  	[bflag:$0x3] =	sbarrier.arrive $0xFFFF  }
0xa3: {  	_ =	shalt  }

// kernel: kernel.8.cloned.1.call-start
scs
__scs_entry_jumppad:
0x0: {  	(pc) =	sbr.rel $0x88, $3  }
0x1: {  	(tag) =	ssettag $0x0;
	lr =	simm.s32 $0x1  }
0x2: {  	[smem:$0x3F99] =	sst lr;
	_ =	strace $0xD0000000  }
0x3: {  	_ = 	snop  }
0x4: {  	_ = 	snop  }
0x5: {  	_ = 	snop  }
0x6: {  	_ = 	snop  }
0x7: {  	_ = 	snop  }
__scs_overlays_trampoline_lowered:
0x8: {  	[smem:$0x3FA8] =	sst s0  }
0x9: {  	[smem:$0x3FA9] =	sst s1  }
0xa: {  	[smem:$0x3FAA] =	sst s2  }
0xb: {  	[smem:$0x3FAB] =	sst s3  }
0xc: {  	[smem:$0x3FAC] =	sst s4  }
0xd: {  	[smem:$0x3FAD] =	sst s5  }
0xe: {  	[smem:$0x3FAE] =	sst s6  }
0xf: {  	[smem:$0x3FAF] =	sst s7  }
0x10: {  	[smem:$0x3FB0] =	sst s8  }
0x11: {  	[smem:$0x3FB1] =	sst s9;
	s0 =	simm.s32 @!p0 $0x0  }
0x12: {  	s1 =	sld [smem:$0x3F97];
	s0 =	simm.s32 @p0 $0x1  }
0x13: {  	[smem:$0x3FB2] =	sst s0;
	s0 =	simm.s32 @!p1 $0x0  }
0x14: {  	s2 =	sld [smem:$0x3F96];
	s0 =	simm.s32 @p1 $0x1  }
0x15: {  	[smem:$0x3FB3] =	sst s0;
	s0 =	simm.s32 @!p2 $0x0  }
0x16: {  	s3 =	sld [smem:$0x3FDB];
	s0 =	simm.s32 @p2 $0x1  }
0x17: {  	s4 =	simm.s32 $0x1BF5;
	[smem:$0x3FB5] =	sst s0  }
0x18: {  	s0 =	sld [smem:$0x3F98];
	_ =	swait.ge [sflag:s4], $0x0  }
0x19: {  	s7 =	sld [smem:$0x3F99]  }
0x1a: {  	s8 =	sadd.s32 $0xFFFFE003, lr  }
0x1b: {  	s9 =	sadd.s32 $0xFFFFFEF7, lr;
	s5 =	simm.s32 $0xFFFFFFFF;
	p2 =	slt.u32 s8, $0xFFFFF086  }
0x1c: {  	p1 =	slt.u32 s9, $0xF7A;
	s5 =	simm.s32 @!p2 $0x0  }
0x1d: {  	s5 =	simm.s32 @p1 $0x1;
	p0 =	seq.s32 s7, s2  }
0x1e: {  	s7 =	smul.u32 @!p0 $0xF7A, s2;
	p2 =	seq.s32 @!p0 s5, $0x0  }
0x1f: {  	s9 =	smul.u32 $0xF7A, s1;
	s8 =	simm.s32 @!p0 $0x1BF5;
	p2 =	por !p2, p0  }
0x20: {  	[sflag:s8] =	ssyncset.s32 @!p0 $0xFFFFF086;
	s6 =	sadd.s32 @!p0 s3, s7;
	s7 =	simm.s32 @!p0 $0x108  }
0x21: {  	s3 =	sadd.s32 s3, s9;
	s6 =	sadd.s32 @!p0 $0x88, s6;
	s7 =	simm.s32 @p2 $0x1082  }
0x22: {  	[simem:s7], [sflag:s8] =	dma.local @!p0 [hbm:s6], $0xF7A  }
0x23: {  	s9 =	sor.u32 $0xD0000000, s2;
	s6 =	simm.s32 $0x108;
	_ =	swait.ge @!p0 [sflag:s8], $0x0  }
0x24: {  	s3 =	sadd.s32 $0x88, s3;
	s6 =	simm.s32 @!p1 $0x1082;
	[sflag:s4] =	ssyncset.s32 $0xFFFFF086  }
0x25: {  	[simem:s6], [sflag:s4] =	dma.local [hbm:s3], $0xF7A  }
0x26: {  	[smem:$0x3F99] =	sst s1;
	(tag) =	ssettag s2;
	_ =	strace s9  }
0x27: {  	s1 =	sld [smem:$0x3FA9]  }
0x28: {  	s2 =	sld [smem:$0x3FAA]  }
0x29: {  	s4 =	sld [smem:$0x3FAC]  }
0x2a: {  	p0 =	seq.s32 s5, $0x0;
	s5 =	sld [smem:$0x3FAD]  }
0x2b: {  	s6 =	sld [smem:$0x3FAE]  }
0x2c: {  	s7 =	sld [smem:$0x3FAF]  }
0x2d: {  	s3 =	simm.s32 $0x108;
	s8 =	sld [smem:$0x3FB0]  }
0x2e: {  	s3 =	simm.s32 @!p0 $0x1082;
	s9 =	sld [smem:$0x3FB1]  }
0x2f: {  	lr =	sadd.s32 s0, s3;
	s0 =	sld [smem:$0x3FA8]  }
0x30: {  	s3 =	sld [smem:$0x3FAB]  }
0x31: {  	[smem:$0x3FB4] =	sst s10  }
0x32: {  	s10 =	sld [smem:$0x3FB2];
	_ =	sdelay $0x3  }
0x33: {  	p0 =	seq.s32 s10, $0x1;
	s10 =	sld [smem:$0x3FB4];
	_ =	sdelay $0x3  }
0x34: {  	[smem:$0x3FB4] =	sst s10  }
0x35: {  	s10 =	sld [smem:$0x3FB3];
	_ =	sdelay $0x3  }
0x36: {  	p1 =	seq.s32 s10, $0x1;
	s10 =	sld [smem:$0x3FB4];
	_ =	sdelay $0x3  }
0x37: {  	[smem:$0x3FB4] =	sst s10  }
0x38: {  	s10 =	sld [smem:$0x3FB5]  }
0x39: {  	_ = 	snop;
	(pc) =	sbr.ind lr, $3  }
0x3a: {  	_ = 	snop  }
0x3b: {  	_ = 	snop  }
0x3c: {  	p2 =	seq.s32 s10, $0x1;
	s10 =	sld [smem:$0x3FB4]  }
0x3d: {  	_ =	shalt  }
0x3e: {  	_ =	shalt  }
0x3f: {  	_ =	shalt  }
0x40: {  	_ =	shalt  }
0x41: {  	_ =	shalt  }
0x42: {  	_ =	shalt  }
0x43: {  	_ =	shalt  }
0x44: {  	_ =	shalt  }
0x45: {  	_ =	shalt  }
0x46: {  	_ =	shalt  }
0x47: {  	_ =	shalt  }
0x48: {  	_ =	shalt  }
0x49: {  	_ =	shalt  }
0x4a: {  	_ =	shalt  }
0x4b: {  	_ =	shalt  }
0x4c: {  	_ =	shalt  }
0x4d: {  	_ =	shalt  }
0x4e: {  	_ =	shalt  }
0x4f: {  	_ =	shalt  }
0x50: {  	_ =	shalt  }
0x51: {  	_ =	shalt  }
0x52: {  	_ =	shalt  }
0x53: {  	_ =	shalt  }
0x54: {  	_ =	shalt  }
0x55: {  	_ =	shalt  }
0x56: {  	_ =	shalt  }
0x57: {  	_ =	shalt  }
0x58: {  	_ =	shalt  }
0x59: {  	_ =	shalt  }
0x5a: {  	_ =	shalt  }
0x5b: {  	_ =	shalt  }
0x5c: {  	_ =	shalt  }
0x5d: {  	_ =	shalt  }
0x5e: {  	_ =	shalt  }
0x5f: {  	_ =	shalt  }
0x60: {  	_ =	shalt  }
0x61: {  	_ =	shalt  }
0x62: {  	_ =	shalt  }
0x63: {  	_ =	shalt  }
0x64: {  	_ =	shalt  }
0x65: {  	_ =	shalt  }
0x66: {  	_ =	shalt  }
0x67: {  	_ =	shalt  }
0x68: {  	_ =	shalt  }
0x69: {  	_ =	shalt  }
0x6a: {  	_ =	shalt  }
0x6b: {  	_ =	shalt  }
0x6c: {  	_ =	shalt  }
0x6d: {  	_ =	shalt  }
0x6e: {  	_ =	shalt  }
0x6f: {  	_ =	shalt  }
0x70: {  	_ =	shalt  }
0x71: {  	_ =	shalt  }
0x72: {  	_ =	shalt  }
0x73: {  	_ =	shalt  }
0x74: {  	_ =	shalt  }
0x75: {  	_ =	shalt  }
0x76: {  	_ =	shalt  }
0x77: {  	_ =	shalt  }
0x78: {  	_ =	shalt  }
0x79: {  	_ =	shalt  }
0x7a: {  	_ =	shalt  }
0x7b: {  	_ =	shalt  }
0x7c: {  	_ =	shalt  }
0x7d: {  	_ =	shalt  }
0x7e: {  	_ =	shalt  }
0x7f: {  	_ =	shalt  }
0x80: {  	_ =	shalt  }
0x81: {  	_ =	shalt  }
0x82: {  	_ =	shalt  }
0x83: {  	_ =	shalt  }
0x84: {  	_ =	shalt  }
0x85: {  	_ =	shalt  }
0x86: {  	_ =	shalt  }
0x87: {  	_ =	shalt  }
.Lfunc_end0:
.L_simem_size_0:
called_computation_lowered:
.L_overlay_start_0:
0x88: {  	s2 =	sld [smem:$0x3FD9]  }
0x89: {  	s3 =	sld [smem:$0x3FFE];
	_ =	sdelay $0x1  }
0x8a: {  	s1 =	srdreg.scid  }
0x8b: {  	s0 =	sand.u32 $0x1, s1  }
0x8c: {  	s16 =	sshll.u32 s0, $0xA;
	s2 =	sadd.s32 s3, s2  }
0x8d: {  	s2 =	sadd.s32 s2, s16  }
0x8e: {  	[smem:$0x3FC0] =	sst s2  }
0x8f: {  	_ = 	snop  }
0x90: {  	(tm) =	ssettm $0x1  }
0x91: {  	s17 =	sld [smem:$0x3FFB];
	_ =	sdelay $0x3  }
0x92: {  	_ =	strace s17  }
0x93: {  	s2 =	sld [smem:$0x3FFC];
	_ =	sdelay $0x3  }
0x94: {  	_ =	strace s2  }
0x95: {  	s2 =	sld [smem:$0x3FFD];
	_ =	sdelay $0x3  }
0x96: {  	_ =	strace s2  }
0x97: {  	_ =	strace $0x8FFFFFFF  }
0x98: {  	s18 =	sld [smem:$0x3FDB];
	_ =	sdelay $0x1  }
0x99: {  	s19 =	simm.s32 $_scs_section_size  }
0x9a: {  	s4 =	simm.s32 $_size__tile_overlayer_lowered;
	s5 =	simm.s32 $_tile_overlayer_lowered  }
0x9b: {  	s22 =	simm.s32 $0x1BFF;
	s21 =	sshll.u32 s5, $0x1;
	s2 =	sadd.s32 s19, s18  }
0x9c: {  	s6 =	simm.s32 $0x0;
	s20 =	sshll.u32 s4, $0x1;
	s4 =	sadd.s32 s21, s2  }
0x9d: {  	[timem:s6], [sflag:s22] =	dma.local [hbm:s4], s20  }
0x9e: {  	_ =	swait.ge [sflag:s22], s20  }
0x9f: {  	s3 =	ssub.s32 $0x0, s20;
	[sflag:s22] =	ssyncset.done $0x0  }
0xa0: {  	[sflag:s22] =	ssyncadd.s32 s3;
	_ =	sdelay $0x1  }
0xa1: {  	s23 =	simm.s32 $0x1B8B  }
0xa2: {  	_ =	swait.ge [sflag:s23], $0x1  }
0xa3: {  	[sflag:s23] =	ssyncset.done $0x0  }
0xa4: {  	s25 =	simm.s32 $0x1B8E;
	s24 =	sld [smem:$0x3FFE];
	[sflag:s23] =	ssyncadd.s32 $0xFFFFFFFF  }
0xa5: {  	s26 =	simm.s32 $execute0_lowered;
	[smem:$0x3FD2] =	sst s25  }
0xa6: {  	s4 =	sshll.u32 s26, $0x1;
	_ =	strace $0x80000046;
	[dreg:$0x1] =	wrdreg $0xFFFFFFFF  }
0xa7: {  	s28 =	simm.s32 $_size_execute0_lowered;
	s2 =	sadd.s32 s2, s4;
	[dreg:$0x0] =	wrdreg $0x0  }
0xa8: {  	s4 =	sshll.u32 s28, $0x1;
	[dreg:$0x2] =	wrdreg s2  }
0xa9: {  	[dreg:$0x3] =	wrdreg s4  }
0xaa: {  	[dreg:$0x4] =	wrdreg $0xC0  }
0xab: {  	_ =	task [dreg:s6], $0x5FFFF  }
0xac: {  	[dreg:$0x1] =	wrdreg $0xFFFFFFFF  }
0xad: {  	[dreg:$0x0] =	wrdreg $0x60  }
0xae: {  	[dreg:$0x2] =	wrdreg s24  }
0xaf: {  	[dreg:$0x3] =	wrdreg $0x0  }
0xb0: {  	[dreg:$0x4] =	wrdreg $0x9  }
0xb1: {  	_ =	task.clear_ibuf [dreg:s6], $0x5FFFF;
	_ =	strace $0x90000046  }
0xb2: {  	s29 =	simm.s32 $0x9;
	_ =	strace $0x80000048  }
0xb3: {  	_ =	swait.ge [sflag:s29], $0x1  }
0xb4: {  	[sflag:s29] =	ssyncadd.s32 $0xFFFFFFFF  }
0xb5: {  	_ =	strace $0x90000048  }
0xb6: {  	_ =	sfence  }
0xb7: {  	s30 =	sld [smem:$0x0];
	_ =	sdelay $0x2  }
0xb8: {  	s31 =	sshll.u32 s1, $0xD;
	s1 =	sshrl.u32 s1, $0x2  }
0xb9: {  	s3 =	sand.u32 $0x4000, s31;
	s1 =	sadd.s32 s1, s30  }
0xba: {  	s0 =	sor.u32 s3, s0;
	s1 =	sshll.u32 s1, $0x11  }
0xbb: {  	s0 =	sor.u32 s1, s0  }
0xbc: {  	s0 =	sadd.s32 $0x8F2B, s0  }
0xbd: {  	[sflag:s0] =	ssyncadd.remote.s32 $0x1  }
0xbe: {  	_ =	sfence.sel $0xFFFF  }
0xbf: {  	[dreg:$0x0] =	wrdreg $0xFFFFFFFF;
	(pc) =	sbr.abs _section_cstart, $3  }
0xc0: {  	[dreg:$0x1] =	wrdreg $0xFFFFFFFF  }
0xc1: {  	_ =	task.clear_ibuf [dreg:s6], $0x2FFFF;
	_ =	strace $0x9FFFFFFF  }
0xc2: {  	(tm) =	ssettm $0x7FFFFFFF  }
0xc3: {  	_ =	shalt  }
tec
execute0_lowered:
.L_overlay_start_1:
0x0: {  	(tag) =	ssettag $0x1  }
0x1: {  	s4 =	rddreg [dreg:$0x0];
	s0 =	stileid.u32  }
0x2: {  	s1 =	srdreg.scid;
	s2 =	rddreg [dreg:$0x1]  }
0x3: {  	s3 =	simm.s32 $0x0;
	s10 =	simm.s32 $0x50;
	s11 =	simm.s32 $0x4500  }
0x4: {  	s12 =	simm.s32 $0x1;
	s5 =	sand.u32 $0x1, s1;
	s1 =	rddreg [dreg:$0x2]  }
0x5: {  	s15 =	simm.s32 $0x0;
	s6 =	smul.u32 $0x280, s0;
	[smem:$0x7FF] =	sst s3  }
0x6: {  	s8 =	sshll.u32 s0, $0xB;
	s13 =	sshll.u32 s0, $0x6;
	s7 =	smul.u32 $0x2800, s5  }
0x7: {  	_ =	strace $0x80000047;
	s8 =	sadd.s32 s8, s4;
	s9 =	ssub.s32 $0x2, s5  }
0x8: {  	s5 =	sshll.u32 s5, $0xF;
	s13 =	sor.u32 $0x1C02, s13;
	s7 =	sadd.s32 s6, s7  }
0x9: {  	s31 =	sshrl.u32 s9, $0x1;
	s5 =	sadd.s32 s5, s8;
	s7 =	sshrl.u32 s7, $0x3  }
0xa: {  	s8 =	simm.s32 $0x4280;
	s9 =	ssub.s32 s9, s31;
	s7 =	sadd.s32 s7, s4  }
0xb: {  	s5 =	sadd.s32 $0xB000, s5;
	s4 =	sadd.s32 s6, s2;
	s6 =	sadd.s32 $0x1B000, s7  }
0xc: {  	v0 =	vimm.f32 $0.0e+00;
	v1 =	vimm.f32 $1.000000000e+00;
	s7 =	smax.u32 s9, $0x1;
	s9 =	simm.s32 $0x2;
	s14 =	sshrl.u32 s4, $0x3  }
.LBB2_1:
0xd: {  	[tilespmem:$0x4280] =	vst v0  }
0xe: {  	[tilespmem:$0x4290] =	vst v0  }
0xf: {  	[tilespmem:$0x42A0] =	vst v0  }
0x10: {  	[tilespmem:$0x42B0] =	vst v0  }
0x11: {  	[tilespmem:$0x42C0] =	vst v0  }
0x12: {  	[tilespmem:$0x42D0] =	vst v0  }
0x13: {  	[tilespmem:$0x42E0] =	vst v0  }
0x14: {  	[tilespmem:$0x42F0] =	vst v0  }
0x15: {  	[tilespmem:$0x4300] =	vst v0  }
0x16: {  	[tilespmem:$0x4310] =	vst v0  }
0x17: {  	[tilespmem:$0x4320] =	vst v0  }
0x18: {  	[tilespmem:$0x4330] =	vst v0  }
0x19: {  	[tilespmem:$0x4340] =	vst v0  }
0x1a: {  	[tilespmem:$0x4350] =	vst v0  }
0x1b: {  	[tilespmem:$0x4360] =	vst v0  }
0x1c: {  	[tilespmem:$0x4370] =	vst v0  }
0x1d: {  	[tilespmem:$0x4380] =	vst v0  }
0x1e: {  	[tilespmem:$0x4390] =	vst v0  }
0x1f: {  	[tilespmem:$0x43A0] =	vst v0  }
0x20: {  	[tilespmem:$0x43B0] =	vst v0  }
0x21: {  	[tilespmem:$0x43C0] =	vst v0  }
0x22: {  	[tilespmem:$0x43D0] =	vst v0  }
0x23: {  	[tilespmem:$0x43E0] =	vst v0  }
0x24: {  	[tilespmem:$0x43F0] =	vst v0  }
0x25: {  	[tilespmem:$0x4400] =	vst v0  }
0x26: {  	[tilespmem:$0x4410] =	vst v0  }
0x27: {  	[tilespmem:$0x4420] =	vst v0  }
0x28: {  	[tilespmem:$0x4430] =	vst v0  }
0x29: {  	[tilespmem:$0x4440] =	vst v0  }
0x2a: {  	[tilespmem:$0x4450] =	vst v0  }
0x2b: {  	[tilespmem:$0x4460] =	vst v0  }
0x2c: {  	[tilespmem:$0x4470] =	vst v0  }
0x2d: {  	[tilespmem:$0x4480] =	vst v0  }
0x2e: {  	[tilespmem:$0x4490] =	vst v0  }
0x2f: {  	[tilespmem:$0x44A0] =	vst v0  }
0x30: {  	[tilespmem:$0x44B0] =	vst v0  }
0x31: {  	[tilespmem:$0x44C0] =	vst v0  }
0x32: {  	[tilespmem:$0x44D0] =	vst v0  }
0x33: {  	[tilespmem:$0x44E0] =	vst v0  }
0x34: {  	[tilespmem:$0x44F0] =	vst v0  }
0x35: {  	[tilespmem:$0x4500] =	vst v1  }
0x36: {  	[tilespmem:$0x4510] =	vst v1  }
0x37: {  	[tilespmem:$0x4520] =	vst v1  }
0x38: {  	[tilespmem:$0x4530] =	vst v1  }
0x39: {  	[tilespmem:$0x4540] =	vst v1  }
0x3a: {  	[spmem:s4] =	stream.linear.scatter [tilespmem:s8], [sflag:$0x2], $0x280, $0x38;
	[tilespmem:$0x4580] =	vst v63  }
0x3b: {  	_ =	swait.ge [sflag:s9], $0x280  }
0x3c: {  	[sflag:s9] =	ssyncset.done $0x0  }
0x3d: {  	s16 =	simm.s32 $0x280;
	[sflag:s9] =	ssyncadd.s32 $0xFFFFFD80  }
0x3e: {  	[tilespmem:s16], [sflag:$0x2] =	stream.linear.gather [hbm4b:s5+s3], $0x4000, $0x38;
	[tilespmem:$0x4580] =	vst v63  }
0x3f: {  	_ =	swait.ge [sflag:s9], $0x4000  }
0x40: {  	[sflag:s9] =	ssyncset.done $0x0  }
0x41: {  	p0 =	por $0x1, $0x1;
	[sflag:s9] =	ssyncadd.s32 $0xFFFFC000  }
0x42: {  	s18 =	simm.s32 @!p0 $0x1;
	[bflag:$0x0] =	sbarrier.arrive $0xFFFF  }
0x43: {  	[spmem:s2] =	stream.indirect.scatter.add.f32 [tilespmem:s11], [sflag:$0x1], $0x1, s16, s10, $0xb8;
	[tilespmem:$0x4580] =	vst v63  }
0x44: {  	_ =	swait.ge @!p0 [sflag:s18], $0x50  }
0x45: {  	s17 =	simm.s32 $0x1;
	[sflag:s18] =	ssyncset.done @!p0 $0x0  }
.LBB2_2:
0x46: {  	[sflag:s18] =	ssyncadd.s32 @!p0 $0xFFFFFFB0  }
0x47: {  	s16 =	sadd.s32 $0x80, s16;
	s18 =	smov.u32 s17;
	s17 =	sadd.s32 $0x1, s17  }
0x48: {  	p1 =	sne.s32 s17, $0x80  }
0x49: {  	[spmem:s2] =	stream.indirect.scatter.add.f32 [tilespmem:s11], [sflag:$0x1], $0x1, s16, s10, $0xb8;
	[tilespmem:$0x4580] =	vst v63  }
.Ltmp0:
0x4a: {  	_ = 	snop;
	(pc) =	sbr.rel @p1 .LBB2_2-.Ltmp0, $4  }
0x4b: {  	p0 =	slt.u32 s18, $0x10  }
0x4c: {  	s18 =	simm.s32 @!p0 $0x1  }
0x4d: {  	_ =	swait.ge @!p0 [sflag:s18], $0x50  }
0x4e: {  	[sflag:s18] =	ssyncset.done @!p0 $0x0  }
0x4f: {  	[sflag:s18] =	ssyncadd.s32 @!p0 $0xFFFFFFB0  }
0x50: {  	_ =	swait.ge [sflag:s12], $0x50  }
0x51: {  	[sflag:s12] =	ssyncset.done $0x0  }
0x52: {  	[sflag:s12] =	ssyncadd.s32 $0xFFFFFFB0  }
0x53: {  	_ =	swait.ge [sflag:s12], $0x50  }
0x54: {  	[sflag:s12] =	ssyncset.done $0x0  }
0x55: {  	[sflag:s12] =	ssyncadd.s32 $0xFFFFFFB0  }
0x56: {  	_ =	swait.ge [sflag:s12], $0x50  }
0x57: {  	[sflag:s12] =	ssyncset.done $0x0  }
0x58: {  	[sflag:s12] =	ssyncadd.s32 $0xFFFFFFB0  }
0x59: {  	_ =	swait.ge [sflag:s12], $0x50  }
0x5a: {  	[sflag:s12] =	ssyncset.done $0x0  }
0x5b: {  	[sflag:s12] =	ssyncadd.s32 $0xFFFFFFB0  }
0x5c: {  	_ =	swait.ge [sflag:s12], $0x50  }
0x5d: {  	[sflag:s12] =	ssyncset.done $0x0  }
0x5e: {  	[sflag:s12] =	ssyncadd.s32 $0xFFFFFFB0  }
0x5f: {  	_ =	swait.ge [sflag:s12], $0x50  }
0x60: {  	[sflag:s12] =	ssyncset.done $0x0  }
0x61: {  	[sflag:s12] =	ssyncadd.s32 $0xFFFFFFB0  }
0x62: {  	_ =	swait.ge [sflag:s12], $0x50  }
0x63: {  	[sflag:s12] =	ssyncset.done $0x0  }
0x64: {  	[sflag:s12] =	ssyncadd.s32 $0xFFFFFFB0  }
0x65: {  	_ =	swait.ge [sflag:s12], $0x50  }
0x66: {  	[sflag:s12] =	ssyncset.done $0x0  }
0x67: {  	[sflag:s12] =	ssyncadd.s32 $0xFFFFFFB0  }
0x68: {  	_ =	swait.ge [sflag:s12], $0x50  }
0x69: {  	[sflag:s12] =	ssyncset.done $0x0  }
0x6a: {  	[sflag:s12] =	ssyncadd.s32 $0xFFFFFFB0  }
0x6b: {  	_ =	swait.ge [sflag:s12], $0x50  }
0x6c: {  	[sflag:s12] =	ssyncset.done $0x0  }
0x6d: {  	[sflag:s12] =	ssyncadd.s32 $0xFFFFFFB0  }
0x6e: {  	_ =	swait.ge [sflag:s12], $0x50  }
0x6f: {  	[sflag:s12] =	ssyncset.done $0x0  }
0x70: {  	[sflag:s12] =	ssyncadd.s32 $0xFFFFFFB0  }
0x71: {  	_ =	swait.ge [sflag:s12], $0x50  }
0x72: {  	[sflag:s12] =	ssyncset.done $0x0  }
0x73: {  	[sflag:s12] =	ssyncadd.s32 $0xFFFFFFB0  }
0x74: {  	_ =	swait.ge [sflag:s12], $0x50  }
0x75: {  	[sflag:s12] =	ssyncset.done $0x0  }
0x76: {  	[sflag:s12] =	ssyncadd.s32 $0xFFFFFFB0  }
0x77: {  	_ =	swait.ge [sflag:s12], $0x50  }
0x78: {  	[sflag:s12] =	ssyncset.done $0x0  }
0x79: {  	[sflag:s12] =	ssyncadd.s32 $0xFFFFFFB0  }
0x7a: {  	_ =	swait.ge [sflag:s12], $0x50  }
0x7b: {  	[sflag:s12] =	ssyncset.done $0x0  }
0x7c: {  	[sflag:s12] =	ssyncadd.s32 $0xFFFFFFB0  }
0x7d: {  	_ =	swait.ge [sflag:s12], $0x50  }
0x7e: {  	s15 =	sadd.s32 $0x1, s15;
	[sflag:s12] =	ssyncset.done $0x0  }
0x7f: {  	p0 =	sne.s32 s15, s7;
	[sflag:s12] =	ssyncadd.s32 $0xFFFFFFB0  }
.Ltmp1:
0x80: {  	[bflag:$0x0] =	sbarrier.arrive $0xFFFF;
	(pc) =	sbr.rel @p0 .LBB2_1-.Ltmp1, $4  }
0x81: {  	[hbm:s6], [sflag:s13] =	dma.local [spmem:s14], $0x50  }
0x82: {  	_ =	swait.ge [sflag:s9], $0x50  }
0x83: {  	[sflag:s9] =	ssyncset.done $0x0  }
0x84: {  	[sflag:s9] =	ssyncadd.s32 $0xFFFFFFB0  }
0x85: {  	_ =	sfence.sel $0x180000  }
0x86: {  	[bflag:$0x0] =	sbarrier.arrive $0xFFFF  }
0x87: {  	p0 =	sne.s32 s0, $0x0;
	_ =	strace $0x90000047  }
0x88: {  	s0 =	sadd.s32 @!p0 $0x100000, s1;
	[bflag:$0x2] =	sbarrier.arrive $0xFFFF  }
0x89: {  	[sflag:s0] =	ssyncadd.tile.s32 @!p0 $0x1;
	_ =	shalt  }
.Lfunc_end2:
_tile_overlayer_lowered:
.L_overlay_start_2:
0x8a: {  	(tag) =	ssettag $0x2  }
0x8b: {  	s0 =	rddreg [dreg:$0x0];
	s2 =	stileid.u32  }
0x8c: {  	s1 =	rddreg [dreg:$0x1];
	p0 =	sne.s32 s2, $0x0  }
0x8d: {  	s3 =	rddreg [dreg:$0x2];
	[bflag:$0x3] =	sbarrier.arrive $0xFFFF;
	s2 =	simm.s32 @!p0 $0x1C02  }
0x8e: {  	[timem:s3], [sflag:s2] =	dma.local @!p0 [hbm:s0], s1  }
0x8f: {  	s0 =	simm.s32 @!p0 $0x2  }
0x90: {  	_ =	swait.ge @!p0 [sflag:s0], s1  }
0x91: {  	s1 =	ssub.s32 @!p0 $0x0, s1;
	[sflag:s0] =	ssyncset.done @!p0 $0x0  }
0x92: {  	[sflag:s0] =	ssyncadd.s32 @!p0 s1  }
0x93: {  	[bflag:$0x3] =	sbarrier.arrive $0xFFFF  }
0x94: {  	_ =	shalt  }

</sc_bundles>
